<compile_context>
chip_gen: v7x
topology: tpu7x:2x2x1
jax: 0.10.2.dev20260603
libtpu: 0.0.44.dev20260713+nightly
codegen_flags: <defaults>
</compile_context>

<pallas_src>
import functools

import jax
import jax.numpy as jnp
from jax import lax
from jax.experimental import pallas as pl
from jax.experimental.pallas import tpu as pltpu
from jax.experimental.pallas import tpu_sc as plsc

N = 9999
E = 160000
NP = 10240
NC = 2
NS = 16
EPT = E // NS
K = 400
RPT = NP // NS
NE3 = N // 3

_HIGH = lax.Precision.HIGHEST
_GDN = lax.GatherDimensionNumbers(offset_dims=(), collapsed_slice_dims=(0,),
                                  start_index_map=(0,))


def _vsplat(vec, h):
    idx = jnp.full((16, 1), h, jnp.int32)
    return lax.gather(vec, idx, _GDN, (1,),
                      mode=lax.GatherScatterMode.PROMISE_IN_BOUNDS)


def _dot(a, b):
    return lax.dot_general(a, b, (((1,), (0,)), ((), ())),
                           precision=_HIGH, preferred_element_type=jnp.float32)



def _tc1_body(x_ref, w_ref, al_ref, ar_ref, feat_ref, el_ref, er_ref):
    x = x_ref[...]
    f = _dot(x, w_ref[...])
    feat_ref[0] = f[:, 0:64]
    feat_ref[1] = f[:, 64:128]
    feat_ref[2] = f[:, 128:192]
    feat_ref[3] = f[:, 192:256]
    el = _dot(x, al_ref[...])
    er = _dot(x, ar_ref[...])
    el_ref[0] = el[:, :16]
    el_ref[1] = el[:, 16:]
    er_ref[0] = er[:, :16]
    er_ref[1] = er[:, 16:]


def _elu(v):
    return jnp.where(v > 0, v, jnp.exp(v) - 1.0)


def _tc2_body(agg_ref, b0_ref, w1a_ref, w1b_ref, ba_ref, bb_ref,
              feat1_ref, el1_ref, er1_ref):
    ha = _elu(jnp.concatenate([agg_ref[0], agg_ref[1]], axis=1) + b0_ref[0])
    hb = _elu(jnp.concatenate([agg_ref[2], agg_ref[3]], axis=1) + b0_ref[1])
    f1 = _dot(ha, w1a_ref[...]) + _dot(hb, w1b_ref[...])
    feat1_ref[0] = f1[:, :16]
    feat1_ref[1] = f1[:, 16:]
    elr = _dot(ha, ba_ref[...]) + _dot(hb, bb_ref[...])
    el1_ref[0] = elr[:, :16]
    el1_ref[1] = elr[:, :16]
    er1_ref[0] = elr[:, 16:]
    er1_ref[1] = elr[:, 16:]


def _tc3_body(agg1_ref, b1_ref, dlt_ref, p1w_ref, p1b_ref, p2w_ref, p2b_ref,
              p3w_ref, p3b_ref, pos_ref, neg_ref):
    h = jnp.concatenate([agg1_ref[0], agg1_ref[1]], axis=1)
    h = h + b1_ref[...] + dlt_ref[0, 0]

    def mlp(z):
        z = jnp.maximum(_dot(z, p1w_ref[...]) + p1b_ref[...], 0.0)
        z = jnp.maximum(_dot(z, p2w_ref[...]) + p2b_ref[...], 0.0)
        return _dot(z, p3w_ref[...]) + p3b_ref[...]

    s = h[0:NE3]
    pos_ref[...] = mlp(s * h[NE3:2 * NE3])
    neg_ref[...] = mlp(s * h[2 * NE3:3 * NE3])



def _edge_body(RC, NQ, HPQ, NJ,
               src_hbm, dst_hbm, el_hbm, er_hbm, feat_hbm, zeros_hbm,
               zeros16_hbm, out_hbm,
               srcb, dstb, elb, erb, eb, ssb, featb,
               ssum_sp, acc_sp):
    c = lax.axis_index("c")
    s = lax.axis_index("s")
    r0 = s * RPT
    base = s * EPT

    pltpu.sync_copy(zeros16_hbm.at[pl.ds(r0, RPT)],
                    ssum_sp.at[pl.ds(r0, RPT)])
    plsc.subcore_barrier()

    def load_chunk(i):
        off = base + i * K
        pltpu.sync_copy(src_hbm.at[pl.ds(off, K)], srcb)
        pltpu.sync_copy(dst_hbm.at[pl.ds(off, K)], dstb)
        pltpu.sync_copy(el_hbm.at[c].at[srcb], elb)
        pltpu.sync_copy(er_hbm.at[c].at[dstb], erb)

    def exp_logits(k, into_ref):
        v = elb[k] + erb[k]
        v = jnp.where(v >= 0, v, 0.2 * v)
        ev = jnp.exp(v)
        into_ref[k] = ev
        return ev

    def ph1_chunk(i, carry):
        load_chunk(i)

        def rowloop(k2, cc):
            for u in range(4):
                exp_logits(k2 * 4 + u, eb)
            return cc
        lax.fori_loop(0, K // 4, rowloop, 0)
        pltpu.sync_copy(eb, ssum_sp.at[dstb], add=True)
        return carry
    lax.fori_loop(0, EPT // K, ph1_chunk, 0)
    plsc.subcore_barrier()

    for q in range(NQ):
        pltpu.sync_copy(zeros_hbm.at[pl.ds(r0, RPT)],
                        acc_sp.at[pl.ds(r0, RPT)])
        plsc.subcore_barrier()

        def ph2_chunk(i, carry):
            load_chunk(i)
            pltpu.sync_copy(ssum_sp.at[dstb], ssb)
            pltpu.sync_copy(feat_hbm.at[c * NQ + q].at[srcb], featb)

            def edge_scale(k2, cc):
                for u in range(2):
                    k = k2 * 2 + u
                    ev = exp_logits(k, eb)
                    av_row = ev / (ssb[k] + 1e-9)
                    for h in range(HPQ):
                        sp = _vsplat(av_row, q * HPQ + h)
                        for jj in range(NJ):
                            cs = h * 32 + jj * 16
                            featb[k, pl.ds(cs, 16)] = (
                                featb[k, pl.ds(cs, 16)] * sp)
                return cc
            lax.fori_loop(0, K // 2, edge_scale, 0)
            pltpu.sync_copy(featb, acc_sp.at[dstb], add=True)
            return carry
        lax.fori_loop(0, EPT // K, ph2_chunk, 0)
        plsc.subcore_barrier()

        pltpu.sync_copy(acc_sp.at[pl.ds(r0, RPT)],
                        out_hbm.at[c * NQ + q, pl.ds(r0, RPT)])
        plsc.subcore_barrier()


def _make_edge_kernel(RC, NQ, HPQ, NJ):
    mesh = plsc.VectorSubcoreMesh(core_axis_name="c", subcore_axis_name="s")
    return pl.kernel(
        functools.partial(_edge_body, RC, NQ, HPQ, NJ),
        out_type=jax.ShapeDtypeStruct((NC * NQ, NP, RC), jnp.float32),
        mesh=mesh,
        compiler_params=pltpu.CompilerParams(use_tc_tiling_on_sc=False),
        scratch_types=[
            pltpu.VMEM((K,), jnp.int32),
            pltpu.VMEM((K,), jnp.int32),
            pltpu.VMEM((K, 16), jnp.float32),
            pltpu.VMEM((K, 16), jnp.float32),
            pltpu.VMEM((K, 16), jnp.float32),
            pltpu.VMEM((K, 16), jnp.float32),
            pltpu.VMEM((K, RC), jnp.float32),
            pltpu.VMEM_SHARED((NP, 16), jnp.float32),
            pltpu.VMEM_SHARED((NP, RC), jnp.float32),
        ],
    )


_edge_l0 = _make_edge_kernel(64, 2, 2, 2)
_edge_l1 = _make_edge_kernel(16, 1, 1, 1)



def _head_fold(W, avec, H):
    return (W * avec[None, :]).reshape(W.shape[0], H, 32).sum(-1)


def _pad16(A):
    D8 = A.shape[0]
    out = jnp.zeros((D8, 2, 16), A.dtype)
    out = out.at[:, 0, :4].set(A[:, :4])
    out = out.at[:, 1, :4].set(A[:, 4:])
    return out.reshape(D8, 32)


def kernel(x, edge_index, W0, al0, ar0, b0, W1, al1, ar1, b1,
           p1w, p1b, p2w, p2b, p3w, p3b, neg_sample_ratio):
    src = edge_index[0].astype(jnp.int32)
    dst = edge_index[1].astype(jnp.int32)

    AL0 = _pad16(_head_fold(W0, al0.reshape(-1), 8))
    AR0 = _pad16(_head_fold(W0, ar0.reshape(-1), 8))
    AL1 = (W1 * al1.reshape(-1)[None, :]).sum(-1)
    AR1 = (W1 * ar1.reshape(-1)[None, :]).sum(-1)
    alr1 = jnp.zeros((256, 32), jnp.float32)
    alr1 = alr1.at[:, 0].set(AL1).at[:, 16].set(AR1)

    xp = jnp.pad(x, ((0, NP - N), (0, 0)))

    BR = 1024
    nb = NP // BR
    feat0, el0, er0 = pl.pallas_call(
        _tc1_body,
        grid=(nb,),
        in_specs=[
            pl.BlockSpec((BR, 128), lambda i: (i, 0)),
            pl.BlockSpec((128, 256), lambda i: (0, 0)),
            pl.BlockSpec((128, 32), lambda i: (0, 0)),
            pl.BlockSpec((128, 32), lambda i: (0, 0)),
        ],
        out_specs=[
            pl.BlockSpec((4, BR, 64), lambda i: (0, i, 0)),
            pl.BlockSpec((NC, BR, 16), lambda i: (0, i, 0)),
            pl.BlockSpec((NC, BR, 16), lambda i: (0, i, 0)),
        ],
        out_shape=[
            jax.ShapeDtypeStruct((4, NP, 64), jnp.float32),
            jax.ShapeDtypeStruct((NC, NP, 16), jnp.float32),
            jax.ShapeDtypeStruct((NC, NP, 16), jnp.float32),
        ],
    )(xp, W0, AL0, AR0)

    zeros16 = jnp.zeros((NP, 16), jnp.float32)
    zeros0 = jnp.zeros((NP, 64), jnp.float32)
    agg0 = _edge_l0(src, dst, el0, er0, feat0, zeros0, zeros16)

    b0h = b0.reshape(NC, 1, 128)
    feat1, el1, er1 = pl.pallas_call(
        _tc2_body,
        grid=(nb,),
        in_specs=[
            pl.BlockSpec((4, BR, 64), lambda i: (0, i, 0)),
            pl.BlockSpec((NC, 1, 128), lambda i: (0, 0, 0)),
            pl.BlockSpec((128, 32), lambda i: (0, 0)),
            pl.BlockSpec((128, 32), lambda i: (0, 0)),
            pl.BlockSpec((128, 32), lambda i: (0, 0)),
            pl.BlockSpec((128, 32), lambda i: (0, 0)),
        ],
        out_specs=[
            pl.BlockSpec((NC, BR, 16), lambda i: (0, i, 0)),
            pl.BlockSpec((NC, BR, 16), lambda i: (0, i, 0)),
            pl.BlockSpec((NC, BR, 16), lambda i: (0, i, 0)),
        ],
        out_shape=[
            jax.ShapeDtypeStruct((NC, NP, 16), jnp.float32),
            jax.ShapeDtypeStruct((NC, NP, 16), jnp.float32),
            jax.ShapeDtypeStruct((NC, NP, 16), jnp.float32),
        ],
    )(agg0, b0h, W1[:128], W1[128:], alr1[:128], alr1[128:])

    agg1 = _edge_l1(src, dst, el1, er1, feat1, zeros16, zeros16)

    dlt = (jnp.asarray(neg_sample_ratio, jnp.float32) - 1.0).reshape(1, 1)
    h_pos, h_neg = pl.pallas_call(
        _tc3_body,
        out_shape=[
            jax.ShapeDtypeStruct((NE3, 1), jnp.float32),
            jax.ShapeDtypeStruct((NE3, 1), jnp.float32),
        ],
    )(agg1, b1.reshape(1, 32), dlt, p1w, p1b.reshape(1, 32),
      p2w, p2b.reshape(1, 32), p3w, p3b.reshape(1, 1))

    return (h_pos, h_neg)

# --- scband reference (transcript-rebuilt; emitter-appended) ---
"""Pipeline reference for scband-gat-65970697666939 (READ-ONLY COPY).

The authoritative reference and input builder live on the scoring server;
editing this copy changes nothing except your own understanding.
"""

import jax, jax.numpy as jnp
import numpy as np

N_NODES = 9999
N_EDGES = 160000
D_IN = 128
D_OUT = 32
HEADS = [8, 1]


def setup_inputs(seed: int = 0):
    key = jax.random.key(seed)
    ks = jax.random.split(key, 20)
    s = 0.1
    inp = {
        'x': jax.random.normal(ks[0], (N_NODES, D_IN), dtype=jnp.float32),
        'edge_index': jax.random.randint(ks[1], (2, N_EDGES), 0, N_NODES),
        'W0': jax.random.normal(ks[2], (D_IN, HEADS[0] * D_OUT), dtype=jnp.float32) * s,
        'al0': jax.random.normal(ks[3], (HEADS[0], D_OUT), dtype=jnp.float32) * s,
        'ar0': jax.random.normal(ks[4], (HEADS[0], D_OUT), dtype=jnp.float32) * s,
        'b0': jnp.zeros((HEADS[0] * D_OUT,), dtype=jnp.float32),
        'W1': jax.random.normal(ks[5], (HEADS[0] * D_OUT, HEADS[1] * D_OUT), dtype=jnp.float32) * s,
        'al1': jax.random.normal(ks[6], (HEADS[1], D_OUT), dtype=jnp.float32) * s,
        'ar1': jax.random.normal(ks[7], (HEADS[1], D_OUT), dtype=jnp.float32) * s,
        'b1': jnp.zeros((HEADS[1] * D_OUT,), dtype=jnp.float32),
        'p1w': jax.random.normal(ks[8], (D_OUT, D_OUT), dtype=jnp.float32) * s,
        'p1b': jnp.zeros((D_OUT,), dtype=jnp.float32),
        'p2w': jax.random.normal(ks[9], (D_OUT, D_OUT), dtype=jnp.float32) * s,
        'p2b': jnp.zeros((D_OUT,), dtype=jnp.float32),
        'p3w': jax.random.normal(ks[10], (D_OUT, 1), dtype=jnp.float32) * s,
        'p3b': jnp.zeros((1,), dtype=jnp.float32),
        'neg_sample_ratio': 1,
    }
    return inp


def _edge_softmax(logits, dst, num_nodes):
    m = jax.ops.segment_max(logits, dst, num_segments=num_nodes)
    m = jnp.where(jnp.isfinite(m), m, 0.0)
    e = jnp.exp(logits - m[dst])
    ssum = jax.ops.segment_sum(e, dst, num_segments=num_nodes)
    return e / (ssum[dst] + 1e-9)


def _gat_layer(x, src, dst, W, al, ar, b, H, dout, num_nodes, act):
    feat = (x @ W).reshape(num_nodes, H, dout)
    el = (feat * al[None, :, :]).sum(-1)
    er = (feat * ar[None, :, :]).sum(-1)
    e = jax.nn.leaky_relu(el[src] + er[dst], negative_slope=0.2)
    a = _edge_softmax(e, dst, num_nodes)
    msg = feat[src] * a[:, :, None]
    rst = jax.ops.segment_sum(msg, dst, num_segments=num_nodes)
    rst = rst + b.reshape(1, H, dout)
    if act is not None:
        rst = act(rst)
    return rst


def reference(x, edge_index, W0, al0, ar0, b0, W1, al1, ar1, b1, p1w, p1b, p2w, p2b, p3w, p3b, neg_sample_ratio=1):
    src = edge_index[0]
    dst = edge_index[1]
    n = x.shape[0]
    h = _gat_layer(x, src, dst, W0, al0, ar0, b0, HEADS[0], D_OUT, n, jax.nn.elu)
    h = h.reshape(n, HEADS[0] * D_OUT)
    h = _gat_layer(h, src, dst, W1, al1, ar1, b1, HEADS[1], D_OUT, n, None)
    h = h.mean(axis=1)
    nsr = 1
    h = h + jnp.asarray(neg_sample_ratio - nsr, dtype=h.dtype)
    num_edge = h.shape[0] // (nsr + 2)
    src_h = h[:num_edge]
    pos_dst_h = h[num_edge:2 * num_edge]
    neg_dst_h = h[2 * num_edge:]

    def pred(z):
        z = jax.nn.relu(z @ p1w + p1b)
        z = jax.nn.relu(z @ p2w + p2b)
        return z @ p3w + p3b

    h_pos = pred(src_h * pos_dst_h)
    h_neg = pred(jnp.tile(src_h, (nsr, 1)) * neg_dst_h)
    return (h_pos, h_neg)

if __name__ == "__main__":
    import jax
    _d = setup_inputs()
    print(jax.jit(kernel)(*tuple(_d.values())))

</pallas_src>

<mosaic_0001>
#map = affine_map<(d0, d1) -> (0)>
#map1 = affine_map<(d0, d1) -> (0, 0, 0)>
#map2 = affine_map<(d0, d1) -> (0, 0)>
module attributes {stable_mosaic.version = 14 : i64} {
  func.func @_edge_body(%arg0: i32, %arg1: i32, %arg2: memref<160000xi32, #tpu.memory_space<hbm>>, %arg3: memref<160000xi32, #tpu.memory_space<hbm>>, %arg4: memref<2x10240x16xf32, #tpu.memory_space<hbm>>, %arg5: memref<2x10240x16xf32, #tpu.memory_space<hbm>>, %arg6: memref<4x10240x64xf32, #tpu.memory_space<hbm>>, %arg7: memref<10240x64xf32, #tpu.memory_space<hbm>>, %arg8: memref<10240x16xf32, #tpu.memory_space<hbm>>, %arg9: memref<4x10240x64xf32, #tpu.memory_space<hbm>>, %arg10: memref<400xi32, #tpu.memory_space<vmem>>, %arg11: memref<400xi32, #tpu.memory_space<vmem>>, %arg12: memref<400x16xf32, #tpu.memory_space<vmem>>, %arg13: memref<400x16xf32, #tpu.memory_space<vmem>>, %arg14: memref<400x16xf32, #tpu.memory_space<vmem>>, %arg15: memref<400x16xf32, #tpu.memory_space<vmem>>, %arg16: memref<400x64xf32, #tpu.memory_space<vmem>>, %arg17: memref<10240x16xf32, #tpu.memory_space<vmem_shared>>, %arg18: memref<10240x64xf32, #tpu.memory_space<vmem_shared>>) attributes {dimension_semantics = [#tpu.dimension_semantics<core_parallel>, #tpu.dimension_semantics<subcore_parallel>], iteration_bounds = array<i64: 2, 16>, scalar_prefetch = 0 : i64, scratch_operands = 9 : i64, tpu.core_type = #tpu.core_type<sc_vector_subcore>, window_params = [{transform_indices = #map}, {transform_indices = #map}, {transform_indices = #map1}, {transform_indices = #map1}, {transform_indices = #map1}, {transform_indices = #map2}, {transform_indices = #map2}, {transform_indices = #map1}]} {
    %mul3A = arith.constant 640 : i32
    %mul3A_0 = arith.muli %arg1, %mul3A : i32
    %mul3A_1 = arith.constant 10000 : i32
    %mul3A_2 = arith.muli %arg1, %mul3A_1 : i32
    "tpu.region"() ({
      %run_scoped3A = tpu.sem_alloc : memref<!tpu.dma_semaphore, #tpu.memory_space<semaphore_mem>>
      %dma_start3A = arith.constant 0 : i32
      %dma_start3A_34 = tpu.memref_slice %arg17[%mul3A_0, %dma_start3A] : memref<10240x16xf32, #tpu.memory_space<vmem_shared>> -> memref<640x16xf32, #tpu.memory_space<vmem_shared>>
      %dma_start3A_35 = arith.constant 0 : i32
      %dma_start3A_36 = tpu.memref_slice %arg8[%mul3A_0, %dma_start3A_35] : memref<10240x16xf32, #tpu.memory_space<hbm>> -> memref<640x16xf32, #tpu.memory_space<hbm>>
      tpu.enqueue_dma source(%dma_start3A_36 : memref<640x16xf32, #tpu.memory_space<hbm>>) target(%dma_start3A_34 : memref<640x16xf32, #tpu.memory_space<vmem_shared>>) target_semaphore(%run_scoped3A : memref<!tpu.dma_semaphore, #tpu.memory_space<semaphore_mem>>)
      %dma_wait3A = arith.constant 0 : i32
      %dma_wait3A_37 = tpu.memref_slice %arg17[%mul3A_0, %dma_wait3A] : memref<10240x16xf32, #tpu.memory_space<vmem_shared>> -> memref<640x16xf32, #tpu.memory_space<vmem_shared>>
      %dma_wait3A_38 = arith.constant 0 : i32
      %dma_wait3A_39 = tpu.memref_slice %arg8[%mul3A_0, %dma_wait3A_38] : memref<10240x16xf32, #tpu.memory_space<hbm>> -> memref<640x16xf32, #tpu.memory_space<hbm>>
      tpu.wait_dma2 semaphore(%run_scoped3A : memref<!tpu.dma_semaphore, #tpu.memory_space<semaphore_mem>>) src(%dma_wait3A_39 : memref<640x16xf32, #tpu.memory_space<hbm>>) dst(%dma_wait3A_37 : memref<640x16xf32, #tpu.memory_space<vmem_shared>>)
      tpu.yield
    }) : () -> ()
    %barrier3A = arith.constant 0 : index
    tpu.barrier barrier_id(%barrier3A)
    %scan3A = arith.constant 0 : i32
    %scan3A_3 = arith.constant 0 : i32
    %scan3A_4 = arith.constant 25 : i32
    %scan3A_5 = arith.addi %scan3A_3, %scan3A_4 : i32
    %scan3A_6 = arith.constant 1 : i32
    scf.for %scan3A_34 = %scan3A_3 to %scan3A_5 step %scan3A_6  : i32 {
      %mul3A_35 = arith.constant 400 : i32
      %mul3A_36 = arith.muli %scan3A_34, %mul3A_35 : i32
      %add3A_37 = arith.addi %mul3A_2, %mul3A_36 : i32
      "tpu.region"() ({
        %run_scoped3A = tpu.sem_alloc : memref<!tpu.dma_semaphore, #tpu.memory_space<semaphore_mem>>
        %dma_start3A = tpu.memref_slice %arg2[%add3A_37] : memref<160000xi32, #tpu.memory_space<hbm>> -> memref<400xi32, #tpu.memory_space<hbm>>
        %dma_start3A_44 = tpu.memref_slice %arg2[%add3A_37] : memref<160000xi32, #tpu.memory_space<hbm>> -> memref<400xi32, #tpu.memory_space<hbm>>
        tpu.enqueue_dma source(%dma_start3A_44 : memref<400xi32, #tpu.memory_space<hbm>>) target(%arg10 : memref<400xi32, #tpu.memory_space<vmem>>) target_semaphore(%run_scoped3A : memref<!tpu.dma_semaphore, #tpu.memory_space<semaphore_mem>>)
        %dma_wait3A = tpu.memref_slice %arg2[%add3A_37] : memref<160000xi32, #tpu.memory_space<hbm>> -> memref<400xi32, #tpu.memory_space<hbm>>
        %dma_wait3A_45 = tpu.memref_slice %arg2[%add3A_37] : memref<160000xi32, #tpu.memory_space<hbm>> -> memref<400xi32, #tpu.memory_space<hbm>>
        tpu.wait_dma2 semaphore(%run_scoped3A : memref<!tpu.dma_semaphore, #tpu.memory_space<semaphore_mem>>) src(%dma_wait3A_45 : memref<400xi32, #tpu.memory_space<hbm>>) dst(%arg10 : memref<400xi32, #tpu.memory_space<vmem>>)
        tpu.yield
      }) : () -> ()
      "tpu.region"() ({
        %run_scoped3A = tpu.sem_alloc : memref<!tpu.dma_semaphore, #tpu.memory_space<semaphore_mem>>
        %dma_start3A = tpu.memref_slice %arg3[%add3A_37] : memref<160000xi32, #tpu.memory_space<hbm>> -> memref<400xi32, #tpu.memory_space<hbm>>
        %dma_start3A_44 = tpu.memref_slice %arg3[%add3A_37] : memref<160000xi32, #tpu.memory_space<hbm>> -> memref<400xi32, #tpu.memory_space<hbm>>
        tpu.enqueue_dma source(%dma_start3A_44 : memref<400xi32, #tpu.memory_space<hbm>>) target(%arg11 : memref<400xi32, #tpu.memory_space<vmem>>) target_semaphore(%run_scoped3A : memref<!tpu.dma_semaphore, #tpu.memory_space<semaphore_mem>>)
        %dma_wait3A = tpu.memref_slice %arg3[%add3A_37] : memref<160000xi32, #tpu.memory_space<hbm>> -> memref<400xi32, #tpu.memory_space<hbm>>
        %dma_wait3A_45 = tpu.memref_slice %arg3[%add3A_37] : memref<160000xi32, #tpu.memory_space<hbm>> -> memref<400xi32, #tpu.memory_space<hbm>>
        tpu.wait_dma2 semaphore(%run_scoped3A : memref<!tpu.dma_semaphore, #tpu.memory_space<semaphore_mem>>) src(%dma_wait3A_45 : memref<400xi32, #tpu.memory_space<hbm>>) dst(%arg11 : memref<400xi32, #tpu.memory_space<vmem>>)
        tpu.yield
      }) : () -> ()
      "tpu.region"() ({
        %run_scoped3A = tpu.sem_alloc : memref<!tpu.dma_semaphore, #tpu.memory_space<semaphore_mem>>
        %dma_start3A = arith.constant 0 : i32
        %dma_start3A_44 = arith.constant 0 : i32
        %dma_start3A_45 = tpu.memref_slice %arg4[%arg0, %dma_start3A, %dma_start3A_44] : memref<2x10240x16xf32, #tpu.memory_space<hbm>> -> memref<1x10240x16xf32, #tpu.memory_space<hbm>>
        %dma_start3A_46 = tpu.memref_squeeze %dma_start3A_45 : memref<1x10240x16xf32, #tpu.memory_space<hbm>> -> memref<10240x16xf32, #tpu.memory_space<hbm>>
        %dma_start3A_47 = arith.constant 0 : i32
        %dma_start3A_48 = arith.constant 0 : i32
        %dma_start3A_49 = tpu.memref_slice %dma_start3A_46[%dma_start3A_47, %dma_start3A_48] : memref<10240x16xf32, #tpu.memory_space<hbm>> -> memref<10240x16xf32, #tpu.memory_space<hbm>>
        tpu.enqueue_indirect_dma source(%dma_start3A_49 : memref<10240x16xf32, #tpu.memory_space<hbm>>) target(%arg12 : memref<400x16xf32, #tpu.memory_space<vmem>>) offsets(%arg10 : memref<400xi32, #tpu.memory_space<vmem>>) semaphore(%run_scoped3A : memref<!tpu.dma_semaphore, #tpu.memory_space<semaphore_mem>>)
        %dma_wait3A = arith.constant 0 : i32
        %dma_wait3A_50 = arith.constant 0 : i32
        %dma_wait3A_51 = tpu.memref_slice %arg4[%arg0, %dma_wait3A, %dma_wait3A_50] : memref<2x10240x16xf32, #tpu.memory_space<hbm>> -> memref<1x10240x16xf32, #tpu.memory_space<hbm>>
        %dma_wait3A_52 = tpu.memref_squeeze %dma_wait3A_51 : memref<1x10240x16xf32, #tpu.memory_space<hbm>> -> memref<10240x16xf32, #tpu.memory_space<hbm>>
        %dma_wait3A_53 = arith.constant 0 : i32
        %dma_wait3A_54 = arith.constant 0 : i32
        %dma_wait3A_55 = tpu.memref_slice %dma_wait3A_52[%dma_wait3A_53, %dma_wait3A_54] : memref<10240x16xf32, #tpu.memory_space<hbm>> -> memref<10240x16xf32, #tpu.memory_space<hbm>>
        tpu.wait_indirect_dma semaphore(%run_scoped3A : memref<!tpu.dma_semaphore, #tpu.memory_space<semaphore_mem>>) src(%dma_wait3A_55 : memref<10240x16xf32, #tpu.memory_space<hbm>>) dst(%arg12 : memref<400x16xf32, #tpu.memory_space<vmem>>)
        tpu.yield
      }) : () -> ()
      "tpu.region"() ({
        %run_scoped3A = tpu.sem_alloc : memref<!tpu.dma_semaphore, #tpu.memory_space<semaphore_mem>>
        %dma_start3A = arith.constant 0 : i32
        %dma_start3A_44 = arith.constant 0 : i32
        %dma_start3A_45 = tpu.memref_slice %arg5[%arg0, %dma_start3A, %dma_start3A_44] : memref<2x10240x16xf32, #tpu.memory_space<hbm>> -> memref<1x10240x16xf32, #tpu.memory_space<hbm>>
        %dma_start3A_46 = tpu.memref_squeeze %dma_start3A_45 : memref<1x10240x16xf32, #tpu.memory_space<hbm>> -> memref<10240x16xf32, #tpu.memory_space<hbm>>
        %dma_start3A_47 = arith.constant 0 : i32
        %dma_start3A_48 = arith.constant 0 : i32
        %dma_start3A_49 = tpu.memref_slice %dma_start3A_46[%dma_start3A_47, %dma_start3A_48] : memref<10240x16xf32, #tpu.memory_space<hbm>> -> memref<10240x16xf32, #tpu.memory_space<hbm>>
        tpu.enqueue_indirect_dma source(%dma_start3A_49 : memref<10240x16xf32, #tpu.memory_space<hbm>>) target(%arg13 : memref<400x16xf32, #tpu.memory_space<vmem>>) offsets(%arg11 : memref<400xi32, #tpu.memory_space<vmem>>) semaphore(%run_scoped3A : memref<!tpu.dma_semaphore, #tpu.memory_space<semaphore_mem>>)
        %dma_wait3A = arith.constant 0 : i32
        %dma_wait3A_50 = arith.constant 0 : i32
        %dma_wait3A_51 = tpu.memref_slice %arg5[%arg0, %dma_wait3A, %dma_wait3A_50] : memref<2x10240x16xf32, #tpu.memory_space<hbm>> -> memref<1x10240x16xf32, #tpu.memory_space<hbm>>
        %dma_wait3A_52 = tpu.memref_squeeze %dma_wait3A_51 : memref<1x10240x16xf32, #tpu.memory_space<hbm>> -> memref<10240x16xf32, #tpu.memory_space<hbm>>
        %dma_wait3A_53 = arith.constant 0 : i32
        %dma_wait3A_54 = arith.constant 0 : i32
        %dma_wait3A_55 = tpu.memref_slice %dma_wait3A_52[%dma_wait3A_53, %dma_wait3A_54] : memref<10240x16xf32, #tpu.memory_space<hbm>> -> memref<10240x16xf32, #tpu.memory_space<hbm>>
        tpu.wait_indirect_dma semaphore(%run_scoped3A : memref<!tpu.dma_semaphore, #tpu.memory_space<semaphore_mem>>) src(%dma_wait3A_55 : memref<10240x16xf32, #tpu.memory_space<hbm>>) dst(%arg13 : memref<400x16xf32, #tpu.memory_space<vmem>>)
        tpu.yield
      }) : () -> ()
      %scan3A_38 = arith.constant 0 : i32
      %scan3A_39 = arith.constant 0 : i32
      %scan3A_40 = arith.constant 100 : i32
      %scan3A_41 = arith.addi %scan3A_39, %scan3A_40 : i32
      %scan3A_42 = arith.constant 1 : i32
      scf.for %scan3A_44 = %scan3A_39 to %scan3A_41 step %scan3A_42  : i32 {
        %mul3A_45 = arith.constant 4 : i32
        %mul3A_46 = arith.muli %scan3A_44, %mul3A_45 : i32
        %add3A_47 = arith.constant 0 : i32
        %add3A_48 = arith.addi %mul3A_46, %add3A_47 : i32
        %get3A = arith.index_cast %add3A_48 : i32 to index
        %get3A_49 = arith.constant 0 : index
        %get3A_50 = tpu.vector_load %arg12[%get3A, %get3A_49] {strides = array<i32>} : memref<400x16xf32, #tpu.memory_space<vmem>>, vector<1x16xf32>,
        %get3A_51 = vector.shape_cast %get3A_50 : vector<1x16xf32> to vector<16xf32>
        %get3A_52 = arith.index_cast %add3A_48 : i32 to index
        %get3A_53 = arith.constant 0 : index
        %get3A_54 = tpu.vector_load %arg13[%get3A_52, %get3A_53] {strides = array<i32>} : memref<400x16xf32, #tpu.memory_space<vmem>>, vector<1x16xf32>,
        %get3A_55 = vector.shape_cast %get3A_54 : vector<1x16xf32> to vector<16xf32>
        %add3A_56 = arith.addf %get3A_51, %get3A_55 : vector<16xf32>
        %ge3A = arith.constant 0.000000e+00 : f32
        %ge3A_57 = vector.broadcast %ge3A : f32 to vector<16xf32>
        %ge3A_58 = arith.cmpf oge, %add3A_56, %ge3A_57 : vector<16xf32>
        %mul3A_59 = arith.constant 2.000000e-01 : f32
        %mul3A_60 = vector.broadcast %mul3A_59 : f32 to vector<16xf32>
        %mul3A_61 = arith.mulf %mul3A_60, %add3A_56 : vector<16xf32>
        %select_n3A = arith.select %ge3A_58, %add3A_56, %mul3A_61 : vector<16xi1>, vector<16xf32>
        %exp3A = math.exp %select_n3A : vector<16xf32>
        %swap3A = arith.index_cast %add3A_48 : i32 to index
        %swap3A_62 = arith.constant 0 : index
        %swap3A_63 = tpu.vector_load %arg14[%swap3A, %swap3A_62] {strides = array<i32>} : memref<400x16xf32, #tpu.memory_space<vmem>>, vector<1x16xf32>,
        %swap3A_64 = vector.shape_cast %swap3A_63 : vector<1x16xf32> to vector<16xf32>
        %swap3A_65 = vector.shape_cast %exp3A : vector<16xf32> to vector<1x16xf32>
        tpu.vector_store %arg14[%swap3A, %swap3A_62], %swap3A_65 {strides = array<i32>} : memref<400x16xf32, #tpu.memory_space<vmem>>, vector<1x16xf32>,
        %mul3A_66 = arith.constant 4 : i32
        %mul3A_67 = arith.muli %scan3A_44, %mul3A_66 : i32
        %add3A_68 = arith.constant 1 : i32
        %add3A_69 = arith.addi %mul3A_67, %add3A_68 : i32
        %get3A_70 = arith.index_cast %add3A_69 : i32 to index
        %get3A_71 = arith.constant 0 : index
        %get3A_72 = tpu.vector_load %arg12[%get3A_70, %get3A_71] {strides = array<i32>} : memref<400x16xf32, #tpu.memory_space<vmem>>, vector<1x16xf32>,
        %get3A_73 = vector.shape_cast %get3A_72 : vector<1x16xf32> to vector<16xf32>
        %get3A_74 = arith.index_cast %add3A_69 : i32 to index
        %get3A_75 = arith.constant 0 : index
        %get3A_76 = tpu.vector_load %arg13[%get3A_74, %get3A_75] {strides = array<i32>} : memref<400x16xf32, #tpu.memory_space<vmem>>, vector<1x16xf32>,
        %get3A_77 = vector.shape_cast %get3A_76 : vector<1x16xf32> to vector<16xf32>
        %add3A_78 = arith.addf %get3A_73, %get3A_77 : vector<16xf32>
        %ge3A_79 = arith.constant 0.000000e+00 : f32
        %ge3A_80 = vector.broadcast %ge3A_79 : f32 to vector<16xf32>
        %ge3A_81 = arith.cmpf oge, %add3A_78, %ge3A_80 : vector<16xf32>
        %mul3A_82 = arith.constant 2.000000e-01 : f32
        %mul3A_83 = vector.broadcast %mul3A_82 : f32 to vector<16xf32>
        %mul3A_84 = arith.mulf %mul3A_83, %add3A_78 : vector<16xf32>
        %select_n3A_85 = arith.select %ge3A_81, %add3A_78, %mul3A_84 : vector<16xi1>, vector<16xf32>
        %exp3A_86 = math.exp %select_n3A_85 : vector<16xf32>
        %swap3A_87 = arith.index_cast %add3A_69 : i32 to index
        %swap3A_88 = arith.constant 0 : index
        %swap3A_89 = tpu.vector_load %arg14[%swap3A_87, %swap3A_88] {strides = array<i32>} : memref<400x16xf32, #tpu.memory_space<vmem>>, vector<1x16xf32>,
        %swap3A_90 = vector.shape_cast %swap3A_89 : vector<1x16xf32> to vector<16xf32>
        %swap3A_91 = vector.shape_cast %exp3A_86 : vector<16xf32> to vector<1x16xf32>
        tpu.vector_store %arg14[%swap3A_87, %swap3A_88], %swap3A_91 {strides = array<i32>} : memref<400x16xf32, #tpu.memory_space<vmem>>, vector<1x16xf32>,
        %mul3A_92 = arith.constant 4 : i32
        %mul3A_93 = arith.muli %scan3A_44, %mul3A_92 : i32
        %add3A_94 = arith.constant 2 : i32
        %add3A_95 = arith.addi %mul3A_93, %add3A_94 : i32
        %get3A_96 = arith.index_cast %add3A_95 : i32 to index
        %get3A_97 = arith.constant 0 : index
        %get3A_98 = tpu.vector_load %arg12[%get3A_96, %get3A_97] {strides = array<i32>} : memref<400x16xf32, #tpu.memory_space<vmem>>, vector<1x16xf32>,
        %get3A_99 = vector.shape_cast %get3A_98 : vector<1x16xf32> to vector<16xf32>
        %get3A_100 = arith.index_cast %add3A_95 : i32 to index
        %get3A_101 = arith.constant 0 : index
        %get3A_102 = tpu.vector_load %arg13[%get3A_100, %get3A_101] {strides = array<i32>} : memref<400x16xf32, #tpu.memory_space<vmem>>, vector<1x16xf32>,
        %get3A_103 = vector.shape_cast %get3A_102 : vector<1x16xf32> to vector<16xf32>
        %add3A_104 = arith.addf %get3A_99, %get3A_103 : vector<16xf32>
        %ge3A_105 = arith.constant 0.000000e+00 : f32
        %ge3A_106 = vector.broadcast %ge3A_105 : f32 to vector<16xf32>
        %ge3A_107 = arith.cmpf oge, %add3A_104, %ge3A_106 : vector<16xf32>
        %mul3A_108 = arith.constant 2.000000e-01 : f32
        %mul3A_109 = vector.broadcast %mul3A_108 : f32 to vector<16xf32>
        %mul3A_110 = arith.mulf %mul3A_109, %add3A_104 : vector<16xf32>
        %select_n3A_111 = arith.select %ge3A_107, %add3A_104, %mul3A_110 : vector<16xi1>, vector<16xf32>
        %exp3A_112 = math.exp %select_n3A_111 : vector<16xf32>
        %swap3A_113 = arith.index_cast %add3A_95 : i32 to index
        %swap3A_114 = arith.constant 0 : index
        %swap3A_115 = tpu.vector_load %arg14[%swap3A_113, %swap3A_114] {strides = array<i32>} : memref<400x16xf32, #tpu.memory_space<vmem>>, vector<1x16xf32>,
        %swap3A_116 = vector.shape_cast %swap3A_115 : vector<1x16xf32> to vector<16xf32>
        %swap3A_117 = vector.shape_cast %exp3A_112 : vector<16xf32> to vector<1x16xf32>
        tpu.vector_store %arg14[%swap3A_113, %swap3A_114], %swap3A_117 {strides = array<i32>} : memref<400x16xf32, #tpu.memory_space<vmem>>, vector<1x16xf32>,
        %mul3A_118 = arith.constant 4 : i32
        %mul3A_119 = arith.muli %scan3A_44, %mul3A_118 : i32
        %add3A_120 = arith.constant 3 : i32
        %add3A_121 = arith.addi %mul3A_119, %add3A_120 : i32
        %get3A_122 = arith.index_cast %add3A_121 : i32 to index
        %get3A_123 = arith.constant 0 : index
        %get3A_124 = tpu.vector_load %arg12[%get3A_122, %get3A_123] {strides = array<i32>} : memref<400x16xf32, #tpu.memory_space<vmem>>, vector<1x16xf32>,
        %get3A_125 = vector.shape_cast %get3A_124 : vector<1x16xf32> to vector<16xf32>
        %get3A_126 = arith.index_cast %add3A_121 : i32 to index
        %get3A_127 = arith.constant 0 : index
        %get3A_128 = tpu.vector_load %arg13[%get3A_126, %get3A_127] {strides = array<i32>} : memref<400x16xf32, #tpu.memory_space<vmem>>, vector<1x16xf32>,
        %get3A_129 = vector.shape_cast %get3A_128 : vector<1x16xf32> to vector<16xf32>
        %add3A_130 = arith.addf %get3A_125, %get3A_129 : vector<16xf32>
        %ge3A_131 = arith.constant 0.000000e+00 : f32
        %ge3A_132 = vector.broadcast %ge3A_131 : f32 to vector<16xf32>
        %ge3A_133 = arith.cmpf oge, %add3A_130, %ge3A_132 : vector<16xf32>
        %mul3A_134 = arith.constant 2.000000e-01 : f32
        %mul3A_135 = vector.broadcast %mul3A_134 : f32 to vector<16xf32>
        %mul3A_136 = arith.mulf %mul3A_135, %add3A_130 : vector<16xf32>
        %select_n3A_137 = arith.select %ge3A_133, %add3A_130, %mul3A_136 : vector<16xi1>, vector<16xf32>
        %exp3A_138 = math.exp %select_n3A_137 : vector<16xf32>
        %swap3A_139 = arith.index_cast %add3A_121 : i32 to index
        %swap3A_140 = arith.constant 0 : index
        %swap3A_141 = tpu.vector_load %arg14[%swap3A_139, %swap3A_140] {strides = array<i32>} : memref<400x16xf32, #tpu.memory_space<vmem>>, vector<1x16xf32>,
        %swap3A_142 = vector.shape_cast %swap3A_141 : vector<1x16xf32> to vector<16xf32>
        %swap3A_143 = vector.shape_cast %exp3A_138 : vector<16xf32> to vector<1x16xf32>
        tpu.vector_store %arg14[%swap3A_139, %swap3A_140], %swap3A_143 {strides = array<i32>} : memref<400x16xf32, #tpu.memory_space<vmem>>, vector<1x16xf32>,
      }
      %scan3A_43 = arith.constant 100 : i32
      "tpu.region"() ({
        %run_scoped3A = tpu.sem_alloc : memref<!tpu.dma_semaphore, #tpu.memory_space<semaphore_mem>>
        %dma_start3A = arith.constant 0 : i32
        %dma_start3A_44 = arith.constant 0 : i32
        %dma_start3A_45 = tpu.memref_slice %arg17[%dma_start3A, %dma_start3A_44] : memref<10240x16xf32, #tpu.memory_space<vmem_shared>> -> memref<10240x16xf32, #tpu.memory_space<vmem_shared>>
        tpu.enqueue_indirect_dma source(%arg14 : memref<400x16xf32, #tpu.memory_space<vmem>>) target(%dma_start3A_45 : memref<10240x16xf32, #tpu.memory_space<vmem_shared>>) offsets(%arg11 : memref<400xi32, #tpu.memory_space<vmem>>) semaphore(%run_scoped3A : memref<!tpu.dma_semaphore, #tpu.memory_space<semaphore_mem>>) {add = true}
        %dma_wait3A = arith.constant 0 : i32
        %dma_wait3A_46 = arith.constant 0 : i32
        %dma_wait3A_47 = tpu.memref_slice %arg17[%dma_wait3A, %dma_wait3A_46] : memref<10240x16xf32, #tpu.memory_space<vmem_shared>> -> memref<10240x16xf32, #tpu.memory_space<vmem_shared>>
        tpu.wait_indirect_dma semaphore(%run_scoped3A : memref<!tpu.dma_semaphore, #tpu.memory_space<semaphore_mem>>) src(%arg14 : memref<400x16xf32, #tpu.memory_space<vmem>>) dst(%dma_wait3A_47 : memref<10240x16xf32, #tpu.memory_space<vmem_shared>>)
        tpu.yield
      }) : () -> ()
    }
    %scan3A_7 = arith.constant 25 : i32
    %barrier3A_8 = arith.constant 0 : index
    tpu.barrier barrier_id(%barrier3A_8)
    "tpu.region"() ({
      %run_scoped3A = tpu.sem_alloc : memref<!tpu.dma_semaphore, #tpu.memory_space<semaphore_mem>>
      %dma_start3A = arith.constant 0 : i32
      %dma_start3A_34 = tpu.memref_slice %arg18[%mul3A_0, %dma_start3A] : memref<10240x64xf32, #tpu.memory_space<vmem_shared>> -> memref<640x64xf32, #tpu.memory_space<vmem_shared>>
      %dma_start3A_35 = arith.constant 0 : i32
      %dma_start3A_36 = tpu.memref_slice %arg7[%mul3A_0, %dma_start3A_35] : memref<10240x64xf32, #tpu.memory_space<hbm>> -> memref<640x64xf32, #tpu.memory_space<hbm>>
      tpu.enqueue_dma source(%dma_start3A_36 : memref<640x64xf32, #tpu.memory_space<hbm>>) target(%dma_start3A_34 : memref<640x64xf32, #tpu.memory_space<vmem_shared>>) target_semaphore(%run_scoped3A : memref<!tpu.dma_semaphore, #tpu.memory_space<semaphore_mem>>)
      %dma_wait3A = arith.constant 0 : i32
      %dma_wait3A_37 = tpu.memref_slice %arg18[%mul3A_0, %dma_wait3A] : memref<10240x64xf32, #tpu.memory_space<vmem_shared>> -> memref<640x64xf32, #tpu.memory_space<vmem_shared>>
      %dma_wait3A_38 = arith.constant 0 : i32
      %dma_wait3A_39 = tpu.memref_slice %arg7[%mul3A_0, %dma_wait3A_38] : memref<10240x64xf32, #tpu.memory_space<hbm>> -> memref<640x64xf32, #tpu.memory_space<hbm>>
      tpu.wait_dma2 semaphore(%run_scoped3A : memref<!tpu.dma_semaphore, #tpu.memory_space<semaphore_mem>>) src(%dma_wait3A_39 : memref<640x64xf32, #tpu.memory_space<hbm>>) dst(%dma_wait3A_37 : memref<640x64xf32, #tpu.memory_space<vmem_shared>>)
      tpu.yield
    }) : () -> ()
    %barrier3A_9 = arith.constant 0 : index
    tpu.barrier barrier_id(%barrier3A_9)
    %scan3A_10 = arith.constant 0 : i32
    %scan3A_11 = arith.constant 0 : i32
    %scan3A_12 = arith.constant 25 : i32
    %scan3A_13 = arith.addi %scan3A_11, %scan3A_12 : i32
    %scan3A_14 = arith.constant 1 : i32
    scf.for %scan3A_34 = %scan3A_11 to %scan3A_13 step %scan3A_14  : i32 {
      %mul3A_35 = arith.constant 400 : i32
      %mul3A_36 = arith.muli %scan3A_34, %mul3A_35 : i32
      %add3A_37 = arith.addi %mul3A_2, %mul3A_36 : i32
      "tpu.region"() ({
        %run_scoped3A = tpu.sem_alloc : memref<!tpu.dma_semaphore, #tpu.memory_space<semaphore_mem>>
        %dma_start3A = tpu.memref_slice %arg2[%add3A_37] : memref<160000xi32, #tpu.memory_space<hbm>> -> memref<400xi32, #tpu.memory_space<hbm>>
        %dma_start3A_48 = tpu.memref_slice %arg2[%add3A_37] : memref<160000xi32, #tpu.memory_space<hbm>> -> memref<400xi32, #tpu.memory_space<hbm>>
        tpu.enqueue_dma source(%dma_start3A_48 : memref<400xi32, #tpu.memory_space<hbm>>) target(%arg10 : memref<400xi32, #tpu.memory_space<vmem>>) target_semaphore(%run_scoped3A : memref<!tpu.dma_semaphore, #tpu.memory_space<semaphore_mem>>)
        %dma_wait3A = tpu.memref_slice %arg2[%add3A_37] : memref<160000xi32, #tpu.memory_space<hbm>> -> memref<400xi32, #tpu.memory_space<hbm>>
        %dma_wait3A_49 = tpu.memref_slice %arg2[%add3A_37] : memref<160000xi32, #tpu.memory_space<hbm>> -> memref<400xi32, #tpu.memory_space<hbm>>
        tpu.wait_dma2 semaphore(%run_scoped3A : memref<!tpu.dma_semaphore, #tpu.memory_space<semaphore_mem>>) src(%dma_wait3A_49 : memref<400xi32, #tpu.memory_space<hbm>>) dst(%arg10 : memref<400xi32, #tpu.memory_space<vmem>>)
        tpu.yield
      }) : () -> ()
      "tpu.region"() ({
        %run_scoped3A = tpu.sem_alloc : memref<!tpu.dma_semaphore, #tpu.memory_space<semaphore_mem>>
        %dma_start3A = tpu.memref_slice %arg3[%add3A_37] : memref<160000xi32, #tpu.memory_space<hbm>> -> memref<400xi32, #tpu.memory_space<hbm>>
        %dma_start3A_48 = tpu.memref_slice %arg3[%add3A_37] : memref<160000xi32, #tpu.memory_space<hbm>> -> memref<400xi32, #tpu.memory_space<hbm>>
        tpu.enqueue_dma source(%dma_start3A_48 : memref<400xi32, #tpu.memory_space<hbm>>) target(%arg11 : memref<400xi32, #tpu.memory_space<vmem>>) target_semaphore(%run_scoped3A : memref<!tpu.dma_semaphore, #tpu.memory_space<semaphore_mem>>)
        %dma_wait3A = tpu.memref_slice %arg3[%add3A_37] : memref<160000xi32, #tpu.memory_space<hbm>> -> memref<400xi32, #tpu.memory_space<hbm>>
        %dma_wait3A_49 = tpu.memref_slice %arg3[%add3A_37] : memref<160000xi32, #tpu.memory_space<hbm>> -> memref<400xi32, #tpu.memory_space<hbm>>
        tpu.wait_dma2 semaphore(%run_scoped3A : memref<!tpu.dma_semaphore, #tpu.memory_space<semaphore_mem>>) src(%dma_wait3A_49 : memref<400xi32, #tpu.memory_space<hbm>>) dst(%arg11 : memref<400xi32, #tpu.memory_space<vmem>>)
        tpu.yield
      }) : () -> ()
      "tpu.region"() ({
        %run_scoped3A = tpu.sem_alloc : memref<!tpu.dma_semaphore, #tpu.memory_space<semaphore_mem>>
        %dma_start3A = arith.constant 0 : i32
        %dma_start3A_48 = arith.constant 0 : i32
        %dma_start3A_49 = tpu.memref_slice %arg4[%arg0, %dma_start3A, %dma_start3A_48] : memref<2x10240x16xf32, #tpu.memory_space<hbm>> -> memref<1x10240x16xf32, #tpu.memory_space<hbm>>
        %dma_start3A_50 = tpu.memref_squeeze %dma_start3A_49 : memref<1x10240x16xf32, #tpu.memory_space<hbm>> -> memref<10240x16xf32, #tpu.memory_space<hbm>>
        %dma_start3A_51 = arith.constant 0 : i32
        %dma_start3A_52 = arith.constant 0 : i32
        %dma_start3A_53 = tpu.memref_slice %dma_start3A_50[%dma_start3A_51, %dma_start3A_52] : memref<10240x16xf32, #tpu.memory_space<hbm>> -> memref<10240x16xf32, #tpu.memory_space<hbm>>
        tpu.enqueue_indirect_dma source(%dma_start3A_53 : memref<10240x16xf32, #tpu.memory_space<hbm>>) target(%arg12 : memref<400x16xf32, #tpu.memory_space<vmem>>) offsets(%arg10 : memref<400xi32, #tpu.memory_space<vmem>>) semaphore(%run_scoped3A : memref<!tpu.dma_semaphore, #tpu.memory_space<semaphore_mem>>)
        %dma_wait3A = arith.constant 0 : i32
        %dma_wait3A_54 = arith.constant 0 : i32
        %dma_wait3A_55 = tpu.memref_slice %arg4[%arg0, %dma_wait3A, %dma_wait3A_54] : memref<2x10240x16xf32, #tpu.memory_space<hbm>> -> memref<1x10240x16xf32, #tpu.memory_space<hbm>>
        %dma_wait3A_56 = tpu.memref_squeeze %dma_wait3A_55 : memref<1x10240x16xf32, #tpu.memory_space<hbm>> -> memref<10240x16xf32, #tpu.memory_space<hbm>>
        %dma_wait3A_57 = arith.constant 0 : i32
        %dma_wait3A_58 = arith.constant 0 : i32
        %dma_wait3A_59 = tpu.memref_slice %dma_wait3A_56[%dma_wait3A_57, %dma_wait3A_58] : memref<10240x16xf32, #tpu.memory_space<hbm>> -> memref<10240x16xf32, #tpu.memory_space<hbm>>
        tpu.wait_indirect_dma semaphore(%run_scoped3A : memref<!tpu.dma_semaphore, #tpu.memory_space<semaphore_mem>>) src(%dma_wait3A_59 : memref<10240x16xf32, #tpu.memory_space<hbm>>) dst(%arg12 : memref<400x16xf32, #tpu.memory_space<vmem>>)
        tpu.yield
      }) : () -> ()
      "tpu.region"() ({
        %run_scoped3A = tpu.sem_alloc : memref<!tpu.dma_semaphore, #tpu.memory_space<semaphore_mem>>
        %dma_start3A = arith.constant 0 : i32
        %dma_start3A_48 = arith.constant 0 : i32
        %dma_start3A_49 = tpu.memref_slice %arg5[%arg0, %dma_start3A, %dma_start3A_48] : memref<2x10240x16xf32, #tpu.memory_space<hbm>> -> memref<1x10240x16xf32, #tpu.memory_space<hbm>>
        %dma_start3A_50 = tpu.memref_squeeze %dma_start3A_49 : memref<1x10240x16xf32, #tpu.memory_space<hbm>> -> memref<10240x16xf32, #tpu.memory_space<hbm>>
        %dma_start3A_51 = arith.constant 0 : i32
        %dma_start3A_52 = arith.constant 0 : i32
        %dma_start3A_53 = tpu.memref_slice %dma_start3A_50[%dma_start3A_51, %dma_start3A_52] : memref<10240x16xf32, #tpu.memory_space<hbm>> -> memref<10240x16xf32, #tpu.memory_space<hbm>>
        tpu.enqueue_indirect_dma source(%dma_start3A_53 : memref<10240x16xf32, #tpu.memory_space<hbm>>) target(%arg13 : memref<400x16xf32, #tpu.memory_space<vmem>>) offsets(%arg11 : memref<400xi32, #tpu.memory_space<vmem>>) semaphore(%run_scoped3A : memref<!tpu.dma_semaphore, #tpu.memory_space<semaphore_mem>>)
        %dma_wait3A = arith.constant 0 : i32
        %dma_wait3A_54 = arith.constant 0 : i32
        %dma_wait3A_55 = tpu.memref_slice %arg5[%arg0, %dma_wait3A, %dma_wait3A_54] : memref<2x10240x16xf32, #tpu.memory_space<hbm>> -> memref<1x10240x16xf32, #tpu.memory_space<hbm>>
        %dma_wait3A_56 = tpu.memref_squeeze %dma_wait3A_55 : memref<1x10240x16xf32, #tpu.memory_space<hbm>> -> memref<10240x16xf32, #tpu.memory_space<hbm>>
        %dma_wait3A_57 = arith.constant 0 : i32
        %dma_wait3A_58 = arith.constant 0 : i32
        %dma_wait3A_59 = tpu.memref_slice %dma_wait3A_56[%dma_wait3A_57, %dma_wait3A_58] : memref<10240x16xf32, #tpu.memory_space<hbm>> -> memref<10240x16xf32, #tpu.memory_space<hbm>>
        tpu.wait_indirect_dma semaphore(%run_scoped3A : memref<!tpu.dma_semaphore, #tpu.memory_space<semaphore_mem>>) src(%dma_wait3A_59 : memref<10240x16xf32, #tpu.memory_space<hbm>>) dst(%arg13 : memref<400x16xf32, #tpu.memory_space<vmem>>)
        tpu.yield
      }) : () -> ()
      "tpu.region"() ({
        %run_scoped3A = tpu.sem_alloc : memref<!tpu.dma_semaphore, #tpu.memory_space<semaphore_mem>>
        %dma_start3A = arith.constant 0 : i32
        %dma_start3A_48 = arith.constant 0 : i32
        %dma_start3A_49 = tpu.memref_slice %arg17[%dma_start3A, %dma_start3A_48] : memref<10240x16xf32, #tpu.memory_space<vmem_shared>> -> memref<10240x16xf32, #tpu.memory_space<vmem_shared>>
        tpu.enqueue_indirect_dma source(%dma_start3A_49 : memref<10240x16xf32, #tpu.memory_space<vmem_shared>>) target(%arg15 : memref<400x16xf32, #tpu.memory_space<vmem>>) offsets(%arg11 : memref<400xi32, #tpu.memory_space<vmem>>) semaphore(%run_scoped3A : memref<!tpu.dma_semaphore, #tpu.memory_space<semaphore_mem>>)
        %dma_wait3A = arith.constant 0 : i32
        %dma_wait3A_50 = arith.constant 0 : i32
        %dma_wait3A_51 = tpu.memref_slice %arg17[%dma_wait3A, %dma_wait3A_50] : memref<10240x16xf32, #tpu.memory_space<vmem_shared>> -> memref<10240x16xf32, #tpu.memory_space<vmem_shared>>
        tpu.wait_indirect_dma semaphore(%run_scoped3A : memref<!tpu.dma_semaphore, #tpu.memory_space<semaphore_mem>>) src(%dma_wait3A_51 : memref<10240x16xf32, #tpu.memory_space<vmem_shared>>) dst(%arg15 : memref<400x16xf32, #tpu.memory_space<vmem>>)
        tpu.yield
      }) : () -> ()
      %mul3A_38 = arith.constant 2 : i32
      %mul3A_39 = arith.muli %arg0, %mul3A_38 : i32
      %add3A_40 = arith.constant 0 : i32
      %add3A_41 = arith.addi %mul3A_39, %add3A_40 : i32
      "tpu.region"() ({
        %run_scoped3A = tpu.sem_alloc : memref<!tpu.dma_semaphore, #tpu.memory_space<semaphore_mem>>
        %dma_start3A = arith.constant 0 : i32
        %dma_start3A_48 = arith.constant 0 : i32
        %dma_start3A_49 = tpu.memref_slice %arg6[%add3A_41, %dma_start3A, %dma_start3A_48] : memref<4x10240x64xf32, #tpu.memory_space<hbm>> -> memref<1x10240x64xf32, #tpu.memory_space<hbm>>
        %dma_start3A_50 = tpu.memref_squeeze %dma_start3A_49 : memref<1x10240x64xf32, #tpu.memory_space<hbm>> -> memref<10240x64xf32, #tpu.memory_space<hbm>>
        %dma_start3A_51 = arith.constant 0 : i32
        %dma_start3A_52 = arith.constant 0 : i32
        %dma_start3A_53 = tpu.memref_slice %dma_start3A_50[%dma_start3A_51, %dma_start3A_52] : memref<10240x64xf32, #tpu.memory_space<hbm>> -> memref<10240x64xf32, #tpu.memory_space<hbm>>
        tpu.enqueue_indirect_dma source(%dma_start3A_53 : memref<10240x64xf32, #tpu.memory_space<hbm>>) target(%arg16 : memref<400x64xf32, #tpu.memory_space<vmem>>) offsets(%arg10 : memref<400xi32, #tpu.memory_space<vmem>>) semaphore(%run_scoped3A : memref<!tpu.dma_semaphore, #tpu.memory_space<semaphore_mem>>)
        %dma_wait3A = arith.constant 0 : i32
        %dma_wait3A_54 = arith.constant 0 : i32
        %dma_wait3A_55 = tpu.memref_slice %arg6[%add3A_41, %dma_wait3A, %dma_wait3A_54] : memref<4x10240x64xf32, #tpu.memory_space<hbm>> -> memref<1x10240x64xf32, #tpu.memory_space<hbm>>
        %dma_wait3A_56 = tpu.memref_squeeze %dma_wait3A_55 : memref<1x10240x64xf32, #tpu.memory_space<hbm>> -> memref<10240x64xf32, #tpu.memory_space<hbm>>
        %dma_wait3A_57 = arith.constant 0 : i32
        %dma_wait3A_58 = arith.constant 0 : i32
        %dma_wait3A_59 = tpu.memref_slice %dma_wait3A_56[%dma_wait3A_57, %dma_wait3A_58] : memref<10240x64xf32, #tpu.memory_space<hbm>> -> memref<10240x64xf32, #tpu.memory_space<hbm>>
        tpu.wait_indirect_dma semaphore(%run_scoped3A : memref<!tpu.dma_semaphore, #tpu.memory_space<semaphore_mem>>) src(%dma_wait3A_59 : memref<10240x64xf32, #tpu.memory_space<hbm>>) dst(%arg16 : memref<400x64xf32, #tpu.memory_space<vmem>>)
        tpu.yield
      }) : () -> ()
      %scan3A_42 = arith.constant 0 : i32
      %scan3A_43 = arith.constant 0 : i32
      %scan3A_44 = arith.constant 200 : i32
      %scan3A_45 = arith.addi %scan3A_43, %scan3A_44 : i32
      %scan3A_46 = arith.constant 1 : i32
      scf.for %scan3A_48 = %scan3A_43 to %scan3A_45 step %scan3A_46  : i32 {
        %mul3A_49 = arith.constant 2 : i32
        %mul3A_50 = arith.muli %scan3A_48, %mul3A_49 : i32
        %add3A_51 = arith.constant 0 : i32
        %add3A_52 = arith.addi %mul3A_50, %add3A_51 : i32
        %get3A = arith.index_cast %add3A_52 : i32 to index
        %get3A_53 = arith.constant 0 : index
        %get3A_54 = tpu.vector_load %arg12[%get3A, %get3A_53] {strides = array<i32>} : memref<400x16xf32, #tpu.memory_space<vmem>>, vector<1x16xf32>,
        %get3A_55 = vector.shape_cast %get3A_54 : vector<1x16xf32> to vector<16xf32>
        %get3A_56 = arith.index_cast %add3A_52 : i32 to index
        %get3A_57 = arith.constant 0 : index
        %get3A_58 = tpu.vector_load %arg13[%get3A_56, %get3A_57] {strides = array<i32>} : memref<400x16xf32, #tpu.memory_space<vmem>>, vector<1x16xf32>,
        %get3A_59 = vector.shape_cast %get3A_58 : vector<1x16xf32> to vector<16xf32>
        %add3A_60 = arith.addf %get3A_55, %get3A_59 : vector<16xf32>
        %ge3A = arith.constant 0.000000e+00 : f32
        %ge3A_61 = vector.broadcast %ge3A : f32 to vector<16xf32>
        %ge3A_62 = arith.cmpf oge, %add3A_60, %ge3A_61 : vector<16xf32>
        %mul3A_63 = arith.constant 2.000000e-01 : f32
        %mul3A_64 = vector.broadcast %mul3A_63 : f32 to vector<16xf32>
        %mul3A_65 = arith.mulf %mul3A_64, %add3A_60 : vector<16xf32>
        %select_n3A = arith.select %ge3A_62, %add3A_60, %mul3A_65 : vector<16xi1>, vector<16xf32>
        %exp3A = math.exp %select_n3A : vector<16xf32>
        %swap3A = arith.index_cast %add3A_52 : i32 to index
        %swap3A_66 = arith.constant 0 : index
        %swap3A_67 = tpu.vector_load %arg14[%swap3A, %swap3A_66] {strides = array<i32>} : memref<400x16xf32, #tpu.memory_space<vmem>>, vector<1x16xf32>,
        %swap3A_68 = vector.shape_cast %swap3A_67 : vector<1x16xf32> to vector<16xf32>
        %swap3A_69 = vector.shape_cast %exp3A : vector<16xf32> to vector<1x16xf32>
        tpu.vector_store %arg14[%swap3A, %swap3A_66], %swap3A_69 {strides = array<i32>} : memref<400x16xf32, #tpu.memory_space<vmem>>, vector<1x16xf32>,
        %get3A_70 = arith.index_cast %add3A_52 : i32 to index
        %get3A_71 = arith.constant 0 : index
        %get3A_72 = tpu.vector_load %arg15[%get3A_70, %get3A_71] {strides = array<i32>} : memref<400x16xf32, #tpu.memory_space<vmem>>, vector<1x16xf32>,
        %get3A_73 = vector.shape_cast %get3A_72 : vector<1x16xf32> to vector<16xf32>
        %add3A_74 = arith.constant 9.99999971E-10 : f32
        %add3A_75 = vector.broadcast %add3A_74 : f32 to vector<16xf32>
        %add3A_76 = arith.addf %get3A_73, %add3A_75 : vector<16xf32>
        %div3A = arith.divf %exp3A, %add3A_76 : vector<16xf32>
        %broadcast_in_dim3A = arith.constant 0 : i32
        %broadcast_in_dim3A_77 = vector.broadcast %broadcast_in_dim3A : i32 to vector<16x1xi32>
        %gather3A = vector.shape_cast %broadcast_in_dim3A_77 : vector<16x1xi32> to vector<16xi32>
        %gather3A_78 = tpu.dynamic_gather %div3A[%gather3A] in [0] : vector<16xf32>, vector<16xi32> -> vector<16xf32>
        %get3A_79 = arith.index_cast %add3A_52 : i32 to index
        %get3A_80 = arith.constant 0 : index
        %get3A_81 = tpu.vector_load %arg16[%get3A_79, %get3A_80] {strides = array<i32>} : memref<400x64xf32, #tpu.memory_space<vmem>>, vector<1x16xf32>,
        %get3A_82 = vector.shape_cast %get3A_81 : vector<1x16xf32> to vector<16xf32>
        %mul3A_83 = arith.mulf %get3A_82, %gather3A_78 : vector<16xf32>
        %swap3A_84 = arith.index_cast %add3A_52 : i32 to index
        %swap3A_85 = arith.constant 0 : index
        %swap3A_86 = tpu.vector_load %arg16[%swap3A_84, %swap3A_85] {strides = array<i32>} : memref<400x64xf32, #tpu.memory_space<vmem>>, vector<1x16xf32>,
        %swap3A_87 = vector.shape_cast %swap3A_86 : vector<1x16xf32> to vector<16xf32>
        %swap3A_88 = vector.shape_cast %mul3A_83 : vector<16xf32> to vector<1x16xf32>
        tpu.vector_store %arg16[%swap3A_84, %swap3A_85], %swap3A_88 {strides = array<i32>} : memref<400x64xf32, #tpu.memory_space<vmem>>, vector<1x16xf32>,
        %get3A_89 = arith.index_cast %add3A_52 : i32 to index
        %get3A_90 = arith.constant 16 : index
        %get3A_91 = tpu.vector_load %arg16[%get3A_89, %get3A_90] {strides = array<i32>} : memref<400x64xf32, #tpu.memory_space<vmem>>, vector<1x16xf32>,
        %get3A_92 = vector.shape_cast %get3A_91 : vector<1x16xf32> to vector<16xf32>
        %mul3A_93 = arith.mulf %get3A_92, %gather3A_78 : vector<16xf32>
        %swap3A_94 = arith.index_cast %add3A_52 : i32 to index
        %swap3A_95 = arith.constant 16 : index
        %swap3A_96 = tpu.vector_load %arg16[%swap3A_94, %swap3A_95] {strides = array<i32>} : memref<400x64xf32, #tpu.memory_space<vmem>>, vector<1x16xf32>,
        %swap3A_97 = vector.shape_cast %swap3A_96 : vector<1x16xf32> to vector<16xf32>
        %swap3A_98 = vector.shape_cast %mul3A_93 : vector<16xf32> to vector<1x16xf32>
        tpu.vector_store %arg16[%swap3A_94, %swap3A_95], %swap3A_98 {strides = array<i32>} : memref<400x64xf32, #tpu.memory_space<vmem>>, vector<1x16xf32>,
        %broadcast_in_dim3A_99 = arith.constant 1 : i32
        %broadcast_in_dim3A_100 = vector.broadcast %broadcast_in_dim3A_99 : i32 to vector<16x1xi32>
        %gather3A_101 = vector.shape_cast %broadcast_in_dim3A_100 : vector<16x1xi32> to vector<16xi32>
        %gather3A_102 = tpu.dynamic_gather %div3A[%gather3A_101] in [0] : vector<16xf32>, vector<16xi32> -> vector<16xf32>
        %get3A_103 = arith.index_cast %add3A_52 : i32 to index
        %get3A_104 = arith.constant 32 : index
        %get3A_105 = tpu.vector_load %arg16[%get3A_103, %get3A_104] {strides = array<i32>} : memref<400x64xf32, #tpu.memory_space<vmem>>, vector<1x16xf32>,
        %get3A_106 = vector.shape_cast %get3A_105 : vector<1x16xf32> to vector<16xf32>
        %mul3A_107 = arith.mulf %get3A_106, %gather3A_102 : vector<16xf32>
        %swap3A_108 = arith.index_cast %add3A_52 : i32 to index
        %swap3A_109 = arith.constant 32 : index
        %swap3A_110 = tpu.vector_load %arg16[%swap3A_108, %swap3A_109] {strides = array<i32>} : memref<400x64xf32, #tpu.memory_space<vmem>>, vector<1x16xf32>,
        %swap3A_111 = vector.shape_cast %swap3A_110 : vector<1x16xf32> to vector<16xf32>
        %swap3A_112 = vector.shape_cast %mul3A_107 : vector<16xf32> to vector<1x16xf32>
        tpu.vector_store %arg16[%swap3A_108, %swap3A_109], %swap3A_112 {strides = array<i32>} : memref<400x64xf32, #tpu.memory_space<vmem>>, vector<1x16xf32>,
        %get3A_113 = arith.index_cast %add3A_52 : i32 to index
        %get3A_114 = arith.constant 48 : index
        %get3A_115 = tpu.vector_load %arg16[%get3A_113, %get3A_114] {strides = array<i32>} : memref<400x64xf32, #tpu.memory_space<vmem>>, vector<1x16xf32>,
        %get3A_116 = vector.shape_cast %get3A_115 : vector<1x16xf32> to vector<16xf32>
        %mul3A_117 = arith.mulf %get3A_116, %gather3A_102 : vector<16xf32>
        %swap3A_118 = arith.index_cast %add3A_52 : i32 to index
        %swap3A_119 = arith.constant 48 : index
        %swap3A_120 = tpu.vector_load %arg16[%swap3A_118, %swap3A_119] {strides = array<i32>} : memref<400x64xf32, #tpu.memory_space<vmem>>, vector<1x16xf32>,
        %swap3A_121 = vector.shape_cast %swap3A_120 : vector<1x16xf32> to vector<16xf32>
        %swap3A_122 = vector.shape_cast %mul3A_117 : vector<16xf32> to vector<1x16xf32>
        tpu.vector_store %arg16[%swap3A_118, %swap3A_119], %swap3A_122 {strides = array<i32>} : memref<400x64xf32, #tpu.memory_space<vmem>>, vector<1x16xf32>,
        %mul3A_123 = arith.constant 2 : i32
        %mul3A_124 = arith.muli %scan3A_48, %mul3A_123 : i32
        %add3A_125 = arith.constant 1 : i32
        %add3A_126 = arith.addi %mul3A_124, %add3A_125 : i32
        %get3A_127 = arith.index_cast %add3A_126 : i32 to index
        %get3A_128 = arith.constant 0 : index
        %get3A_129 = tpu.vector_load %arg12[%get3A_127, %get3A_128] {strides = array<i32>} : memref<400x16xf32, #tpu.memory_space<vmem>>, vector<1x16xf32>,
        %get3A_130 = vector.shape_cast %get3A_129 : vector<1x16xf32> to vector<16xf32>
        %get3A_131 = arith.index_cast %add3A_126 : i32 to index
        %get3A_132 = arith.constant 0 : index
        %get3A_133 = tpu.vector_load %arg13[%get3A_131, %get3A_132] {strides = array<i32>} : memref<400x16xf32, #tpu.memory_space<vmem>>, vector<1x16xf32>,
        %get3A_134 = vector.shape_cast %get3A_133 : vector<1x16xf32> to vector<16xf32>
        %add3A_135 = arith.addf %get3A_130, %get3A_134 : vector<16xf32>
        %ge3A_136 = arith.constant 0.000000e+00 : f32
        %ge3A_137 = vector.broadcast %ge3A_136 : f32 to vector<16xf32>
        %ge3A_138 = arith.cmpf oge, %add3A_135, %ge3A_137 : vector<16xf32>
        %mul3A_139 = arith.constant 2.000000e-01 : f32
        %mul3A_140 = vector.broadcast %mul3A_139 : f32 to vector<16xf32>
        %mul3A_141 = arith.mulf %mul3A_140, %add3A_135 : vector<16xf32>
        %select_n3A_142 = arith.select %ge3A_138, %add3A_135, %mul3A_141 : vector<16xi1>, vector<16xf32>
        %exp3A_143 = math.exp %select_n3A_142 : vector<16xf32>
        %swap3A_144 = arith.index_cast %add3A_126 : i32 to index
        %swap3A_145 = arith.constant 0 : index
        %swap3A_146 = tpu.vector_load %arg14[%swap3A_144, %swap3A_145] {strides = array<i32>} : memref<400x16xf32, #tpu.memory_space<vmem>>, vector<1x16xf32>,
        %swap3A_147 = vector.shape_cast %swap3A_146 : vector<1x16xf32> to vector<16xf32>
        %swap3A_148 = vector.shape_cast %exp3A_143 : vector<16xf32> to vector<1x16xf32>
        tpu.vector_store %arg14[%swap3A_144, %swap3A_145], %swap3A_148 {strides = array<i32>} : memref<400x16xf32, #tpu.memory_space<vmem>>, vector<1x16xf32>,
        %get3A_149 = arith.index_cast %add3A_126 : i32 to index
        %get3A_150 = arith.constant 0 : index
        %get3A_151 = tpu.vector_load %arg15[%get3A_149, %get3A_150] {strides = array<i32>} : memref<400x16xf32, #tpu.memory_space<vmem>>, vector<1x16xf32>,
        %get3A_152 = vector.shape_cast %get3A_151 : vector<1x16xf32> to vector<16xf32>
        %add3A_153 = arith.constant 9.99999971E-10 : f32
        %add3A_154 = vector.broadcast %add3A_153 : f32 to vector<16xf32>
        %add3A_155 = arith.addf %get3A_152, %add3A_154 : vector<16xf32>
        %div3A_156 = arith.divf %exp3A_143, %add3A_155 : vector<16xf32>
        %broadcast_in_dim3A_157 = arith.constant 0 : i32
        %broadcast_in_dim3A_158 = vector.broadcast %broadcast_in_dim3A_157 : i32 to vector<16x1xi32>
        %gather3A_159 = vector.shape_cast %broadcast_in_dim3A_158 : vector<16x1xi32> to vector<16xi32>
        %gather3A_160 = tpu.dynamic_gather %div3A_156[%gather3A_159] in [0] : vector<16xf32>, vector<16xi32> -> vector<16xf32>
        %get3A_161 = arith.index_cast %add3A_126 : i32 to index
        %get3A_162 = arith.constant 0 : index
        %get3A_163 = tpu.vector_load %arg16[%get3A_161, %get3A_162] {strides = array<i32>} : memref<400x64xf32, #tpu.memory_space<vmem>>, vector<1x16xf32>,
        %get3A_164 = vector.shape_cast %get3A_163 : vector<1x16xf32> to vector<16xf32>
        %mul3A_165 = arith.mulf %get3A_164, %gather3A_160 : vector<16xf32>
        %swap3A_166 = arith.index_cast %add3A_126 : i32 to index
        %swap3A_167 = arith.constant 0 : index
        %swap3A_168 = tpu.vector_load %arg16[%swap3A_166, %swap3A_167] {strides = array<i32>} : memref<400x64xf32, #tpu.memory_space<vmem>>, vector<1x16xf32>,
        %swap3A_169 = vector.shape_cast %swap3A_168 : vector<1x16xf32> to vector<16xf32>
        %swap3A_170 = vector.shape_cast %mul3A_165 : vector<16xf32> to vector<1x16xf32>
        tpu.vector_store %arg16[%swap3A_166, %swap3A_167], %swap3A_170 {strides = array<i32>} : memref<400x64xf32, #tpu.memory_space<vmem>>, vector<1x16xf32>,
        %get3A_171 = arith.index_cast %add3A_126 : i32 to index
        %get3A_172 = arith.constant 16 : index
        %get3A_173 = tpu.vector_load %arg16[%get3A_171, %get3A_172] {strides = array<i32>} : memref<400x64xf32, #tpu.memory_space<vmem>>, vector<1x16xf32>,
        %get3A_174 = vector.shape_cast %get3A_173 : vector<1x16xf32> to vector<16xf32>
        %mul3A_175 = arith.mulf %get3A_174, %gather3A_160 : vector<16xf32>
        %swap3A_176 = arith.index_cast %add3A_126 : i32 to index
        %swap3A_177 = arith.constant 16 : index
        %swap3A_178 = tpu.vector_load %arg16[%swap3A_176, %swap3A_177] {strides = array<i32>} : memref<400x64xf32, #tpu.memory_space<vmem>>, vector<1x16xf32>,
        %swap3A_179 = vector.shape_cast %swap3A_178 : vector<1x16xf32> to vector<16xf32>
        %swap3A_180 = vector.shape_cast %mul3A_175 : vector<16xf32> to vector<1x16xf32>
        tpu.vector_store %arg16[%swap3A_176, %swap3A_177], %swap3A_180 {strides = array<i32>} : memref<400x64xf32, #tpu.memory_space<vmem>>, vector<1x16xf32>,
        %broadcast_in_dim3A_181 = arith.constant 1 : i32
        %broadcast_in_dim3A_182 = vector.broadcast %broadcast_in_dim3A_181 : i32 to vector<16x1xi32>
        %gather3A_183 = vector.shape_cast %broadcast_in_dim3A_182 : vector<16x1xi32> to vector<16xi32>
        %gather3A_184 = tpu.dynamic_gather %div3A_156[%gather3A_183] in [0] : vector<16xf32>, vector<16xi32> -> vector<16xf32>
        %get3A_185 = arith.index_cast %add3A_126 : i32 to index
        %get3A_186 = arith.constant 32 : index
        %get3A_187 = tpu.vector_load %arg16[%get3A_185, %get3A_186] {strides = array<i32>} : memref<400x64xf32, #tpu.memory_space<vmem>>, vector<1x16xf32>,
        %get3A_188 = vector.shape_cast %get3A_187 : vector<1x16xf32> to vector<16xf32>
        %mul3A_189 = arith.mulf %get3A_188, %gather3A_184 : vector<16xf32>
        %swap3A_190 = arith.index_cast %add3A_126 : i32 to index
        %swap3A_191 = arith.constant 32 : index
        %swap3A_192 = tpu.vector_load %arg16[%swap3A_190, %swap3A_191] {strides = array<i32>} : memref<400x64xf32, #tpu.memory_space<vmem>>, vector<1x16xf32>,
        %swap3A_193 = vector.shape_cast %swap3A_192 : vector<1x16xf32> to vector<16xf32>
        %swap3A_194 = vector.shape_cast %mul3A_189 : vector<16xf32> to vector<1x16xf32>
        tpu.vector_store %arg16[%swap3A_190, %swap3A_191], %swap3A_194 {strides = array<i32>} : memref<400x64xf32, #tpu.memory_space<vmem>>, vector<1x16xf32>,
        %get3A_195 = arith.index_cast %add3A_126 : i32 to index
        %get3A_196 = arith.constant 48 : index
        %get3A_197 = tpu.vector_load %arg16[%get3A_195, %get3A_196] {strides = array<i32>} : memref<400x64xf32, #tpu.memory_space<vmem>>, vector<1x16xf32>,
        %get3A_198 = vector.shape_cast %get3A_197 : vector<1x16xf32> to vector<16xf32>
        %mul3A_199 = arith.mulf %get3A_198, %gather3A_184 : vector<16xf32>
        %swap3A_200 = arith.index_cast %add3A_126 : i32 to index
        %swap3A_201 = arith.constant 48 : index
        %swap3A_202 = tpu.vector_load %arg16[%swap3A_200, %swap3A_201] {strides = array<i32>} : memref<400x64xf32, #tpu.memory_space<vmem>>, vector<1x16xf32>,
        %swap3A_203 = vector.shape_cast %swap3A_202 : vector<1x16xf32> to vector<16xf32>
        %swap3A_204 = vector.shape_cast %mul3A_199 : vector<16xf32> to vector<1x16xf32>
        tpu.vector_store %arg16[%swap3A_200, %swap3A_201], %swap3A_204 {strides = array<i32>} : memref<400x64xf32, #tpu.memory_space<vmem>>, vector<1x16xf32>,
      }
      %scan3A_47 = arith.constant 200 : i32
      "tpu.region"() ({
        %run_scoped3A = tpu.sem_alloc : memref<!tpu.dma_semaphore, #tpu.memory_space<semaphore_mem>>
        %dma_start3A = arith.constant 0 : i32
        %dma_start3A_48 = arith.constant 0 : i32
        %dma_start3A_49 = tpu.memref_slice %arg18[%dma_start3A, %dma_start3A_48] : memref<10240x64xf32, #tpu.memory_space<vmem_shared>> -> memref<10240x64xf32, #tpu.memory_space<vmem_shared>>
        tpu.enqueue_indirect_dma source(%arg16 : memref<400x64xf32, #tpu.memory_space<vmem>>) target(%dma_start3A_49 : memref<10240x64xf32, #tpu.memory_space<vmem_shared>>) offsets(%arg11 : memref<400xi32, #tpu.memory_space<vmem>>) semaphore(%run_scoped3A : memref<!tpu.dma_semaphore, #tpu.memory_space<semaphore_mem>>) {add = true}
        %dma_wait3A = arith.constant 0 : i32
        %dma_wait3A_50 = arith.constant 0 : i32
        %dma_wait3A_51 = tpu.memref_slice %arg18[%dma_wait3A, %dma_wait3A_50] : memref<10240x64xf32, #tpu.memory_space<vmem_shared>> -> memref<10240x64xf32, #tpu.memory_space<vmem_shared>>
        tpu.wait_indirect_dma semaphore(%run_scoped3A : memref<!tpu.dma_semaphore, #tpu.memory_space<semaphore_mem>>) src(%arg16 : memref<400x64xf32, #tpu.memory_space<vmem>>) dst(%dma_wait3A_51 : memref<10240x64xf32, #tpu.memory_space<vmem_shared>>)
        tpu.yield
      }) : () -> ()
    }
    %scan3A_15 = arith.constant 25 : i32
    %barrier3A_16 = arith.constant 0 : index
    tpu.barrier barrier_id(%barrier3A_16)
    %mul3A_17 = arith.constant 2 : i32
    %mul3A_18 = arith.muli %arg0, %mul3A_17 : i32
    %add3A = arith.constant 0 : i32
    %add3A_19 = arith.addi %mul3A_18, %add3A : i32
    "tpu.region"() ({
      %run_scoped3A = tpu.sem_alloc : memref<!tpu.dma_semaphore, #tpu.memory_space<semaphore_mem>>
      %dma_start3A = arith.constant 0 : i32
      %dma_start3A_34 = tpu.memref_slice %arg9[%add3A_19, %mul3A_0, %dma_start3A] : memref<4x10240x64xf32, #tpu.memory_space<hbm>> -> memref<1x640x64xf32, #tpu.memory_space<hbm>>
      %dma_start3A_35 = tpu.memref_squeeze %dma_start3A_34 : memref<1x640x64xf32, #tpu.memory_space<hbm>> -> memref<640x64xf32, #tpu.memory_space<hbm>>
      %dma_start3A_36 = arith.constant 0 : i32
      %dma_start3A_37 = tpu.memref_slice %arg18[%mul3A_0, %dma_start3A_36] : memref<10240x64xf32, #tpu.memory_space<vmem_shared>> -> memref<640x64xf32, #tpu.memory_space<vmem_shared>>
      tpu.enqueue_dma source(%dma_start3A_37 : memref<640x64xf32, #tpu.memory_space<vmem_shared>>) target(%dma_start3A_35 : memref<640x64xf32, #tpu.memory_space<hbm>>) target_semaphore(%run_scoped3A : memref<!tpu.dma_semaphore, #tpu.memory_space<semaphore_mem>>)
      %dma_wait3A = arith.constant 0 : i32
      %dma_wait3A_38 = tpu.memref_slice %arg9[%add3A_19, %mul3A_0, %dma_wait3A] : memref<4x10240x64xf32, #tpu.memory_space<hbm>> -> memref<1x640x64xf32, #tpu.memory_space<hbm>>
      %dma_wait3A_39 = tpu.memref_squeeze %dma_wait3A_38 : memref<1x640x64xf32, #tpu.memory_space<hbm>> -> memref<640x64xf32, #tpu.memory_space<hbm>>
      %dma_wait3A_40 = arith.constant 0 : i32
      %dma_wait3A_41 = tpu.memref_slice %arg18[%mul3A_0, %dma_wait3A_40] : memref<10240x64xf32, #tpu.memory_space<vmem_shared>> -> memref<640x64xf32, #tpu.memory_space<vmem_shared>>
      tpu.wait_dma2 semaphore(%run_scoped3A : memref<!tpu.dma_semaphore, #tpu.memory_space<semaphore_mem>>) src(%dma_wait3A_41 : memref<640x64xf32, #tpu.memory_space<vmem_shared>>) dst(%dma_wait3A_39 : memref<640x64xf32, #tpu.memory_space<hbm>>)
      tpu.yield
    }) : () -> ()
    %barrier3A_20 = arith.constant 0 : index
    tpu.barrier barrier_id(%barrier3A_20)
    "tpu.region"() ({
      %run_scoped3A = tpu.sem_alloc : memref<!tpu.dma_semaphore, #tpu.memory_space<semaphore_mem>>
      %dma_start3A = arith.constant 0 : i32
      %dma_start3A_34 = tpu.memref_slice %arg18[%mul3A_0, %dma_start3A] : memref<10240x64xf32, #tpu.memory_space<vmem_shared>> -> memref<640x64xf32, #tpu.memory_space<vmem_shared>>
      %dma_start3A_35 = arith.constant 0 : i32
      %dma_start3A_36 = tpu.memref_slice %arg7[%mul3A_0, %dma_start3A_35] : memref<10240x64xf32, #tpu.memory_space<hbm>> -> memref<640x64xf32, #tpu.memory_space<hbm>>
      tpu.enqueue_dma source(%dma_start3A_36 : memref<640x64xf32, #tpu.memory_space<hbm>>) target(%dma_start3A_34 : memref<640x64xf32, #tpu.memory_space<vmem_shared>>) target_semaphore(%run_scoped3A : memref<!tpu.dma_semaphore, #tpu.memory_space<semaphore_mem>>)
      %dma_wait3A = arith.constant 0 : i32
      %dma_wait3A_37 = tpu.memref_slice %arg18[%mul3A_0, %dma_wait3A] : memref<10240x64xf32, #tpu.memory_space<vmem_shared>> -> memref<640x64xf32, #tpu.memory_space<vmem_shared>>
      %dma_wait3A_38 = arith.constant 0 : i32
      %dma_wait3A_39 = tpu.memref_slice %arg7[%mul3A_0, %dma_wait3A_38] : memref<10240x64xf32, #tpu.memory_space<hbm>> -> memref<640x64xf32, #tpu.memory_space<hbm>>
      tpu.wait_dma2 semaphore(%run_scoped3A : memref<!tpu.dma_semaphore, #tpu.memory_space<semaphore_mem>>) src(%dma_wait3A_39 : memref<640x64xf32, #tpu.memory_space<hbm>>) dst(%dma_wait3A_37 : memref<640x64xf32, #tpu.memory_space<vmem_shared>>)
      tpu.yield
    }) : () -> ()
    %barrier3A_21 = arith.constant 0 : index
    tpu.barrier barrier_id(%barrier3A_21)
    %scan3A_22 = arith.constant 0 : i32
    %scan3A_23 = arith.constant 0 : i32
    %scan3A_24 = arith.constant 25 : i32
    %scan3A_25 = arith.addi %scan3A_23, %scan3A_24 : i32
    %scan3A_26 = arith.constant 1 : i32
    scf.for %scan3A_34 = %scan3A_23 to %scan3A_25 step %scan3A_26  : i32 {
      %mul3A_35 = arith.constant 400 : i32
      %mul3A_36 = arith.muli %scan3A_34, %mul3A_35 : i32
      %add3A_37 = arith.addi %mul3A_2, %mul3A_36 : i32
      "tpu.region"() ({
        %run_scoped3A = tpu.sem_alloc : memref<!tpu.dma_semaphore, #tpu.memory_space<semaphore_mem>>
        %dma_start3A = tpu.memref_slice %arg2[%add3A_37] : memref<160000xi32, #tpu.memory_space<hbm>> -> memref<400xi32, #tpu.memory_space<hbm>>
        %dma_start3A_48 = tpu.memref_slice %arg2[%add3A_37] : memref<160000xi32, #tpu.memory_space<hbm>> -> memref<400xi32, #tpu.memory_space<hbm>>
        tpu.enqueue_dma source(%dma_start3A_48 : memref<400xi32, #tpu.memory_space<hbm>>) target(%arg10 : memref<400xi32, #tpu.memory_space<vmem>>) target_semaphore(%run_scoped3A : memref<!tpu.dma_semaphore, #tpu.memory_space<semaphore_mem>>)
        %dma_wait3A = tpu.memref_slice %arg2[%add3A_37] : memref<160000xi32, #tpu.memory_space<hbm>> -> memref<400xi32, #tpu.memory_space<hbm>>
        %dma_wait3A_49 = tpu.memref_slice %arg2[%add3A_37] : memref<160000xi32, #tpu.memory_space<hbm>> -> memref<400xi32, #tpu.memory_space<hbm>>
        tpu.wait_dma2 semaphore(%run_scoped3A : memref<!tpu.dma_semaphore, #tpu.memory_space<semaphore_mem>>) src(%dma_wait3A_49 : memref<400xi32, #tpu.memory_space<hbm>>) dst(%arg10 : memref<400xi32, #tpu.memory_space<vmem>>)
        tpu.yield
      }) : () -> ()
      "tpu.region"() ({
        %run_scoped3A = tpu.sem_alloc : memref<!tpu.dma_semaphore, #tpu.memory_space<semaphore_mem>>
        %dma_start3A = tpu.memref_slice %arg3[%add3A_37] : memref<160000xi32, #tpu.memory_space<hbm>> -> memref<400xi32, #tpu.memory_space<hbm>>
        %dma_start3A_48 = tpu.memref_slice %arg3[%add3A_37] : memref<160000xi32, #tpu.memory_space<hbm>> -> memref<400xi32, #tpu.memory_space<hbm>>
        tpu.enqueue_dma source(%dma_start3A_48 : memref<400xi32, #tpu.memory_space<hbm>>) target(%arg11 : memref<400xi32, #tpu.memory_space<vmem>>) target_semaphore(%run_scoped3A : memref<!tpu.dma_semaphore, #tpu.memory_space<semaphore_mem>>)
        %dma_wait3A = tpu.memref_slice %arg3[%add3A_37] : memref<160000xi32, #tpu.memory_space<hbm>> -> memref<400xi32, #tpu.memory_space<hbm>>
        %dma_wait3A_49 = tpu.memref_slice %arg3[%add3A_37] : memref<160000xi32, #tpu.memory_space<hbm>> -> memref<400xi32, #tpu.memory_space<hbm>>
        tpu.wait_dma2 semaphore(%run_scoped3A : memref<!tpu.dma_semaphore, #tpu.memory_space<semaphore_mem>>) src(%dma_wait3A_49 : memref<400xi32, #tpu.memory_space<hbm>>) dst(%arg11 : memref<400xi32, #tpu.memory_space<vmem>>)
        tpu.yield
      }) : () -> ()
      "tpu.region"() ({
        %run_scoped3A = tpu.sem_alloc : memref<!tpu.dma_semaphore, #tpu.memory_space<semaphore_mem>>
        %dma_start3A = arith.constant 0 : i32
        %dma_start3A_48 = arith.constant 0 : i32
        %dma_start3A_49 = tpu.memref_slice %arg4[%arg0, %dma_start3A, %dma_start3A_48] : memref<2x10240x16xf32, #tpu.memory_space<hbm>> -> memref<1x10240x16xf32, #tpu.memory_space<hbm>>
        %dma_start3A_50 = tpu.memref_squeeze %dma_start3A_49 : memref<1x10240x16xf32, #tpu.memory_space<hbm>> -> memref<10240x16xf32, #tpu.memory_space<hbm>>
        %dma_start3A_51 = arith.constant 0 : i32
        %dma_start3A_52 = arith.constant 0 : i32
        %dma_start3A_53 = tpu.memref_slice %dma_start3A_50[%dma_start3A_51, %dma_start3A_52] : memref<10240x16xf32, #tpu.memory_space<hbm>> -> memref<10240x16xf32, #tpu.memory_space<hbm>>
        tpu.enqueue_indirect_dma source(%dma_start3A_53 : memref<10240x16xf32, #tpu.memory_space<hbm>>) target(%arg12 : memref<400x16xf32, #tpu.memory_space<vmem>>) offsets(%arg10 : memref<400xi32, #tpu.memory_space<vmem>>) semaphore(%run_scoped3A : memref<!tpu.dma_semaphore, #tpu.memory_space<semaphore_mem>>)
        %dma_wait3A = arith.constant 0 : i32
        %dma_wait3A_54 = arith.constant 0 : i32
        %dma_wait3A_55 = tpu.memref_slice %arg4[%arg0, %dma_wait3A, %dma_wait3A_54] : memref<2x10240x16xf32, #tpu.memory_space<hbm>> -> memref<1x10240x16xf32, #tpu.memory_space<hbm>>
        %dma_wait3A_56 = tpu.memref_squeeze %dma_wait3A_55 : memref<1x10240x16xf32, #tpu.memory_space<hbm>> -> memref<10240x16xf32, #tpu.memory_space<hbm>>
        %dma_wait3A_57 = arith.constant 0 : i32
        %dma_wait3A_58 = arith.constant 0 : i32
        %dma_wait3A_59 = tpu.memref_slice %dma_wait3A_56[%dma_wait3A_57, %dma_wait3A_58] : memref<10240x16xf32, #tpu.memory_space<hbm>> -> memref<10240x16xf32, #tpu.memory_space<hbm>>
        tpu.wait_indirect_dma semaphore(%run_scoped3A : memref<!tpu.dma_semaphore, #tpu.memory_space<semaphore_mem>>) src(%dma_wait3A_59 : memref<10240x16xf32, #tpu.memory_space<hbm>>) dst(%arg12 : memref<400x16xf32, #tpu.memory_space<vmem>>)
        tpu.yield
      }) : () -> ()
      "tpu.region"() ({
        %run_scoped3A = tpu.sem_alloc : memref<!tpu.dma_semaphore, #tpu.memory_space<semaphore_mem>>
        %dma_start3A = arith.constant 0 : i32
        %dma_start3A_48 = arith.constant 0 : i32
        %dma_start3A_49 = tpu.memref_slice %arg5[%arg0, %dma_start3A, %dma_start3A_48] : memref<2x10240x16xf32, #tpu.memory_space<hbm>> -> memref<1x10240x16xf32, #tpu.memory_space<hbm>>
        %dma_start3A_50 = tpu.memref_squeeze %dma_start3A_49 : memref<1x10240x16xf32, #tpu.memory_space<hbm>> -> memref<10240x16xf32, #tpu.memory_space<hbm>>
        %dma_start3A_51 = arith.constant 0 : i32
        %dma_start3A_52 = arith.constant 0 : i32
        %dma_start3A_53 = tpu.memref_slice %dma_start3A_50[%dma_start3A_51, %dma_start3A_52] : memref<10240x16xf32, #tpu.memory_space<hbm>> -> memref<10240x16xf32, #tpu.memory_space<hbm>>
        tpu.enqueue_indirect_dma source(%dma_start3A_53 : memref<10240x16xf32, #tpu.memory_space<hbm>>) target(%arg13 : memref<400x16xf32, #tpu.memory_space<vmem>>) offsets(%arg11 : memref<400xi32, #tpu.memory_space<vmem>>) semaphore(%run_scoped3A : memref<!tpu.dma_semaphore, #tpu.memory_space<semaphore_mem>>)
        %dma_wait3A = arith.constant 0 : i32
        %dma_wait3A_54 = arith.constant 0 : i32
        %dma_wait3A_55 = tpu.memref_slice %arg5[%arg0, %dma_wait3A, %dma_wait3A_54] : memref<2x10240x16xf32, #tpu.memory_space<hbm>> -> memref<1x10240x16xf32, #tpu.memory_space<hbm>>
        %dma_wait3A_56 = tpu.memref_squeeze %dma_wait3A_55 : memref<1x10240x16xf32, #tpu.memory_space<hbm>> -> memref<10240x16xf32, #tpu.memory_space<hbm>>
        %dma_wait3A_57 = arith.constant 0 : i32
        %dma_wait3A_58 = arith.constant 0 : i32
        %dma_wait3A_59 = tpu.memref_slice %dma_wait3A_56[%dma_wait3A_57, %dma_wait3A_58] : memref<10240x16xf32, #tpu.memory_space<hbm>> -> memref<10240x16xf32, #tpu.memory_space<hbm>>
        tpu.wait_indirect_dma semaphore(%run_scoped3A : memref<!tpu.dma_semaphore, #tpu.memory_space<semaphore_mem>>) src(%dma_wait3A_59 : memref<10240x16xf32, #tpu.memory_space<hbm>>) dst(%arg13 : memref<400x16xf32, #tpu.memory_space<vmem>>)
        tpu.yield
      }) : () -> ()
      "tpu.region"() ({
        %run_scoped3A = tpu.sem_alloc : memref<!tpu.dma_semaphore, #tpu.memory_space<semaphore_mem>>
        %dma_start3A = arith.constant 0 : i32
        %dma_start3A_48 = arith.constant 0 : i32
        %dma_start3A_49 = tpu.memref_slice %arg17[%dma_start3A, %dma_start3A_48] : memref<10240x16xf32, #tpu.memory_space<vmem_shared>> -> memref<10240x16xf32, #tpu.memory_space<vmem_shared>>
        tpu.enqueue_indirect_dma source(%dma_start3A_49 : memref<10240x16xf32, #tpu.memory_space<vmem_shared>>) target(%arg15 : memref<400x16xf32, #tpu.memory_space<vmem>>) offsets(%arg11 : memref<400xi32, #tpu.memory_space<vmem>>) semaphore(%run_scoped3A : memref<!tpu.dma_semaphore, #tpu.memory_space<semaphore_mem>>)
        %dma_wait3A = arith.constant 0 : i32
        %dma_wait3A_50 = arith.constant 0 : i32
        %dma_wait3A_51 = tpu.memref_slice %arg17[%dma_wait3A, %dma_wait3A_50] : memref<10240x16xf32, #tpu.memory_space<vmem_shared>> -> memref<10240x16xf32, #tpu.memory_space<vmem_shared>>
        tpu.wait_indirect_dma semaphore(%run_scoped3A : memref<!tpu.dma_semaphore, #tpu.memory_space<semaphore_mem>>) src(%dma_wait3A_51 : memref<10240x16xf32, #tpu.memory_space<vmem_shared>>) dst(%arg15 : memref<400x16xf32, #tpu.memory_space<vmem>>)
        tpu.yield
      }) : () -> ()
      %mul3A_38 = arith.constant 2 : i32
      %mul3A_39 = arith.muli %arg0, %mul3A_38 : i32
      %add3A_40 = arith.constant 1 : i32
      %add3A_41 = arith.addi %mul3A_39, %add3A_40 : i32
      "tpu.region"() ({
        %run_scoped3A = tpu.sem_alloc : memref<!tpu.dma_semaphore, #tpu.memory_space<semaphore_mem>>
        %dma_start3A = arith.constant 0 : i32
        %dma_start3A_48 = arith.constant 0 : i32
        %dma_start3A_49 = tpu.memref_slice %arg6[%add3A_41, %dma_start3A, %dma_start3A_48] : memref<4x10240x64xf32, #tpu.memory_space<hbm>> -> memref<1x10240x64xf32, #tpu.memory_space<hbm>>
        %dma_start3A_50 = tpu.memref_squeeze %dma_start3A_49 : memref<1x10240x64xf32, #tpu.memory_space<hbm>> -> memref<10240x64xf32, #tpu.memory_space<hbm>>
        %dma_start3A_51 = arith.constant 0 : i32
        %dma_start3A_52 = arith.constant 0 : i32
        %dma_start3A_53 = tpu.memref_slice %dma_start3A_50[%dma_start3A_51, %dma_start3A_52] : memref<10240x64xf32, #tpu.memory_space<hbm>> -> memref<10240x64xf32, #tpu.memory_space<hbm>>
        tpu.enqueue_indirect_dma source(%dma_start3A_53 : memref<10240x64xf32, #tpu.memory_space<hbm>>) target(%arg16 : memref<400x64xf32, #tpu.memory_space<vmem>>) offsets(%arg10 : memref<400xi32, #tpu.memory_space<vmem>>) semaphore(%run_scoped3A : memref<!tpu.dma_semaphore, #tpu.memory_space<semaphore_mem>>)
        %dma_wait3A = arith.constant 0 : i32
        %dma_wait3A_54 = arith.constant 0 : i32
        %dma_wait3A_55 = tpu.memref_slice %arg6[%add3A_41, %dma_wait3A, %dma_wait3A_54] : memref<4x10240x64xf32, #tpu.memory_space<hbm>> -> memref<1x10240x64xf32, #tpu.memory_space<hbm>>
        %dma_wait3A_56 = tpu.memref_squeeze %dma_wait3A_55 : memref<1x10240x64xf32, #tpu.memory_space<hbm>> -> memref<10240x64xf32, #tpu.memory_space<hbm>>
        %dma_wait3A_57 = arith.constant 0 : i32
        %dma_wait3A_58 = arith.constant 0 : i32
        %dma_wait3A_59 = tpu.memref_slice %dma_wait3A_56[%dma_wait3A_57, %dma_wait3A_58] : memref<10240x64xf32, #tpu.memory_space<hbm>> -> memref<10240x64xf32, #tpu.memory_space<hbm>>
        tpu.wait_indirect_dma semaphore(%run_scoped3A : memref<!tpu.dma_semaphore, #tpu.memory_space<semaphore_mem>>) src(%dma_wait3A_59 : memref<10240x64xf32, #tpu.memory_space<hbm>>) dst(%arg16 : memref<400x64xf32, #tpu.memory_space<vmem>>)
        tpu.yield
      }) : () -> ()
      %scan3A_42 = arith.constant 0 : i32
      %scan3A_43 = arith.constant 0 : i32
      %scan3A_44 = arith.constant 200 : i32
      %scan3A_45 = arith.addi %scan3A_43, %scan3A_44 : i32
      %scan3A_46 = arith.constant 1 : i32
      scf.for %scan3A_48 = %scan3A_43 to %scan3A_45 step %scan3A_46  : i32 {
        %mul3A_49 = arith.constant 2 : i32
        %mul3A_50 = arith.muli %scan3A_48, %mul3A_49 : i32
        %add3A_51 = arith.constant 0 : i32
        %add3A_52 = arith.addi %mul3A_50, %add3A_51 : i32
        %get3A = arith.index_cast %add3A_52 : i32 to index
        %get3A_53 = arith.constant 0 : index
        %get3A_54 = tpu.vector_load %arg12[%get3A, %get3A_53] {strides = array<i32>} : memref<400x16xf32, #tpu.memory_space<vmem>>, vector<1x16xf32>,
        %get3A_55 = vector.shape_cast %get3A_54 : vector<1x16xf32> to vector<16xf32>
        %get3A_56 = arith.index_cast %add3A_52 : i32 to index
        %get3A_57 = arith.constant 0 : index
        %get3A_58 = tpu.vector_load %arg13[%get3A_56, %get3A_57] {strides = array<i32>} : memref<400x16xf32, #tpu.memory_space<vmem>>, vector<1x16xf32>,
        %get3A_59 = vector.shape_cast %get3A_58 : vector<1x16xf32> to vector<16xf32>
        %add3A_60 = arith.addf %get3A_55, %get3A_59 : vector<16xf32>
        %ge3A = arith.constant 0.000000e+00 : f32
        %ge3A_61 = vector.broadcast %ge3A : f32 to vector<16xf32>
        %ge3A_62 = arith.cmpf oge, %add3A_60, %ge3A_61 : vector<16xf32>
        %mul3A_63 = arith.constant 2.000000e-01 : f32
        %mul3A_64 = vector.broadcast %mul3A_63 : f32 to vector<16xf32>
        %mul3A_65 = arith.mulf %mul3A_64, %add3A_60 : vector<16xf32>
        %select_n3A = arith.select %ge3A_62, %add3A_60, %mul3A_65 : vector<16xi1>, vector<16xf32>
        %exp3A = math.exp %select_n3A : vector<16xf32>
        %swap3A = arith.index_cast %add3A_52 : i32 to index
        %swap3A_66 = arith.constant 0 : index
        %swap3A_67 = tpu.vector_load %arg14[%swap3A, %swap3A_66] {strides = array<i32>} : memref<400x16xf32, #tpu.memory_space<vmem>>, vector<1x16xf32>,
        %swap3A_68 = vector.shape_cast %swap3A_67 : vector<1x16xf32> to vector<16xf32>
        %swap3A_69 = vector.shape_cast %exp3A : vector<16xf32> to vector<1x16xf32>
        tpu.vector_store %arg14[%swap3A, %swap3A_66], %swap3A_69 {strides = array<i32>} : memref<400x16xf32, #tpu.memory_space<vmem>>, vector<1x16xf32>,
        %get3A_70 = arith.index_cast %add3A_52 : i32 to index
        %get3A_71 = arith.constant 0 : index
        %get3A_72 = tpu.vector_load %arg15[%get3A_70, %get3A_71] {strides = array<i32>} : memref<400x16xf32, #tpu.memory_space<vmem>>, vector<1x16xf32>,
        %get3A_73 = vector.shape_cast %get3A_72 : vector<1x16xf32> to vector<16xf32>
        %add3A_74 = arith.constant 9.99999971E-10 : f32
        %add3A_75 = vector.broadcast %add3A_74 : f32 to vector<16xf32>
        %add3A_76 = arith.addf %get3A_73, %add3A_75 : vector<16xf32>
        %div3A = arith.divf %exp3A, %add3A_76 : vector<16xf32>
        %broadcast_in_dim3A = arith.constant 2 : i32
        %broadcast_in_dim3A_77 = vector.broadcast %broadcast_in_dim3A : i32 to vector<16x1xi32>
        %gather3A = vector.shape_cast %broadcast_in_dim3A_77 : vector<16x1xi32> to vector<16xi32>
        %gather3A_78 = tpu.dynamic_gather %div3A[%gather3A] in [0] : vector<16xf32>, vector<16xi32> -> vector<16xf32>
        %get3A_79 = arith.index_cast %add3A_52 : i32 to index
        %get3A_80 = arith.constant 0 : index
        %get3A_81 = tpu.vector_load %arg16[%get3A_79, %get3A_80] {strides = array<i32>} : memref<400x64xf32, #tpu.memory_space<vmem>>, vector<1x16xf32>,
        %get3A_82 = vector.shape_cast %get3A_81 : vector<1x16xf32> to vector<16xf32>
        %mul3A_83 = arith.mulf %get3A_82, %gather3A_78 : vector<16xf32>
        %swap3A_84 = arith.index_cast %add3A_52 : i32 to index
        %swap3A_85 = arith.constant 0 : index
        %swap3A_86 = tpu.vector_load %arg16[%swap3A_84, %swap3A_85] {strides = array<i32>} : memref<400x64xf32, #tpu.memory_space<vmem>>, vector<1x16xf32>,
        %swap3A_87 = vector.shape_cast %swap3A_86 : vector<1x16xf32> to vector<16xf32>
        %swap3A_88 = vector.shape_cast %mul3A_83 : vector<16xf32> to vector<1x16xf32>
        tpu.vector_store %arg16[%swap3A_84, %swap3A_85], %swap3A_88 {strides = array<i32>} : memref<400x64xf32, #tpu.memory_space<vmem>>, vector<1x16xf32>,
        %get3A_89 = arith.index_cast %add3A_52 : i32 to index
        %get3A_90 = arith.constant 16 : index
        %get3A_91 = tpu.vector_load %arg16[%get3A_89, %get3A_90] {strides = array<i32>} : memref<400x64xf32, #tpu.memory_space<vmem>>, vector<1x16xf32>,
        %get3A_92 = vector.shape_cast %get3A_91 : vector<1x16xf32> to vector<16xf32>
        %mul3A_93 = arith.mulf %get3A_92, %gather3A_78 : vector<16xf32>
        %swap3A_94 = arith.index_cast %add3A_52 : i32 to index
        %swap3A_95 = arith.constant 16 : index
        %swap3A_96 = tpu.vector_load %arg16[%swap3A_94, %swap3A_95] {strides = array<i32>} : memref<400x64xf32, #tpu.memory_space<vmem>>, vector<1x16xf32>,
        %swap3A_97 = vector.shape_cast %swap3A_96 : vector<1x16xf32> to vector<16xf32>
        %swap3A_98 = vector.shape_cast %mul3A_93 : vector<16xf32> to vector<1x16xf32>
        tpu.vector_store %arg16[%swap3A_94, %swap3A_95], %swap3A_98 {strides = array<i32>} : memref<400x64xf32, #tpu.memory_space<vmem>>, vector<1x16xf32>,
        %broadcast_in_dim3A_99 = arith.constant 3 : i32
        %broadcast_in_dim3A_100 = vector.broadcast %broadcast_in_dim3A_99 : i32 to vector<16x1xi32>
        %gather3A_101 = vector.shape_cast %broadcast_in_dim3A_100 : vector<16x1xi32> to vector<16xi32>
        %gather3A_102 = tpu.dynamic_gather %div3A[%gather3A_101] in [0] : vector<16xf32>, vector<16xi32> -> vector<16xf32>
        %get3A_103 = arith.index_cast %add3A_52 : i32 to index
        %get3A_104 = arith.constant 32 : index
        %get3A_105 = tpu.vector_load %arg16[%get3A_103, %get3A_104] {strides = array<i32>} : memref<400x64xf32, #tpu.memory_space<vmem>>, vector<1x16xf32>,
        %get3A_106 = vector.shape_cast %get3A_105 : vector<1x16xf32> to vector<16xf32>
        %mul3A_107 = arith.mulf %get3A_106, %gather3A_102 : vector<16xf32>
        %swap3A_108 = arith.index_cast %add3A_52 : i32 to index
        %swap3A_109 = arith.constant 32 : index
        %swap3A_110 = tpu.vector_load %arg16[%swap3A_108, %swap3A_109] {strides = array<i32>} : memref<400x64xf32, #tpu.memory_space<vmem>>, vector<1x16xf32>,
        %swap3A_111 = vector.shape_cast %swap3A_110 : vector<1x16xf32> to vector<16xf32>
        %swap3A_112 = vector.shape_cast %mul3A_107 : vector<16xf32> to vector<1x16xf32>
        tpu.vector_store %arg16[%swap3A_108, %swap3A_109], %swap3A_112 {strides = array<i32>} : memref<400x64xf32, #tpu.memory_space<vmem>>, vector<1x16xf32>,
        %get3A_113 = arith.index_cast %add3A_52 : i32 to index
        %get3A_114 = arith.constant 48 : index
        %get3A_115 = tpu.vector_load %arg16[%get3A_113, %get3A_114] {strides = array<i32>} : memref<400x64xf32, #tpu.memory_space<vmem>>, vector<1x16xf32>,
        %get3A_116 = vector.shape_cast %get3A_115 : vector<1x16xf32> to vector<16xf32>
        %mul3A_117 = arith.mulf %get3A_116, %gather3A_102 : vector<16xf32>
        %swap3A_118 = arith.index_cast %add3A_52 : i32 to index
        %swap3A_119 = arith.constant 48 : index
        %swap3A_120 = tpu.vector_load %arg16[%swap3A_118, %swap3A_119] {strides = array<i32>} : memref<400x64xf32, #tpu.memory_space<vmem>>, vector<1x16xf32>,
        %swap3A_121 = vector.shape_cast %swap3A_120 : vector<1x16xf32> to vector<16xf32>
        %swap3A_122 = vector.shape_cast %mul3A_117 : vector<16xf32> to vector<1x16xf32>
        tpu.vector_store %arg16[%swap3A_118, %swap3A_119], %swap3A_122 {strides = array<i32>} : memref<400x64xf32, #tpu.memory_space<vmem>>, vector<1x16xf32>,
        %mul3A_123 = arith.constant 2 : i32
        %mul3A_124 = arith.muli %scan3A_48, %mul3A_123 : i32
        %add3A_125 = arith.constant 1 : i32
        %add3A_126 = arith.addi %mul3A_124, %add3A_125 : i32
        %get3A_127 = arith.index_cast %add3A_126 : i32 to index
        %get3A_128 = arith.constant 0 : index
        %get3A_129 = tpu.vector_load %arg12[%get3A_127, %get3A_128] {strides = array<i32>} : memref<400x16xf32, #tpu.memory_space<vmem>>, vector<1x16xf32>,
        %get3A_130 = vector.shape_cast %get3A_129 : vector<1x16xf32> to vector<16xf32>
        %get3A_131 = arith.index_cast %add3A_126 : i32 to index
        %get3A_132 = arith.constant 0 : index
        %get3A_133 = tpu.vector_load %arg13[%get3A_131, %get3A_132] {strides = array<i32>} : memref<400x16xf32, #tpu.memory_space<vmem>>, vector<1x16xf32>,
        %get3A_134 = vector.shape_cast %get3A_133 : vector<1x16xf32> to vector<16xf32>
        %add3A_135 = arith.addf %get3A_130, %get3A_134 : vector<16xf32>
        %ge3A_136 = arith.constant 0.000000e+00 : f32
        %ge3A_137 = vector.broadcast %ge3A_136 : f32 to vector<16xf32>
        %ge3A_138 = arith.cmpf oge, %add3A_135, %ge3A_137 : vector<16xf32>
        %mul3A_139 = arith.constant 2.000000e-01 : f32
        %mul3A_140 = vector.broadcast %mul3A_139 : f32 to vector<16xf32>
        %mul3A_141 = arith.mulf %mul3A_140, %add3A_135 : vector<16xf32>
        %select_n3A_142 = arith.select %ge3A_138, %add3A_135, %mul3A_141 : vector<16xi1>, vector<16xf32>
        %exp3A_143 = math.exp %select_n3A_142 : vector<16xf32>
        %swap3A_144 = arith.index_cast %add3A_126 : i32 to index
        %swap3A_145 = arith.constant 0 : index
        %swap3A_146 = tpu.vector_load %arg14[%swap3A_144, %swap3A_145] {strides = array<i32>} : memref<400x16xf32, #tpu.memory_space<vmem>>, vector<1x16xf32>,
        %swap3A_147 = vector.shape_cast %swap3A_146 : vector<1x16xf32> to vector<16xf32>
        %swap3A_148 = vector.shape_cast %exp3A_143 : vector<16xf32> to vector<1x16xf32>
        tpu.vector_store %arg14[%swap3A_144, %swap3A_145], %swap3A_148 {strides = array<i32>} : memref<400x16xf32, #tpu.memory_space<vmem>>, vector<1x16xf32>,
        %get3A_149 = arith.index_cast %add3A_126 : i32 to index
        %get3A_150 = arith.constant 0 : index
        %get3A_151 = tpu.vector_load %arg15[%get3A_149, %get3A_150] {strides = array<i32>} : memref<400x16xf32, #tpu.memory_space<vmem>>, vector<1x16xf32>,
        %get3A_152 = vector.shape_cast %get3A_151 : vector<1x16xf32> to vector<16xf32>
        %add3A_153 = arith.constant 9.99999971E-10 : f32
        %add3A_154 = vector.broadcast %add3A_153 : f32 to vector<16xf32>
        %add3A_155 = arith.addf %get3A_152, %add3A_154 : vector<16xf32>
        %div3A_156 = arith.divf %exp3A_143, %add3A_155 : vector<16xf32>
        %broadcast_in_dim3A_157 = arith.constant 2 : i32
        %broadcast_in_dim3A_158 = vector.broadcast %broadcast_in_dim3A_157 : i32 to vector<16x1xi32>
        %gather3A_159 = vector.shape_cast %broadcast_in_dim3A_158 : vector<16x1xi32> to vector<16xi32>
        %gather3A_160 = tpu.dynamic_gather %div3A_156[%gather3A_159] in [0] : vector<16xf32>, vector<16xi32> -> vector<16xf32>
        %get3A_161 = arith.index_cast %add3A_126 : i32 to index
        %get3A_162 = arith.constant 0 : index
        %get3A_163 = tpu.vector_load %arg16[%get3A_161, %get3A_162] {strides = array<i32>} : memref<400x64xf32, #tpu.memory_space<vmem>>, vector<1x16xf32>,
        %get3A_164 = vector.shape_cast %get3A_163 : vector<1x16xf32> to vector<16xf32>
        %mul3A_165 = arith.mulf %get3A_164, %gather3A_160 : vector<16xf32>
        %swap3A_166 = arith.index_cast %add3A_126 : i32 to index
        %swap3A_167 = arith.constant 0 : index
        %swap3A_168 = tpu.vector_load %arg16[%swap3A_166, %swap3A_167] {strides = array<i32>} : memref<400x64xf32, #tpu.memory_space<vmem>>, vector<1x16xf32>,
        %swap3A_169 = vector.shape_cast %swap3A_168 : vector<1x16xf32> to vector<16xf32>
        %swap3A_170 = vector.shape_cast %mul3A_165 : vector<16xf32> to vector<1x16xf32>
        tpu.vector_store %arg16[%swap3A_166, %swap3A_167], %swap3A_170 {strides = array<i32>} : memref<400x64xf32, #tpu.memory_space<vmem>>, vector<1x16xf32>,
        %get3A_171 = arith.index_cast %add3A_126 : i32 to index
        %get3A_172 = arith.constant 16 : index
        %get3A_173 = tpu.vector_load %arg16[%get3A_171, %get3A_172] {strides = array<i32>} : memref<400x64xf32, #tpu.memory_space<vmem>>, vector<1x16xf32>,
        %get3A_174 = vector.shape_cast %get3A_173 : vector<1x16xf32> to vector<16xf32>
        %mul3A_175 = arith.mulf %get3A_174, %gather3A_160 : vector<16xf32>
        %swap3A_176 = arith.index_cast %add3A_126 : i32 to index
        %swap3A_177 = arith.constant 16 : index
        %swap3A_178 = tpu.vector_load %arg16[%swap3A_176, %swap3A_177] {strides = array<i32>} : memref<400x64xf32, #tpu.memory_space<vmem>>, vector<1x16xf32>,
        %swap3A_179 = vector.shape_cast %swap3A_178 : vector<1x16xf32> to vector<16xf32>
        %swap3A_180 = vector.shape_cast %mul3A_175 : vector<16xf32> to vector<1x16xf32>
        tpu.vector_store %arg16[%swap3A_176, %swap3A_177], %swap3A_180 {strides = array<i32>} : memref<400x64xf32, #tpu.memory_space<vmem>>, vector<1x16xf32>,
        %broadcast_in_dim3A_181 = arith.constant 3 : i32
        %broadcast_in_dim3A_182 = vector.broadcast %broadcast_in_dim3A_181 : i32 to vector<16x1xi32>
        %gather3A_183 = vector.shape_cast %broadcast_in_dim3A_182 : vector<16x1xi32> to vector<16xi32>
        %gather3A_184 = tpu.dynamic_gather %div3A_156[%gather3A_183] in [0] : vector<16xf32>, vector<16xi32> -> vector<16xf32>
        %get3A_185 = arith.index_cast %add3A_126 : i32 to index
        %get3A_186 = arith.constant 32 : index
        %get3A_187 = tpu.vector_load %arg16[%get3A_185, %get3A_186] {strides = array<i32>} : memref<400x64xf32, #tpu.memory_space<vmem>>, vector<1x16xf32>,
        %get3A_188 = vector.shape_cast %get3A_187 : vector<1x16xf32> to vector<16xf32>
        %mul3A_189 = arith.mulf %get3A_188, %gather3A_184 : vector<16xf32>
        %swap3A_190 = arith.index_cast %add3A_126 : i32 to index
        %swap3A_191 = arith.constant 32 : index
        %swap3A_192 = tpu.vector_load %arg16[%swap3A_190, %swap3A_191] {strides = array<i32>} : memref<400x64xf32, #tpu.memory_space<vmem>>, vector<1x16xf32>,
        %swap3A_193 = vector.shape_cast %swap3A_192 : vector<1x16xf32> to vector<16xf32>
        %swap3A_194 = vector.shape_cast %mul3A_189 : vector<16xf32> to vector<1x16xf32>
        tpu.vector_store %arg16[%swap3A_190, %swap3A_191], %swap3A_194 {strides = array<i32>} : memref<400x64xf32, #tpu.memory_space<vmem>>, vector<1x16xf32>,
        %get3A_195 = arith.index_cast %add3A_126 : i32 to index
        %get3A_196 = arith.constant 48 : index
        %get3A_197 = tpu.vector_load %arg16[%get3A_195, %get3A_196] {strides = array<i32>} : memref<400x64xf32, #tpu.memory_space<vmem>>, vector<1x16xf32>,
        %get3A_198 = vector.shape_cast %get3A_197 : vector<1x16xf32> to vector<16xf32>
        %mul3A_199 = arith.mulf %get3A_198, %gather3A_184 : vector<16xf32>
        %swap3A_200 = arith.index_cast %add3A_126 : i32 to index
        %swap3A_201 = arith.constant 48 : index
        %swap3A_202 = tpu.vector_load %arg16[%swap3A_200, %swap3A_201] {strides = array<i32>} : memref<400x64xf32, #tpu.memory_space<vmem>>, vector<1x16xf32>,
        %swap3A_203 = vector.shape_cast %swap3A_202 : vector<1x16xf32> to vector<16xf32>
        %swap3A_204 = vector.shape_cast %mul3A_199 : vector<16xf32> to vector<1x16xf32>
        tpu.vector_store %arg16[%swap3A_200, %swap3A_201], %swap3A_204 {strides = array<i32>} : memref<400x64xf32, #tpu.memory_space<vmem>>, vector<1x16xf32>,
      }
      %scan3A_47 = arith.constant 200 : i32
      "tpu.region"() ({
        %run_scoped3A = tpu.sem_alloc : memref<!tpu.dma_semaphore, #tpu.memory_space<semaphore_mem>>
        %dma_start3A = arith.constant 0 : i32
        %dma_start3A_48 = arith.constant 0 : i32
        %dma_start3A_49 = tpu.memref_slice %arg18[%dma_start3A, %dma_start3A_48] : memref<10240x64xf32, #tpu.memory_space<vmem_shared>> -> memref<10240x64xf32, #tpu.memory_space<vmem_shared>>
        tpu.enqueue_indirect_dma source(%arg16 : memref<400x64xf32, #tpu.memory_space<vmem>>) target(%dma_start3A_49 : memref<10240x64xf32, #tpu.memory_space<vmem_shared>>) offsets(%arg11 : memref<400xi32, #tpu.memory_space<vmem>>) semaphore(%run_scoped3A : memref<!tpu.dma_semaphore, #tpu.memory_space<semaphore_mem>>) {add = true}
        %dma_wait3A = arith.constant 0 : i32
        %dma_wait3A_50 = arith.constant 0 : i32
        %dma_wait3A_51 = tpu.memref_slice %arg18[%dma_wait3A, %dma_wait3A_50] : memref<10240x64xf32, #tpu.memory_space<vmem_shared>> -> memref<10240x64xf32, #tpu.memory_space<vmem_shared>>
        tpu.wait_indirect_dma semaphore(%run_scoped3A : memref<!tpu.dma_semaphore, #tpu.memory_space<semaphore_mem>>) src(%arg16 : memref<400x64xf32, #tpu.memory_space<vmem>>) dst(%dma_wait3A_51 : memref<10240x64xf32, #tpu.memory_space<vmem_shared>>)
        tpu.yield
      }) : () -> ()
    }
    %scan3A_27 = arith.constant 25 : i32
    %barrier3A_28 = arith.constant 0 : index
    tpu.barrier barrier_id(%barrier3A_28)
    %mul3A_29 = arith.constant 2 : i32
    %mul3A_30 = arith.muli %arg0, %mul3A_29 : i32
    %add3A_31 = arith.constant 1 : i32
    %add3A_32 = arith.addi %mul3A_30, %add3A_31 : i32
    "tpu.region"() ({
      %run_scoped3A = tpu.sem_alloc : memref<!tpu.dma_semaphore, #tpu.memory_space<semaphore_mem>>
      %dma_start3A = arith.constant 0 : i32
      %dma_start3A_34 = tpu.memref_slice %arg9[%add3A_32, %mul3A_0, %dma_start3A] : memref<4x10240x64xf32, #tpu.memory_space<hbm>> -> memref<1x640x64xf32, #tpu.memory_space<hbm>>
      %dma_start3A_35 = tpu.memref_squeeze %dma_start3A_34 : memref<1x640x64xf32, #tpu.memory_space<hbm>> -> memref<640x64xf32, #tpu.memory_space<hbm>>
      %dma_start3A_36 = arith.constant 0 : i32
      %dma_start3A_37 = tpu.memref_slice %arg18[%mul3A_0, %dma_start3A_36] : memref<10240x64xf32, #tpu.memory_space<vmem_shared>> -> memref<640x64xf32, #tpu.memory_space<vmem_shared>>
      tpu.enqueue_dma source(%dma_start3A_37 : memref<640x64xf32, #tpu.memory_space<vmem_shared>>) target(%dma_start3A_35 : memref<640x64xf32, #tpu.memory_space<hbm>>) target_semaphore(%run_scoped3A : memref<!tpu.dma_semaphore, #tpu.memory_space<semaphore_mem>>)
      %dma_wait3A = arith.constant 0 : i32
      %dma_wait3A_38 = tpu.memref_slice %arg9[%add3A_32, %mul3A_0, %dma_wait3A] : memref<4x10240x64xf32, #tpu.memory_space<hbm>> -> memref<1x640x64xf32, #tpu.memory_space<hbm>>
      %dma_wait3A_39 = tpu.memref_squeeze %dma_wait3A_38 : memref<1x640x64xf32, #tpu.memory_space<hbm>> -> memref<640x64xf32, #tpu.memory_space<hbm>>
      %dma_wait3A_40 = arith.constant 0 : i32
      %dma_wait3A_41 = tpu.memref_slice %arg18[%mul3A_0, %dma_wait3A_40] : memref<10240x64xf32, #tpu.memory_space<vmem_shared>> -> memref<640x64xf32, #tpu.memory_space<vmem_shared>>
      tpu.wait_dma2 semaphore(%run_scoped3A : memref<!tpu.dma_semaphore, #tpu.memory_space<semaphore_mem>>) src(%dma_wait3A_41 : memref<640x64xf32, #tpu.memory_space<vmem_shared>>) dst(%dma_wait3A_39 : memref<640x64xf32, #tpu.memory_space<hbm>>)
      tpu.yield
    }) : () -> ()
    %barrier3A_33 = arith.constant 0 : index
    tpu.barrier barrier_id(%barrier3A_33)
    return
  }
}

#map = affine_map<(d0, d1) -> (0)>
#map1 = affine_map<(d0, d1) -> (0, 0, 0)>
#map2 = affine_map<(d0, d1) -> (0, 0)>
module attributes {stable_mosaic.version = 14 : i64} {
  func.func @_edge_body(%arg0: i32, %arg1: i32, %arg2: memref<160000xi32, #tpu.memory_space<hbm>>, %arg3: memref<160000xi32, #tpu.memory_space<hbm>>, %arg4: memref<2x10240x16xf32, #tpu.memory_space<hbm>>, %arg5: memref<2x10240x16xf32, #tpu.memory_space<hbm>>, %arg6: memref<2x10240x16xf32, #tpu.memory_space<hbm>>, %arg7: memref<10240x16xf32, #tpu.memory_space<hbm>>, %arg8: memref<10240x16xf32, #tpu.memory_space<hbm>>, %arg9: memref<2x10240x16xf32, #tpu.memory_space<hbm>>, %arg10: memref<400xi32, #tpu.memory_space<vmem>>, %arg11: memref<400xi32, #tpu.memory_space<vmem>>, %arg12: memref<400x16xf32, #tpu.memory_space<vmem>>, %arg13: memref<400x16xf32, #tpu.memory_space<vmem>>, %arg14: memref<400x16xf32, #tpu.memory_space<vmem>>, %arg15: memref<400x16xf32, #tpu.memory_space<vmem>>, %arg16: memref<400x16xf32, #tpu.memory_space<vmem>>, %arg17: memref<10240x16xf32, #tpu.memory_space<vmem_shared>>, %arg18: memref<10240x16xf32, #tpu.memory_space<vmem_shared>>) attributes {dimension_semantics = [#tpu.dimension_semantics<core_parallel>, #tpu.dimension_semantics<subcore_parallel>], iteration_bounds = array<i64: 2, 16>, scalar_prefetch = 0 : i64, scratch_operands = 9 : i64, tpu.core_type = #tpu.core_type<sc_vector_subcore>, window_params = [{transform_indices = #map}, {transform_indices = #map}, {transform_indices = #map1}, {transform_indices = #map1}, {transform_indices = #map1}, {transform_indices = #map2}, {transform_indices = #map2}, {transform_indices = #map1}]} {
    %mul3A = arith.constant 640 : i32
    %mul3A_0 = arith.muli %arg1, %mul3A : i32
    %mul3A_1 = arith.constant 10000 : i32
    %mul3A_2 = arith.muli %arg1, %mul3A_1 : i32
    "tpu.region"() ({
      %run_scoped3A = tpu.sem_alloc : memref<!tpu.dma_semaphore, #tpu.memory_space<semaphore_mem>>
      %dma_start3A = arith.constant 0 : i32
      %dma_start3A_21 = tpu.memref_slice %arg17[%mul3A_0, %dma_start3A] : memref<10240x16xf32, #tpu.memory_space<vmem_shared>> -> memref<640x16xf32, #tpu.memory_space<vmem_shared>>
      %dma_start3A_22 = arith.constant 0 : i32
      %dma_start3A_23 = tpu.memref_slice %arg8[%mul3A_0, %dma_start3A_22] : memref<10240x16xf32, #tpu.memory_space<hbm>> -> memref<640x16xf32, #tpu.memory_space<hbm>>
      tpu.enqueue_dma source(%dma_start3A_23 : memref<640x16xf32, #tpu.memory_space<hbm>>) target(%dma_start3A_21 : memref<640x16xf32, #tpu.memory_space<vmem_shared>>) target_semaphore(%run_scoped3A : memref<!tpu.dma_semaphore, #tpu.memory_space<semaphore_mem>>)
      %dma_wait3A = arith.constant 0 : i32
      %dma_wait3A_24 = tpu.memref_slice %arg17[%mul3A_0, %dma_wait3A] : memref<10240x16xf32, #tpu.memory_space<vmem_shared>> -> memref<640x16xf32, #tpu.memory_space<vmem_shared>>
      %dma_wait3A_25 = arith.constant 0 : i32
      %dma_wait3A_26 = tpu.memref_slice %arg8[%mul3A_0, %dma_wait3A_25] : memref<10240x16xf32, #tpu.memory_space<hbm>> -> memref<640x16xf32, #tpu.memory_space<hbm>>
      tpu.wait_dma2 semaphore(%run_scoped3A : memref<!tpu.dma_semaphore, #tpu.memory_space<semaphore_mem>>) src(%dma_wait3A_26 : memref<640x16xf32, #tpu.memory_space<hbm>>) dst(%dma_wait3A_24 : memref<640x16xf32, #tpu.memory_space<vmem_shared>>)
      tpu.yield
    }) : () -> ()
    %barrier3A = arith.constant 0 : index
    tpu.barrier barrier_id(%barrier3A)
    %scan3A = arith.constant 0 : i32
    %scan3A_3 = arith.constant 0 : i32
    %scan3A_4 = arith.constant 25 : i32
    %scan3A_5 = arith.addi %scan3A_3, %scan3A_4 : i32
    %scan3A_6 = arith.constant 1 : i32
    scf.for %scan3A_21 = %scan3A_3 to %scan3A_5 step %scan3A_6  : i32 {
      %mul3A_22 = arith.constant 400 : i32
      %mul3A_23 = arith.muli %scan3A_21, %mul3A_22 : i32
      %add3A_24 = arith.addi %mul3A_2, %mul3A_23 : i32
      "tpu.region"() ({
        %run_scoped3A = tpu.sem_alloc : memref<!tpu.dma_semaphore, #tpu.memory_space<semaphore_mem>>
        %dma_start3A = tpu.memref_slice %arg2[%add3A_24] : memref<160000xi32, #tpu.memory_space<hbm>> -> memref<400xi32, #tpu.memory_space<hbm>>
        %dma_start3A_31 = tpu.memref_slice %arg2[%add3A_24] : memref<160000xi32, #tpu.memory_space<hbm>> -> memref<400xi32, #tpu.memory_space<hbm>>
        tpu.enqueue_dma source(%dma_start3A_31 : memref<400xi32, #tpu.memory_space<hbm>>) target(%arg10 : memref<400xi32, #tpu.memory_space<vmem>>) target_semaphore(%run_scoped3A : memref<!tpu.dma_semaphore, #tpu.memory_space<semaphore_mem>>)
        %dma_wait3A = tpu.memref_slice %arg2[%add3A_24] : memref<160000xi32, #tpu.memory_space<hbm>> -> memref<400xi32, #tpu.memory_space<hbm>>
        %dma_wait3A_32 = tpu.memref_slice %arg2[%add3A_24] : memref<160000xi32, #tpu.memory_space<hbm>> -> memref<400xi32, #tpu.memory_space<hbm>>
        tpu.wait_dma2 semaphore(%run_scoped3A : memref<!tpu.dma_semaphore, #tpu.memory_space<semaphore_mem>>) src(%dma_wait3A_32 : memref<400xi32, #tpu.memory_space<hbm>>) dst(%arg10 : memref<400xi32, #tpu.memory_space<vmem>>)
        tpu.yield
      }) : () -> ()
      "tpu.region"() ({
        %run_scoped3A = tpu.sem_alloc : memref<!tpu.dma_semaphore, #tpu.memory_space<semaphore_mem>>
        %dma_start3A = tpu.memref_slice %arg3[%add3A_24] : memref<160000xi32, #tpu.memory_space<hbm>> -> memref<400xi32, #tpu.memory_space<hbm>>
        %dma_start3A_31 = tpu.memref_slice %arg3[%add3A_24] : memref<160000xi32, #tpu.memory_space<hbm>> -> memref<400xi32, #tpu.memory_space<hbm>>
        tpu.enqueue_dma source(%dma_start3A_31 : memref<400xi32, #tpu.memory_space<hbm>>) target(%arg11 : memref<400xi32, #tpu.memory_space<vmem>>) target_semaphore(%run_scoped3A : memref<!tpu.dma_semaphore, #tpu.memory_space<semaphore_mem>>)
        %dma_wait3A = tpu.memref_slice %arg3[%add3A_24] : memref<160000xi32, #tpu.memory_space<hbm>> -> memref<400xi32, #tpu.memory_space<hbm>>
        %dma_wait3A_32 = tpu.memref_slice %arg3[%add3A_24] : memref<160000xi32, #tpu.memory_space<hbm>> -> memref<400xi32, #tpu.memory_space<hbm>>
        tpu.wait_dma2 semaphore(%run_scoped3A : memref<!tpu.dma_semaphore, #tpu.memory_space<semaphore_mem>>) src(%dma_wait3A_32 : memref<400xi32, #tpu.memory_space<hbm>>) dst(%arg11 : memref<400xi32, #tpu.memory_space<vmem>>)
        tpu.yield
      }) : () -> ()
      "tpu.region"() ({
        %run_scoped3A = tpu.sem_alloc : memref<!tpu.dma_semaphore, #tpu.memory_space<semaphore_mem>>
        %dma_start3A = arith.constant 0 : i32
        %dma_start3A_31 = arith.constant 0 : i32
        %dma_start3A_32 = tpu.memref_slice %arg4[%arg0, %dma_start3A, %dma_start3A_31] : memref<2x10240x16xf32, #tpu.memory_space<hbm>> -> memref<1x10240x16xf32, #tpu.memory_space<hbm>>
        %dma_start3A_33 = tpu.memref_squeeze %dma_start3A_32 : memref<1x10240x16xf32, #tpu.memory_space<hbm>> -> memref<10240x16xf32, #tpu.memory_space<hbm>>
        %dma_start3A_34 = arith.constant 0 : i32
        %dma_start3A_35 = arith.constant 0 : i32
        %dma_start3A_36 = tpu.memref_slice %dma_start3A_33[%dma_start3A_34, %dma_start3A_35] : memref<10240x16xf32, #tpu.memory_space<hbm>> -> memref<10240x16xf32, #tpu.memory_space<hbm>>
        tpu.enqueue_indirect_dma source(%dma_start3A_36 : memref<10240x16xf32, #tpu.memory_space<hbm>>) target(%arg12 : memref<400x16xf32, #tpu.memory_space<vmem>>) offsets(%arg10 : memref<400xi32, #tpu.memory_space<vmem>>) semaphore(%run_scoped3A : memref<!tpu.dma_semaphore, #tpu.memory_space<semaphore_mem>>)
        %dma_wait3A = arith.constant 0 : i32
        %dma_wait3A_37 = arith.constant 0 : i32
        %dma_wait3A_38 = tpu.memref_slice %arg4[%arg0, %dma_wait3A, %dma_wait3A_37] : memref<2x10240x16xf32, #tpu.memory_space<hbm>> -> memref<1x10240x16xf32, #tpu.memory_space<hbm>>
        %dma_wait3A_39 = tpu.memref_squeeze %dma_wait3A_38 : memref<1x10240x16xf32, #tpu.memory_space<hbm>> -> memref<10240x16xf32, #tpu.memory_space<hbm>>
        %dma_wait3A_40 = arith.constant 0 : i32
        %dma_wait3A_41 = arith.constant 0 : i32
        %dma_wait3A_42 = tpu.memref_slice %dma_wait3A_39[%dma_wait3A_40, %dma_wait3A_41] : memref<10240x16xf32, #tpu.memory_space<hbm>> -> memref<10240x16xf32, #tpu.memory_space<hbm>>
        tpu.wait_indirect_dma semaphore(%run_scoped3A : memref<!tpu.dma_semaphore, #tpu.memory_space<semaphore_mem>>) src(%dma_wait3A_42 : memref<10240x16xf32, #tpu.memory_space<hbm>>) dst(%arg12 : memref<400x16xf32, #tpu.memory_space<vmem>>)
        tpu.yield
      }) : () -> ()
      "tpu.region"() ({
        %run_scoped3A = tpu.sem_alloc : memref<!tpu.dma_semaphore, #tpu.memory_space<semaphore_mem>>
        %dma_start3A = arith.constant 0 : i32
        %dma_start3A_31 = arith.constant 0 : i32
        %dma_start3A_32 = tpu.memref_slice %arg5[%arg0, %dma_start3A, %dma_start3A_31] : memref<2x10240x16xf32, #tpu.memory_space<hbm>> -> memref<1x10240x16xf32, #tpu.memory_space<hbm>>
        %dma_start3A_33 = tpu.memref_squeeze %dma_start3A_32 : memref<1x10240x16xf32, #tpu.memory_space<hbm>> -> memref<10240x16xf32, #tpu.memory_space<hbm>>
        %dma_start3A_34 = arith.constant 0 : i32
        %dma_start3A_35 = arith.constant 0 : i32
        %dma_start3A_36 = tpu.memref_slice %dma_start3A_33[%dma_start3A_34, %dma_start3A_35] : memref<10240x16xf32, #tpu.memory_space<hbm>> -> memref<10240x16xf32, #tpu.memory_space<hbm>>
        tpu.enqueue_indirect_dma source(%dma_start3A_36 : memref<10240x16xf32, #tpu.memory_space<hbm>>) target(%arg13 : memref<400x16xf32, #tpu.memory_space<vmem>>) offsets(%arg11 : memref<400xi32, #tpu.memory_space<vmem>>) semaphore(%run_scoped3A : memref<!tpu.dma_semaphore, #tpu.memory_space<semaphore_mem>>)
        %dma_wait3A = arith.constant 0 : i32
        %dma_wait3A_37 = arith.constant 0 : i32
        %dma_wait3A_38 = tpu.memref_slice %arg5[%arg0, %dma_wait3A, %dma_wait3A_37] : memref<2x10240x16xf32, #tpu.memory_space<hbm>> -> memref<1x10240x16xf32, #tpu.memory_space<hbm>>
        %dma_wait3A_39 = tpu.memref_squeeze %dma_wait3A_38 : memref<1x10240x16xf32, #tpu.memory_space<hbm>> -> memref<10240x16xf32, #tpu.memory_space<hbm>>
        %dma_wait3A_40 = arith.constant 0 : i32
        %dma_wait3A_41 = arith.constant 0 : i32
        %dma_wait3A_42 = tpu.memref_slice %dma_wait3A_39[%dma_wait3A_40, %dma_wait3A_41] : memref<10240x16xf32, #tpu.memory_space<hbm>> -> memref<10240x16xf32, #tpu.memory_space<hbm>>
        tpu.wait_indirect_dma semaphore(%run_scoped3A : memref<!tpu.dma_semaphore, #tpu.memory_space<semaphore_mem>>) src(%dma_wait3A_42 : memref<10240x16xf32, #tpu.memory_space<hbm>>) dst(%arg13 : memref<400x16xf32, #tpu.memory_space<vmem>>)
        tpu.yield
      }) : () -> ()
      %scan3A_25 = arith.constant 0 : i32
      %scan3A_26 = arith.constant 0 : i32
      %scan3A_27 = arith.constant 100 : i32
      %scan3A_28 = arith.addi %scan3A_26, %scan3A_27 : i32
      %scan3A_29 = arith.constant 1 : i32
      scf.for %scan3A_31 = %scan3A_26 to %scan3A_28 step %scan3A_29  : i32 {
        %mul3A_32 = arith.constant 4 : i32
        %mul3A_33 = arith.muli %scan3A_31, %mul3A_32 : i32
        %add3A_34 = arith.constant 0 : i32
        %add3A_35 = arith.addi %mul3A_33, %add3A_34 : i32
        %get3A = arith.index_cast %add3A_35 : i32 to index
        %get3A_36 = arith.constant 0 : index
        %get3A_37 = tpu.vector_load %arg12[%get3A, %get3A_36] {strides = array<i32>} : memref<400x16xf32, #tpu.memory_space<vmem>>, vector<1x16xf32>,
        %get3A_38 = vector.shape_cast %get3A_37 : vector<1x16xf32> to vector<16xf32>
        %get3A_39 = arith.index_cast %add3A_35 : i32 to index
        %get3A_40 = arith.constant 0 : index
        %get3A_41 = tpu.vector_load %arg13[%get3A_39, %get3A_40] {strides = array<i32>} : memref<400x16xf32, #tpu.memory_space<vmem>>, vector<1x16xf32>,
        %get3A_42 = vector.shape_cast %get3A_41 : vector<1x16xf32> to vector<16xf32>
        %add3A_43 = arith.addf %get3A_38, %get3A_42 : vector<16xf32>
        %ge3A = arith.constant 0.000000e+00 : f32
        %ge3A_44 = vector.broadcast %ge3A : f32 to vector<16xf32>
        %ge3A_45 = arith.cmpf oge, %add3A_43, %ge3A_44 : vector<16xf32>
        %mul3A_46 = arith.constant 2.000000e-01 : f32
        %mul3A_47 = vector.broadcast %mul3A_46 : f32 to vector<16xf32>
        %mul3A_48 = arith.mulf %mul3A_47, %add3A_43 : vector<16xf32>
        %select_n3A = arith.select %ge3A_45, %add3A_43, %mul3A_48 : vector<16xi1>, vector<16xf32>
        %exp3A = math.exp %select_n3A : vector<16xf32>
        %swap3A = arith.index_cast %add3A_35 : i32 to index
        %swap3A_49 = arith.constant 0 : index
        %swap3A_50 = tpu.vector_load %arg14[%swap3A, %swap3A_49] {strides = array<i32>} : memref<400x16xf32, #tpu.memory_space<vmem>>, vector<1x16xf32>,
        %swap3A_51 = vector.shape_cast %swap3A_50 : vector<1x16xf32> to vector<16xf32>
        %swap3A_52 = vector.shape_cast %exp3A : vector<16xf32> to vector<1x16xf32>
        tpu.vector_store %arg14[%swap3A, %swap3A_49], %swap3A_52 {strides = array<i32>} : memref<400x16xf32, #tpu.memory_space<vmem>>, vector<1x16xf32>,
        %mul3A_53 = arith.constant 4 : i32
        %mul3A_54 = arith.muli %scan3A_31, %mul3A_53 : i32
        %add3A_55 = arith.constant 1 : i32
        %add3A_56 = arith.addi %mul3A_54, %add3A_55 : i32
        %get3A_57 = arith.index_cast %add3A_56 : i32 to index
        %get3A_58 = arith.constant 0 : index
        %get3A_59 = tpu.vector_load %arg12[%get3A_57, %get3A_58] {strides = array<i32>} : memref<400x16xf32, #tpu.memory_space<vmem>>, vector<1x16xf32>,
        %get3A_60 = vector.shape_cast %get3A_59 : vector<1x16xf32> to vector<16xf32>
        %get3A_61 = arith.index_cast %add3A_56 : i32 to index
        %get3A_62 = arith.constant 0 : index
        %get3A_63 = tpu.vector_load %arg13[%get3A_61, %get3A_62] {strides = array<i32>} : memref<400x16xf32, #tpu.memory_space<vmem>>, vector<1x16xf32>,
        %get3A_64 = vector.shape_cast %get3A_63 : vector<1x16xf32> to vector<16xf32>
        %add3A_65 = arith.addf %get3A_60, %get3A_64 : vector<16xf32>
        %ge3A_66 = arith.constant 0.000000e+00 : f32
        %ge3A_67 = vector.broadcast %ge3A_66 : f32 to vector<16xf32>
        %ge3A_68 = arith.cmpf oge, %add3A_65, %ge3A_67 : vector<16xf32>
        %mul3A_69 = arith.constant 2.000000e-01 : f32
        %mul3A_70 = vector.broadcast %mul3A_69 : f32 to vector<16xf32>
        %mul3A_71 = arith.mulf %mul3A_70, %add3A_65 : vector<16xf32>
        %select_n3A_72 = arith.select %ge3A_68, %add3A_65, %mul3A_71 : vector<16xi1>, vector<16xf32>
        %exp3A_73 = math.exp %select_n3A_72 : vector<16xf32>
        %swap3A_74 = arith.index_cast %add3A_56 : i32 to index
        %swap3A_75 = arith.constant 0 : index
        %swap3A_76 = tpu.vector_load %arg14[%swap3A_74, %swap3A_75] {strides = array<i32>} : memref<400x16xf32, #tpu.memory_space<vmem>>, vector<1x16xf32>,
        %swap3A_77 = vector.shape_cast %swap3A_76 : vector<1x16xf32> to vector<16xf32>
        %swap3A_78 = vector.shape_cast %exp3A_73 : vector<16xf32> to vector<1x16xf32>
        tpu.vector_store %arg14[%swap3A_74, %swap3A_75], %swap3A_78 {strides = array<i32>} : memref<400x16xf32, #tpu.memory_space<vmem>>, vector<1x16xf32>,
        %mul3A_79 = arith.constant 4 : i32
        %mul3A_80 = arith.muli %scan3A_31, %mul3A_79 : i32
        %add3A_81 = arith.constant 2 : i32
        %add3A_82 = arith.addi %mul3A_80, %add3A_81 : i32
        %get3A_83 = arith.index_cast %add3A_82 : i32 to index
        %get3A_84 = arith.constant 0 : index
        %get3A_85 = tpu.vector_load %arg12[%get3A_83, %get3A_84] {strides = array<i32>} : memref<400x16xf32, #tpu.memory_space<vmem>>, vector<1x16xf32>,
        %get3A_86 = vector.shape_cast %get3A_85 : vector<1x16xf32> to vector<16xf32>
        %get3A_87 = arith.index_cast %add3A_82 : i32 to index
        %get3A_88 = arith.constant 0 : index
        %get3A_89 = tpu.vector_load %arg13[%get3A_87, %get3A_88] {strides = array<i32>} : memref<400x16xf32, #tpu.memory_space<vmem>>, vector<1x16xf32>,
        %get3A_90 = vector.shape_cast %get3A_89 : vector<1x16xf32> to vector<16xf32>
        %add3A_91 = arith.addf %get3A_86, %get3A_90 : vector<16xf32>
        %ge3A_92 = arith.constant 0.000000e+00 : f32
        %ge3A_93 = vector.broadcast %ge3A_92 : f32 to vector<16xf32>
        %ge3A_94 = arith.cmpf oge, %add3A_91, %ge3A_93 : vector<16xf32>
        %mul3A_95 = arith.constant 2.000000e-01 : f32
        %mul3A_96 = vector.broadcast %mul3A_95 : f32 to vector<16xf32>
        %mul3A_97 = arith.mulf %mul3A_96, %add3A_91 : vector<16xf32>
        %select_n3A_98 = arith.select %ge3A_94, %add3A_91, %mul3A_97 : vector<16xi1>, vector<16xf32>
        %exp3A_99 = math.exp %select_n3A_98 : vector<16xf32>
        %swap3A_100 = arith.index_cast %add3A_82 : i32 to index
        %swap3A_101 = arith.constant 0 : index
        %swap3A_102 = tpu.vector_load %arg14[%swap3A_100, %swap3A_101] {strides = array<i32>} : memref<400x16xf32, #tpu.memory_space<vmem>>, vector<1x16xf32>,
        %swap3A_103 = vector.shape_cast %swap3A_102 : vector<1x16xf32> to vector<16xf32>
        %swap3A_104 = vector.shape_cast %exp3A_99 : vector<16xf32> to vector<1x16xf32>
        tpu.vector_store %arg14[%swap3A_100, %swap3A_101], %swap3A_104 {strides = array<i32>} : memref<400x16xf32, #tpu.memory_space<vmem>>, vector<1x16xf32>,
        %mul3A_105 = arith.constant 4 : i32
        %mul3A_106 = arith.muli %scan3A_31, %mul3A_105 : i32
        %add3A_107 = arith.constant 3 : i32
        %add3A_108 = arith.addi %mul3A_106, %add3A_107 : i32
        %get3A_109 = arith.index_cast %add3A_108 : i32 to index
        %get3A_110 = arith.constant 0 : index
        %get3A_111 = tpu.vector_load %arg12[%get3A_109, %get3A_110] {strides = array<i32>} : memref<400x16xf32, #tpu.memory_space<vmem>>, vector<1x16xf32>,
        %get3A_112 = vector.shape_cast %get3A_111 : vector<1x16xf32> to vector<16xf32>
        %get3A_113 = arith.index_cast %add3A_108 : i32 to index
        %get3A_114 = arith.constant 0 : index
        %get3A_115 = tpu.vector_load %arg13[%get3A_113, %get3A_114] {strides = array<i32>} : memref<400x16xf32, #tpu.memory_space<vmem>>, vector<1x16xf32>,
        %get3A_116 = vector.shape_cast %get3A_115 : vector<1x16xf32> to vector<16xf32>
        %add3A_117 = arith.addf %get3A_112, %get3A_116 : vector<16xf32>
        %ge3A_118 = arith.constant 0.000000e+00 : f32
        %ge3A_119 = vector.broadcast %ge3A_118 : f32 to vector<16xf32>
        %ge3A_120 = arith.cmpf oge, %add3A_117, %ge3A_119 : vector<16xf32>
        %mul3A_121 = arith.constant 2.000000e-01 : f32
        %mul3A_122 = vector.broadcast %mul3A_121 : f32 to vector<16xf32>
        %mul3A_123 = arith.mulf %mul3A_122, %add3A_117 : vector<16xf32>
        %select_n3A_124 = arith.select %ge3A_120, %add3A_117, %mul3A_123 : vector<16xi1>, vector<16xf32>
        %exp3A_125 = math.exp %select_n3A_124 : vector<16xf32>
        %swap3A_126 = arith.index_cast %add3A_108 : i32 to index
        %swap3A_127 = arith.constant 0 : index
        %swap3A_128 = tpu.vector_load %arg14[%swap3A_126, %swap3A_127] {strides = array<i32>} : memref<400x16xf32, #tpu.memory_space<vmem>>, vector<1x16xf32>,
        %swap3A_129 = vector.shape_cast %swap3A_128 : vector<1x16xf32> to vector<16xf32>
        %swap3A_130 = vector.shape_cast %exp3A_125 : vector<16xf32> to vector<1x16xf32>
        tpu.vector_store %arg14[%swap3A_126, %swap3A_127], %swap3A_130 {strides = array<i32>} : memref<400x16xf32, #tpu.memory_space<vmem>>, vector<1x16xf32>,
      }
      %scan3A_30 = arith.constant 100 : i32
      "tpu.region"() ({
        %run_scoped3A = tpu.sem_alloc : memref<!tpu.dma_semaphore, #tpu.memory_space<semaphore_mem>>
        %dma_start3A = arith.constant 0 : i32
        %dma_start3A_31 = arith.constant 0 : i32
        %dma_start3A_32 = tpu.memref_slice %arg17[%dma_start3A, %dma_start3A_31] : memref<10240x16xf32, #tpu.memory_space<vmem_shared>> -> memref<10240x16xf32, #tpu.memory_space<vmem_shared>>
        tpu.enqueue_indirect_dma source(%arg14 : memref<400x16xf32, #tpu.memory_space<vmem>>) target(%dma_start3A_32 : memref<10240x16xf32, #tpu.memory_space<vmem_shared>>) offsets(%arg11 : memref<400xi32, #tpu.memory_space<vmem>>) semaphore(%run_scoped3A : memref<!tpu.dma_semaphore, #tpu.memory_space<semaphore_mem>>) {add = true}
        %dma_wait3A = arith.constant 0 : i32
        %dma_wait3A_33 = arith.constant 0 : i32
        %dma_wait3A_34 = tpu.memref_slice %arg17[%dma_wait3A, %dma_wait3A_33] : memref<10240x16xf32, #tpu.memory_space<vmem_shared>> -> memref<10240x16xf32, #tpu.memory_space<vmem_shared>>
        tpu.wait_indirect_dma semaphore(%run_scoped3A : memref<!tpu.dma_semaphore, #tpu.memory_space<semaphore_mem>>) src(%arg14 : memref<400x16xf32, #tpu.memory_space<vmem>>) dst(%dma_wait3A_34 : memref<10240x16xf32, #tpu.memory_space<vmem_shared>>)
        tpu.yield
      }) : () -> ()
    }
    %scan3A_7 = arith.constant 25 : i32
    %barrier3A_8 = arith.constant 0 : index
    tpu.barrier barrier_id(%barrier3A_8)
    "tpu.region"() ({
      %run_scoped3A = tpu.sem_alloc : memref<!tpu.dma_semaphore, #tpu.memory_space<semaphore_mem>>
      %dma_start3A = arith.constant 0 : i32
      %dma_start3A_21 = tpu.memref_slice %arg18[%mul3A_0, %dma_start3A] : memref<10240x16xf32, #tpu.memory_space<vmem_shared>> -> memref<640x16xf32, #tpu.memory_space<vmem_shared>>
      %dma_start3A_22 = arith.constant 0 : i32
      %dma_start3A_23 = tpu.memref_slice %arg7[%mul3A_0, %dma_start3A_22] : memref<10240x16xf32, #tpu.memory_space<hbm>> -> memref<640x16xf32, #tpu.memory_space<hbm>>
      tpu.enqueue_dma source(%dma_start3A_23 : memref<640x16xf32, #tpu.memory_space<hbm>>) target(%dma_start3A_21 : memref<640x16xf32, #tpu.memory_space<vmem_shared>>) target_semaphore(%run_scoped3A : memref<!tpu.dma_semaphore, #tpu.memory_space<semaphore_mem>>)
      %dma_wait3A = arith.constant 0 : i32
      %dma_wait3A_24 = tpu.memref_slice %arg18[%mul3A_0, %dma_wait3A] : memref<10240x16xf32, #tpu.memory_space<vmem_shared>> -> memref<640x16xf32, #tpu.memory_space<vmem_shared>>
      %dma_wait3A_25 = arith.constant 0 : i32
      %dma_wait3A_26 = tpu.memref_slice %arg7[%mul3A_0, %dma_wait3A_25] : memref<10240x16xf32, #tpu.memory_space<hbm>> -> memref<640x16xf32, #tpu.memory_space<hbm>>
      tpu.wait_dma2 semaphore(%run_scoped3A : memref<!tpu.dma_semaphore, #tpu.memory_space<semaphore_mem>>) src(%dma_wait3A_26 : memref<640x16xf32, #tpu.memory_space<hbm>>) dst(%dma_wait3A_24 : memref<640x16xf32, #tpu.memory_space<vmem_shared>>)
      tpu.yield
    }) : () -> ()
    %barrier3A_9 = arith.constant 0 : index
    tpu.barrier barrier_id(%barrier3A_9)
    %scan3A_10 = arith.constant 0 : i32
    %scan3A_11 = arith.constant 0 : i32
    %scan3A_12 = arith.constant 25 : i32
    %scan3A_13 = arith.addi %scan3A_11, %scan3A_12 : i32
    %scan3A_14 = arith.constant 1 : i32
    scf.for %scan3A_21 = %scan3A_11 to %scan3A_13 step %scan3A_14  : i32 {
      %mul3A_22 = arith.constant 400 : i32
      %mul3A_23 = arith.muli %scan3A_21, %mul3A_22 : i32
      %add3A_24 = arith.addi %mul3A_2, %mul3A_23 : i32
      "tpu.region"() ({
        %run_scoped3A = tpu.sem_alloc : memref<!tpu.dma_semaphore, #tpu.memory_space<semaphore_mem>>
        %dma_start3A = tpu.memref_slice %arg2[%add3A_24] : memref<160000xi32, #tpu.memory_space<hbm>> -> memref<400xi32, #tpu.memory_space<hbm>>
        %dma_start3A_35 = tpu.memref_slice %arg2[%add3A_24] : memref<160000xi32, #tpu.memory_space<hbm>> -> memref<400xi32, #tpu.memory_space<hbm>>
        tpu.enqueue_dma source(%dma_start3A_35 : memref<400xi32, #tpu.memory_space<hbm>>) target(%arg10 : memref<400xi32, #tpu.memory_space<vmem>>) target_semaphore(%run_scoped3A : memref<!tpu.dma_semaphore, #tpu.memory_space<semaphore_mem>>)
        %dma_wait3A = tpu.memref_slice %arg2[%add3A_24] : memref<160000xi32, #tpu.memory_space<hbm>> -> memref<400xi32, #tpu.memory_space<hbm>>
        %dma_wait3A_36 = tpu.memref_slice %arg2[%add3A_24] : memref<160000xi32, #tpu.memory_space<hbm>> -> memref<400xi32, #tpu.memory_space<hbm>>
        tpu.wait_dma2 semaphore(%run_scoped3A : memref<!tpu.dma_semaphore, #tpu.memory_space<semaphore_mem>>) src(%dma_wait3A_36 : memref<400xi32, #tpu.memory_space<hbm>>) dst(%arg10 : memref<400xi32, #tpu.memory_space<vmem>>)
        tpu.yield
      }) : () -> ()
      "tpu.region"() ({
        %run_scoped3A = tpu.sem_alloc : memref<!tpu.dma_semaphore, #tpu.memory_space<semaphore_mem>>
        %dma_start3A = tpu.memref_slice %arg3[%add3A_24] : memref<160000xi32, #tpu.memory_space<hbm>> -> memref<400xi32, #tpu.memory_space<hbm>>
        %dma_start3A_35 = tpu.memref_slice %arg3[%add3A_24] : memref<160000xi32, #tpu.memory_space<hbm>> -> memref<400xi32, #tpu.memory_space<hbm>>
        tpu.enqueue_dma source(%dma_start3A_35 : memref<400xi32, #tpu.memory_space<hbm>>) target(%arg11 : memref<400xi32, #tpu.memory_space<vmem>>) target_semaphore(%run_scoped3A : memref<!tpu.dma_semaphore, #tpu.memory_space<semaphore_mem>>)
        %dma_wait3A = tpu.memref_slice %arg3[%add3A_24] : memref<160000xi32, #tpu.memory_space<hbm>> -> memref<400xi32, #tpu.memory_space<hbm>>
        %dma_wait3A_36 = tpu.memref_slice %arg3[%add3A_24] : memref<160000xi32, #tpu.memory_space<hbm>> -> memref<400xi32, #tpu.memory_space<hbm>>
        tpu.wait_dma2 semaphore(%run_scoped3A : memref<!tpu.dma_semaphore, #tpu.memory_space<semaphore_mem>>) src(%dma_wait3A_36 : memref<400xi32, #tpu.memory_space<hbm>>) dst(%arg11 : memref<400xi32, #tpu.memory_space<vmem>>)
        tpu.yield
      }) : () -> ()
      "tpu.region"() ({
        %run_scoped3A = tpu.sem_alloc : memref<!tpu.dma_semaphore, #tpu.memory_space<semaphore_mem>>
        %dma_start3A = arith.constant 0 : i32
        %dma_start3A_35 = arith.constant 0 : i32
        %dma_start3A_36 = tpu.memref_slice %arg4[%arg0, %dma_start3A, %dma_start3A_35] : memref<2x10240x16xf32, #tpu.memory_space<hbm>> -> memref<1x10240x16xf32, #tpu.memory_space<hbm>>
        %dma_start3A_37 = tpu.memref_squeeze %dma_start3A_36 : memref<1x10240x16xf32, #tpu.memory_space<hbm>> -> memref<10240x16xf32, #tpu.memory_space<hbm>>
        %dma_start3A_38 = arith.constant 0 : i32
        %dma_start3A_39 = arith.constant 0 : i32
        %dma_start3A_40 = tpu.memref_slice %dma_start3A_37[%dma_start3A_38, %dma_start3A_39] : memref<10240x16xf32, #tpu.memory_space<hbm>> -> memref<10240x16xf32, #tpu.memory_space<hbm>>
        tpu.enqueue_indirect_dma source(%dma_start3A_40 : memref<10240x16xf32, #tpu.memory_space<hbm>>) target(%arg12 : memref<400x16xf32, #tpu.memory_space<vmem>>) offsets(%arg10 : memref<400xi32, #tpu.memory_space<vmem>>) semaphore(%run_scoped3A : memref<!tpu.dma_semaphore, #tpu.memory_space<semaphore_mem>>)
        %dma_wait3A = arith.constant 0 : i32
        %dma_wait3A_41 = arith.constant 0 : i32
        %dma_wait3A_42 = tpu.memref_slice %arg4[%arg0, %dma_wait3A, %dma_wait3A_41] : memref<2x10240x16xf32, #tpu.memory_space<hbm>> -> memref<1x10240x16xf32, #tpu.memory_space<hbm>>
        %dma_wait3A_43 = tpu.memref_squeeze %dma_wait3A_42 : memref<1x10240x16xf32, #tpu.memory_space<hbm>> -> memref<10240x16xf32, #tpu.memory_space<hbm>>
        %dma_wait3A_44 = arith.constant 0 : i32
        %dma_wait3A_45 = arith.constant 0 : i32
        %dma_wait3A_46 = tpu.memref_slice %dma_wait3A_43[%dma_wait3A_44, %dma_wait3A_45] : memref<10240x16xf32, #tpu.memory_space<hbm>> -> memref<10240x16xf32, #tpu.memory_space<hbm>>
        tpu.wait_indirect_dma semaphore(%run_scoped3A : memref<!tpu.dma_semaphore, #tpu.memory_space<semaphore_mem>>) src(%dma_wait3A_46 : memref<10240x16xf32, #tpu.memory_space<hbm>>) dst(%arg12 : memref<400x16xf32, #tpu.memory_space<vmem>>)
        tpu.yield
      }) : () -> ()
      "tpu.region"() ({
        %run_scoped3A = tpu.sem_alloc : memref<!tpu.dma_semaphore, #tpu.memory_space<semaphore_mem>>
        %dma_start3A = arith.constant 0 : i32
        %dma_start3A_35 = arith.constant 0 : i32
        %dma_start3A_36 = tpu.memref_slice %arg5[%arg0, %dma_start3A, %dma_start3A_35] : memref<2x10240x16xf32, #tpu.memory_space<hbm>> -> memref<1x10240x16xf32, #tpu.memory_space<hbm>>
        %dma_start3A_37 = tpu.memref_squeeze %dma_start3A_36 : memref<1x10240x16xf32, #tpu.memory_space<hbm>> -> memref<10240x16xf32, #tpu.memory_space<hbm>>
        %dma_start3A_38 = arith.constant 0 : i32
        %dma_start3A_39 = arith.constant 0 : i32
        %dma_start3A_40 = tpu.memref_slice %dma_start3A_37[%dma_start3A_38, %dma_start3A_39] : memref<10240x16xf32, #tpu.memory_space<hbm>> -> memref<10240x16xf32, #tpu.memory_space<hbm>>
        tpu.enqueue_indirect_dma source(%dma_start3A_40 : memref<10240x16xf32, #tpu.memory_space<hbm>>) target(%arg13 : memref<400x16xf32, #tpu.memory_space<vmem>>) offsets(%arg11 : memref<400xi32, #tpu.memory_space<vmem>>) semaphore(%run_scoped3A : memref<!tpu.dma_semaphore, #tpu.memory_space<semaphore_mem>>)
        %dma_wait3A = arith.constant 0 : i32
        %dma_wait3A_41 = arith.constant 0 : i32
        %dma_wait3A_42 = tpu.memref_slice %arg5[%arg0, %dma_wait3A, %dma_wait3A_41] : memref<2x10240x16xf32, #tpu.memory_space<hbm>> -> memref<1x10240x16xf32, #tpu.memory_space<hbm>>
        %dma_wait3A_43 = tpu.memref_squeeze %dma_wait3A_42 : memref<1x10240x16xf32, #tpu.memory_space<hbm>> -> memref<10240x16xf32, #tpu.memory_space<hbm>>
        %dma_wait3A_44 = arith.constant 0 : i32
        %dma_wait3A_45 = arith.constant 0 : i32
        %dma_wait3A_46 = tpu.memref_slice %dma_wait3A_43[%dma_wait3A_44, %dma_wait3A_45] : memref<10240x16xf32, #tpu.memory_space<hbm>> -> memref<10240x16xf32, #tpu.memory_space<hbm>>
        tpu.wait_indirect_dma semaphore(%run_scoped3A : memref<!tpu.dma_semaphore, #tpu.memory_space<semaphore_mem>>) src(%dma_wait3A_46 : memref<10240x16xf32, #tpu.memory_space<hbm>>) dst(%arg13 : memref<400x16xf32, #tpu.memory_space<vmem>>)
        tpu.yield
      }) : () -> ()
      "tpu.region"() ({
        %run_scoped3A = tpu.sem_alloc : memref<!tpu.dma_semaphore, #tpu.memory_space<semaphore_mem>>
        %dma_start3A = arith.constant 0 : i32
        %dma_start3A_35 = arith.constant 0 : i32
        %dma_start3A_36 = tpu.memref_slice %arg17[%dma_start3A, %dma_start3A_35] : memref<10240x16xf32, #tpu.memory_space<vmem_shared>> -> memref<10240x16xf32, #tpu.memory_space<vmem_shared>>
        tpu.enqueue_indirect_dma source(%dma_start3A_36 : memref<10240x16xf32, #tpu.memory_space<vmem_shared>>) target(%arg15 : memref<400x16xf32, #tpu.memory_space<vmem>>) offsets(%arg11 : memref<400xi32, #tpu.memory_space<vmem>>) semaphore(%run_scoped3A : memref<!tpu.dma_semaphore, #tpu.memory_space<semaphore_mem>>)
        %dma_wait3A = arith.constant 0 : i32
        %dma_wait3A_37 = arith.constant 0 : i32
        %dma_wait3A_38 = tpu.memref_slice %arg17[%dma_wait3A, %dma_wait3A_37] : memref<10240x16xf32, #tpu.memory_space<vmem_shared>> -> memref<10240x16xf32, #tpu.memory_space<vmem_shared>>
        tpu.wait_indirect_dma semaphore(%run_scoped3A : memref<!tpu.dma_semaphore, #tpu.memory_space<semaphore_mem>>) src(%dma_wait3A_38 : memref<10240x16xf32, #tpu.memory_space<vmem_shared>>) dst(%arg15 : memref<400x16xf32, #tpu.memory_space<vmem>>)
        tpu.yield
      }) : () -> ()
      %mul3A_25 = arith.constant 1 : i32
      %mul3A_26 = arith.muli %arg0, %mul3A_25 : i32
      %add3A_27 = arith.constant 0 : i32
      %add3A_28 = arith.addi %mul3A_26, %add3A_27 : i32
      "tpu.region"() ({
        %run_scoped3A = tpu.sem_alloc : memref<!tpu.dma_semaphore, #tpu.memory_space<semaphore_mem>>
        %dma_start3A = arith.constant 0 : i32
        %dma_start3A_35 = arith.constant 0 : i32
        %dma_start3A_36 = tpu.memref_slice %arg6[%add3A_28, %dma_start3A, %dma_start3A_35] : memref<2x10240x16xf32, #tpu.memory_space<hbm>> -> memref<1x10240x16xf32, #tpu.memory_space<hbm>>
        %dma_start3A_37 = tpu.memref_squeeze %dma_start3A_36 : memref<1x10240x16xf32, #tpu.memory_space<hbm>> -> memref<10240x16xf32, #tpu.memory_space<hbm>>
        %dma_start3A_38 = arith.constant 0 : i32
        %dma_start3A_39 = arith.constant 0 : i32
        %dma_start3A_40 = tpu.memref_slice %dma_start3A_37[%dma_start3A_38, %dma_start3A_39] : memref<10240x16xf32, #tpu.memory_space<hbm>> -> memref<10240x16xf32, #tpu.memory_space<hbm>>
        tpu.enqueue_indirect_dma source(%dma_start3A_40 : memref<10240x16xf32, #tpu.memory_space<hbm>>) target(%arg16 : memref<400x16xf32, #tpu.memory_space<vmem>>) offsets(%arg10 : memref<400xi32, #tpu.memory_space<vmem>>) semaphore(%run_scoped3A : memref<!tpu.dma_semaphore, #tpu.memory_space<semaphore_mem>>)
        %dma_wait3A = arith.constant 0 : i32
        %dma_wait3A_41 = arith.constant 0 : i32
        %dma_wait3A_42 = tpu.memref_slice %arg6[%add3A_28, %dma_wait3A, %dma_wait3A_41] : memref<2x10240x16xf32, #tpu.memory_space<hbm>> -> memref<1x10240x16xf32, #tpu.memory_space<hbm>>
        %dma_wait3A_43 = tpu.memref_squeeze %dma_wait3A_42 : memref<1x10240x16xf32, #tpu.memory_space<hbm>> -> memref<10240x16xf32, #tpu.memory_space<hbm>>
        %dma_wait3A_44 = arith.constant 0 : i32
        %dma_wait3A_45 = arith.constant 0 : i32
        %dma_wait3A_46 = tpu.memref_slice %dma_wait3A_43[%dma_wait3A_44, %dma_wait3A_45] : memref<10240x16xf32, #tpu.memory_space<hbm>> -> memref<10240x16xf32, #tpu.memory_space<hbm>>
        tpu.wait_indirect_dma semaphore(%run_scoped3A : memref<!tpu.dma_semaphore, #tpu.memory_space<semaphore_mem>>) src(%dma_wait3A_46 : memref<10240x16xf32, #tpu.memory_space<hbm>>) dst(%arg16 : memref<400x16xf32, #tpu.memory_space<vmem>>)
        tpu.yield
      }) : () -> ()
      %scan3A_29 = arith.constant 0 : i32
      %scan3A_30 = arith.constant 0 : i32
      %scan3A_31 = arith.constant 200 : i32
      %scan3A_32 = arith.addi %scan3A_30, %scan3A_31 : i32
      %scan3A_33 = arith.constant 1 : i32
      scf.for %scan3A_35 = %scan3A_30 to %scan3A_32 step %scan3A_33  : i32 {
        %mul3A_36 = arith.constant 2 : i32
        %mul3A_37 = arith.muli %scan3A_35, %mul3A_36 : i32
        %add3A_38 = arith.constant 0 : i32
        %add3A_39 = arith.addi %mul3A_37, %add3A_38 : i32
        %get3A = arith.index_cast %add3A_39 : i32 to index
        %get3A_40 = arith.constant 0 : index
        %get3A_41 = tpu.vector_load %arg12[%get3A, %get3A_40] {strides = array<i32>} : memref<400x16xf32, #tpu.memory_space<vmem>>, vector<1x16xf32>,
        %get3A_42 = vector.shape_cast %get3A_41 : vector<1x16xf32> to vector<16xf32>
        %get3A_43 = arith.index_cast %add3A_39 : i32 to index
        %get3A_44 = arith.constant 0 : index
        %get3A_45 = tpu.vector_load %arg13[%get3A_43, %get3A_44] {strides = array<i32>} : memref<400x16xf32, #tpu.memory_space<vmem>>, vector<1x16xf32>,
        %get3A_46 = vector.shape_cast %get3A_45 : vector<1x16xf32> to vector<16xf32>
        %add3A_47 = arith.addf %get3A_42, %get3A_46 : vector<16xf32>
        %ge3A = arith.constant 0.000000e+00 : f32
        %ge3A_48 = vector.broadcast %ge3A : f32 to vector<16xf32>
        %ge3A_49 = arith.cmpf oge, %add3A_47, %ge3A_48 : vector<16xf32>
        %mul3A_50 = arith.constant 2.000000e-01 : f32
        %mul3A_51 = vector.broadcast %mul3A_50 : f32 to vector<16xf32>
        %mul3A_52 = arith.mulf %mul3A_51, %add3A_47 : vector<16xf32>
        %select_n3A = arith.select %ge3A_49, %add3A_47, %mul3A_52 : vector<16xi1>, vector<16xf32>
        %exp3A = math.exp %select_n3A : vector<16xf32>
        %swap3A = arith.index_cast %add3A_39 : i32 to index
        %swap3A_53 = arith.constant 0 : index
        %swap3A_54 = tpu.vector_load %arg14[%swap3A, %swap3A_53] {strides = array<i32>} : memref<400x16xf32, #tpu.memory_space<vmem>>, vector<1x16xf32>,
        %swap3A_55 = vector.shape_cast %swap3A_54 : vector<1x16xf32> to vector<16xf32>
        %swap3A_56 = vector.shape_cast %exp3A : vector<16xf32> to vector<1x16xf32>
        tpu.vector_store %arg14[%swap3A, %swap3A_53], %swap3A_56 {strides = array<i32>} : memref<400x16xf32, #tpu.memory_space<vmem>>, vector<1x16xf32>,
        %get3A_57 = arith.index_cast %add3A_39 : i32 to index
        %get3A_58 = arith.constant 0 : index
        %get3A_59 = tpu.vector_load %arg15[%get3A_57, %get3A_58] {strides = array<i32>} : memref<400x16xf32, #tpu.memory_space<vmem>>, vector<1x16xf32>,
        %get3A_60 = vector.shape_cast %get3A_59 : vector<1x16xf32> to vector<16xf32>
        %add3A_61 = arith.constant 9.99999971E-10 : f32
        %add3A_62 = vector.broadcast %add3A_61 : f32 to vector<16xf32>
        %add3A_63 = arith.addf %get3A_60, %add3A_62 : vector<16xf32>
        %div3A = arith.divf %exp3A, %add3A_63 : vector<16xf32>
        %broadcast_in_dim3A = arith.constant 0 : i32
        %broadcast_in_dim3A_64 = vector.broadcast %broadcast_in_dim3A : i32 to vector<16x1xi32>
        %gather3A = vector.shape_cast %broadcast_in_dim3A_64 : vector<16x1xi32> to vector<16xi32>
        %gather3A_65 = tpu.dynamic_gather %div3A[%gather3A] in [0] : vector<16xf32>, vector<16xi32> -> vector<16xf32>
        %get3A_66 = arith.index_cast %add3A_39 : i32 to index
        %get3A_67 = arith.constant 0 : index
        %get3A_68 = tpu.vector_load %arg16[%get3A_66, %get3A_67] {strides = array<i32>} : memref<400x16xf32, #tpu.memory_space<vmem>>, vector<1x16xf32>,
        %get3A_69 = vector.shape_cast %get3A_68 : vector<1x16xf32> to vector<16xf32>
        %mul3A_70 = arith.mulf %get3A_69, %gather3A_65 : vector<16xf32>
        %swap3A_71 = arith.index_cast %add3A_39 : i32 to index
        %swap3A_72 = arith.constant 0 : index
        %swap3A_73 = tpu.vector_load %arg16[%swap3A_71, %swap3A_72] {strides = array<i32>} : memref<400x16xf32, #tpu.memory_space<vmem>>, vector<1x16xf32>,
        %swap3A_74 = vector.shape_cast %swap3A_73 : vector<1x16xf32> to vector<16xf32>
        %swap3A_75 = vector.shape_cast %mul3A_70 : vector<16xf32> to vector<1x16xf32>
        tpu.vector_store %arg16[%swap3A_71, %swap3A_72], %swap3A_75 {strides = array<i32>} : memref<400x16xf32, #tpu.memory_space<vmem>>, vector<1x16xf32>,
        %mul3A_76 = arith.constant 2 : i32
        %mul3A_77 = arith.muli %scan3A_35, %mul3A_76 : i32
        %add3A_78 = arith.constant 1 : i32
        %add3A_79 = arith.addi %mul3A_77, %add3A_78 : i32
        %get3A_80 = arith.index_cast %add3A_79 : i32 to index
        %get3A_81 = arith.constant 0 : index
        %get3A_82 = tpu.vector_load %arg12[%get3A_80, %get3A_81] {strides = array<i32>} : memref<400x16xf32, #tpu.memory_space<vmem>>, vector<1x16xf32>,
        %get3A_83 = vector.shape_cast %get3A_82 : vector<1x16xf32> to vector<16xf32>
        %get3A_84 = arith.index_cast %add3A_79 : i32 to index
        %get3A_85 = arith.constant 0 : index
        %get3A_86 = tpu.vector_load %arg13[%get3A_84, %get3A_85] {strides = array<i32>} : memref<400x16xf32, #tpu.memory_space<vmem>>, vector<1x16xf32>,
        %get3A_87 = vector.shape_cast %get3A_86 : vector<1x16xf32> to vector<16xf32>
        %add3A_88 = arith.addf %get3A_83, %get3A_87 : vector<16xf32>
        %ge3A_89 = arith.constant 0.000000e+00 : f32
        %ge3A_90 = vector.broadcast %ge3A_89 : f32 to vector<16xf32>
        %ge3A_91 = arith.cmpf oge, %add3A_88, %ge3A_90 : vector<16xf32>
        %mul3A_92 = arith.constant 2.000000e-01 : f32
        %mul3A_93 = vector.broadcast %mul3A_92 : f32 to vector<16xf32>
        %mul3A_94 = arith.mulf %mul3A_93, %add3A_88 : vector<16xf32>
        %select_n3A_95 = arith.select %ge3A_91, %add3A_88, %mul3A_94 : vector<16xi1>, vector<16xf32>
        %exp3A_96 = math.exp %select_n3A_95 : vector<16xf32>
        %swap3A_97 = arith.index_cast %add3A_79 : i32 to index
        %swap3A_98 = arith.constant 0 : index
        %swap3A_99 = tpu.vector_load %arg14[%swap3A_97, %swap3A_98] {strides = array<i32>} : memref<400x16xf32, #tpu.memory_space<vmem>>, vector<1x16xf32>,
        %swap3A_100 = vector.shape_cast %swap3A_99 : vector<1x16xf32> to vector<16xf32>
        %swap3A_101 = vector.shape_cast %exp3A_96 : vector<16xf32> to vector<1x16xf32>
        tpu.vector_store %arg14[%swap3A_97, %swap3A_98], %swap3A_101 {strides = array<i32>} : memref<400x16xf32, #tpu.memory_space<vmem>>, vector<1x16xf32>,
        %get3A_102 = arith.index_cast %add3A_79 : i32 to index
        %get3A_103 = arith.constant 0 : index
        %get3A_104 = tpu.vector_load %arg15[%get3A_102, %get3A_103] {strides = array<i32>} : memref<400x16xf32, #tpu.memory_space<vmem>>, vector<1x16xf32>,
        %get3A_105 = vector.shape_cast %get3A_104 : vector<1x16xf32> to vector<16xf32>
        %add3A_106 = arith.constant 9.99999971E-10 : f32
        %add3A_107 = vector.broadcast %add3A_106 : f32 to vector<16xf32>
        %add3A_108 = arith.addf %get3A_105, %add3A_107 : vector<16xf32>
        %div3A_109 = arith.divf %exp3A_96, %add3A_108 : vector<16xf32>
        %broadcast_in_dim3A_110 = arith.constant 0 : i32
        %broadcast_in_dim3A_111 = vector.broadcast %broadcast_in_dim3A_110 : i32 to vector<16x1xi32>
        %gather3A_112 = vector.shape_cast %broadcast_in_dim3A_111 : vector<16x1xi32> to vector<16xi32>
        %gather3A_113 = tpu.dynamic_gather %div3A_109[%gather3A_112] in [0] : vector<16xf32>, vector<16xi32> -> vector<16xf32>
        %get3A_114 = arith.index_cast %add3A_79 : i32 to index
        %get3A_115 = arith.constant 0 : index
        %get3A_116 = tpu.vector_load %arg16[%get3A_114, %get3A_115] {strides = array<i32>} : memref<400x16xf32, #tpu.memory_space<vmem>>, vector<1x16xf32>,
        %get3A_117 = vector.shape_cast %get3A_116 : vector<1x16xf32> to vector<16xf32>
        %mul3A_118 = arith.mulf %get3A_117, %gather3A_113 : vector<16xf32>
        %swap3A_119 = arith.index_cast %add3A_79 : i32 to index
        %swap3A_120 = arith.constant 0 : index
        %swap3A_121 = tpu.vector_load %arg16[%swap3A_119, %swap3A_120] {strides = array<i32>} : memref<400x16xf32, #tpu.memory_space<vmem>>, vector<1x16xf32>,
        %swap3A_122 = vector.shape_cast %swap3A_121 : vector<1x16xf32> to vector<16xf32>
        %swap3A_123 = vector.shape_cast %mul3A_118 : vector<16xf32> to vector<1x16xf32>
        tpu.vector_store %arg16[%swap3A_119, %swap3A_120], %swap3A_123 {strides = array<i32>} : memref<400x16xf32, #tpu.memory_space<vmem>>, vector<1x16xf32>,
      }
      %scan3A_34 = arith.constant 200 : i32
      "tpu.region"() ({
        %run_scoped3A = tpu.sem_alloc : memref<!tpu.dma_semaphore, #tpu.memory_space<semaphore_mem>>
        %dma_start3A = arith.constant 0 : i32
        %dma_start3A_35 = arith.constant 0 : i32
        %dma_start3A_36 = tpu.memref_slice %arg18[%dma_start3A, %dma_start3A_35] : memref<10240x16xf32, #tpu.memory_space<vmem_shared>> -> memref<10240x16xf32, #tpu.memory_space<vmem_shared>>
        tpu.enqueue_indirect_dma source(%arg16 : memref<400x16xf32, #tpu.memory_space<vmem>>) target(%dma_start3A_36 : memref<10240x16xf32, #tpu.memory_space<vmem_shared>>) offsets(%arg11 : memref<400xi32, #tpu.memory_space<vmem>>) semaphore(%run_scoped3A : memref<!tpu.dma_semaphore, #tpu.memory_space<semaphore_mem>>) {add = true}
        %dma_wait3A = arith.constant 0 : i32
        %dma_wait3A_37 = arith.constant 0 : i32
        %dma_wait3A_38 = tpu.memref_slice %arg18[%dma_wait3A, %dma_wait3A_37] : memref<10240x16xf32, #tpu.memory_space<vmem_shared>> -> memref<10240x16xf32, #tpu.memory_space<vmem_shared>>
        tpu.wait_indirect_dma semaphore(%run_scoped3A : memref<!tpu.dma_semaphore, #tpu.memory_space<semaphore_mem>>) src(%arg16 : memref<400x16xf32, #tpu.memory_space<vmem>>) dst(%dma_wait3A_38 : memref<10240x16xf32, #tpu.memory_space<vmem_shared>>)
        tpu.yield
      }) : () -> ()
    }
    %scan3A_15 = arith.constant 25 : i32
    %barrier3A_16 = arith.constant 0 : index
    tpu.barrier barrier_id(%barrier3A_16)
    %mul3A_17 = arith.constant 1 : i32
    %mul3A_18 = arith.muli %arg0, %mul3A_17 : i32
    %add3A = arith.constant 0 : i32
    %add3A_19 = arith.addi %mul3A_18, %add3A : i32
    "tpu.region"() ({
      %run_scoped3A = tpu.sem_alloc : memref<!tpu.dma_semaphore, #tpu.memory_space<semaphore_mem>>
      %dma_start3A = arith.constant 0 : i32
      %dma_start3A_21 = tpu.memref_slice %arg9[%add3A_19, %mul3A_0, %dma_start3A] : memref<2x10240x16xf32, #tpu.memory_space<hbm>> -> memref<1x640x16xf32, #tpu.memory_space<hbm>>
      %dma_start3A_22 = tpu.memref_squeeze %dma_start3A_21 : memref<1x640x16xf32, #tpu.memory_space<hbm>> -> memref<640x16xf32, #tpu.memory_space<hbm>>
      %dma_start3A_23 = arith.constant 0 : i32
      %dma_start3A_24 = tpu.memref_slice %arg18[%mul3A_0, %dma_start3A_23] : memref<10240x16xf32, #tpu.memory_space<vmem_shared>> -> memref<640x16xf32, #tpu.memory_space<vmem_shared>>
      tpu.enqueue_dma source(%dma_start3A_24 : memref<640x16xf32, #tpu.memory_space<vmem_shared>>) target(%dma_start3A_22 : memref<640x16xf32, #tpu.memory_space<hbm>>) target_semaphore(%run_scoped3A : memref<!tpu.dma_semaphore, #tpu.memory_space<semaphore_mem>>)
      %dma_wait3A = arith.constant 0 : i32
      %dma_wait3A_25 = tpu.memref_slice %arg9[%add3A_19, %mul3A_0, %dma_wait3A] : memref<2x10240x16xf32, #tpu.memory_space<hbm>> -> memref<1x640x16xf32, #tpu.memory_space<hbm>>
      %dma_wait3A_26 = tpu.memref_squeeze %dma_wait3A_25 : memref<1x640x16xf32, #tpu.memory_space<hbm>> -> memref<640x16xf32, #tpu.memory_space<hbm>>
      %dma_wait3A_27 = arith.constant 0 : i32
      %dma_wait3A_28 = tpu.memref_slice %arg18[%mul3A_0, %dma_wait3A_27] : memref<10240x16xf32, #tpu.memory_space<vmem_shared>> -> memref<640x16xf32, #tpu.memory_space<vmem_shared>>
      tpu.wait_dma2 semaphore(%run_scoped3A : memref<!tpu.dma_semaphore, #tpu.memory_space<semaphore_mem>>) src(%dma_wait3A_28 : memref<640x16xf32, #tpu.memory_space<vmem_shared>>) dst(%dma_wait3A_26 : memref<640x16xf32, #tpu.memory_space<hbm>>)
      tpu.yield
    }) : () -> ()
    %barrier3A_20 = arith.constant 0 : index
    tpu.barrier barrier_id(%barrier3A_20)
    return
  }
}

module attributes {stable_mosaic.version = 14 : i64} {
  func.func @_tc1_body(%arg0: i32, %arg1: memref<1024x128xf32, #tpu.memory_space<vmem>>, %arg2: memref<128x256xf32, #tpu.memory_space<vmem>>, %arg3: memref<128x32xf32, #tpu.memory_space<vmem>>, %arg4: memref<128x32xf32, #tpu.memory_space<vmem>>, %arg5: memref<4x1024x64xf32, #tpu.memory_space<vmem>>, %arg6: memref<2x1024x16xf32, #tpu.memory_space<vmem>>, %arg7: memref<2x1024x16xf32, #tpu.memory_space<vmem>>) attributes {dimension_semantics = [#tpu.dimension_semantics<arbitrary>], iteration_bounds = array<i64: 10>, scalar_prefetch = 0 : i64, scratch_operands = 0 : i64, tpu.core_type = #tpu.core_type<tc>, window_params = [{transform_indices = @transform_0, window_bounds = array<i64: 1024, 128>}, {pipeline_mode = #tpu.pipeline_mode<synchronous>, transform_indices = @transform_1, window_bounds = array<i64: 128, 256>}, {pipeline_mode = #tpu.pipeline_mode<synchronous>, transform_indices = @transform_2, window_bounds = array<i64: 128, 32>}, {pipeline_mode = #tpu.pipeline_mode<synchronous>, transform_indices = @transform_3, window_bounds = array<i64: 128, 32>}, {transform_indices = @transform_4, window_bounds = array<i64: 4, 1024, 64>}, {transform_indices = @transform_5, window_bounds = array<i64: 2, 1024, 16>}, {transform_indices = @transform_6, window_bounds = array<i64: 2, 1024, 16>}]} {
    %get3A = arith.constant 0 : index
    %get3A_0 = arith.constant 0 : index
    %get3A_1 = vector.load %arg1[%get3A, %get3A_0] : memref<1024x128xf32, #tpu.memory_space<vmem>>, vector<1024x128xf32>
    %get3A_2 = arith.constant 0 : index
    %get3A_3 = arith.constant 0 : index
    %get3A_4 = vector.load %arg2[%get3A_2, %get3A_3] : memref<128x256xf32, #tpu.memory_space<vmem>>, vector<128x256xf32>
    %dot_general3A = arith.constant dense<0.000000e+00> : vector<1024x256xf32>
    %dot_general3A_5 = tpu.matmul %get3A_1, %get3A_4, %dot_general3A {dimension_numbers = #tpu.dot_dimension_numbers<[1], [0], [0], [1], [0, 0, 1, 1], [], []>, precision = #tpu.contract_precision<fp32>, transpose_lhs_hint = false} : vector<1024x128xf32>, vector<128x256xf32>, vector<1024x256xf32> -> vector<1024x256xf32>
    %slice3A = vector.extract_strided_slice %dot_general3A_5 {offsets = [0, 0], sizes = [1024, 64], strides = [1, 1]} : vector<1024x256xf32> to vector<1024x64xf32>
    %swap3A = arith.constant 0 : index
    %swap3A_6 = arith.constant 0 : index
    %swap3A_7 = arith.constant 0 : index
    %swap3A_8 = vector.load %arg5[%swap3A, %swap3A_6, %swap3A_7] : memref<4x1024x64xf32, #tpu.memory_space<vmem>>, vector<1x1024x64xf32>
    %swap3A_9 = vector.shape_cast %swap3A_8 : vector<1x1024x64xf32> to vector<1024x64xf32>
    %swap3A_10 = vector.shape_cast %slice3A : vector<1024x64xf32> to vector<1x1024x64xf32>
    tpu.vector_store %arg5[%swap3A, %swap3A_6, %swap3A_7], %swap3A_10 {strides = array<i32>} : memref<4x1024x64xf32, #tpu.memory_space<vmem>>, vector<1x1024x64xf32>,
    %slice3A_11 = vector.extract_strided_slice %dot_general3A_5 {offsets = [0, 64], sizes = [1024, 64], strides = [1, 1]} : vector<1024x256xf32> to vector<1024x64xf32>
    %swap3A_12 = arith.constant 1 : index
    %swap3A_13 = arith.constant 0 : index
    %swap3A_14 = arith.constant 0 : index
    %swap3A_15 = vector.load %arg5[%swap3A_12, %swap3A_13, %swap3A_14] : memref<4x1024x64xf32, #tpu.memory_space<vmem>>, vector<1x1024x64xf32>
    %swap3A_16 = vector.shape_cast %swap3A_15 : vector<1x1024x64xf32> to vector<1024x64xf32>
    %swap3A_17 = vector.shape_cast %slice3A_11 : vector<1024x64xf32> to vector<1x1024x64xf32>
    tpu.vector_store %arg5[%swap3A_12, %swap3A_13, %swap3A_14], %swap3A_17 {strides = array<i32>} : memref<4x1024x64xf32, #tpu.memory_space<vmem>>, vector<1x1024x64xf32>,
    %slice3A_18 = vector.extract_strided_slice %dot_general3A_5 {offsets = [0, 128], sizes = [1024, 64], strides = [1, 1]} : vector<1024x256xf32> to vector<1024x64xf32>
    %swap3A_19 = arith.constant 2 : index
    %swap3A_20 = arith.constant 0 : index
    %swap3A_21 = arith.constant 0 : index
    %swap3A_22 = vector.load %arg5[%swap3A_19, %swap3A_20, %swap3A_21] : memref<4x1024x64xf32, #tpu.memory_space<vmem>>, vector<1x1024x64xf32>
    %swap3A_23 = vector.shape_cast %swap3A_22 : vector<1x1024x64xf32> to vector<1024x64xf32>
    %swap3A_24 = vector.shape_cast %slice3A_18 : vector<1024x64xf32> to vector<1x1024x64xf32>
    tpu.vector_store %arg5[%swap3A_19, %swap3A_20, %swap3A_21], %swap3A_24 {strides = array<i32>} : memref<4x1024x64xf32, #tpu.memory_space<vmem>>, vector<1x1024x64xf32>,
    %slice3A_25 = vector.extract_strided_slice %dot_general3A_5 {offsets = [0, 192], sizes = [1024, 64], strides = [1, 1]} : vector<1024x256xf32> to vector<1024x64xf32>
    %swap3A_26 = arith.constant 3 : index
    %swap3A_27 = arith.constant 0 : index
    %swap3A_28 = arith.constant 0 : index
    %swap3A_29 = vector.load %arg5[%swap3A_26, %swap3A_27, %swap3A_28] : memref<4x1024x64xf32, #tpu.memory_space<vmem>>, vector<1x1024x64xf32>
    %swap3A_30 = vector.shape_cast %swap3A_29 : vector<1x1024x64xf32> to vector<1024x64xf32>
    %swap3A_31 = vector.shape_cast %slice3A_25 : vector<1024x64xf32> to vector<1x1024x64xf32>
    tpu.vector_store %arg5[%swap3A_26, %swap3A_27, %swap3A_28], %swap3A_31 {strides = array<i32>} : memref<4x1024x64xf32, #tpu.memory_space<vmem>>, vector<1x1024x64xf32>,
    %get3A_32 = arith.constant 0 : index
    %get3A_33 = arith.constant 0 : index
    %get3A_34 = vector.load %arg3[%get3A_32, %get3A_33] : memref<128x32xf32, #tpu.memory_space<vmem>>, vector<128x32xf32>
    %dot_general3A_35 = arith.constant dense<0.000000e+00> : vector<1024x32xf32>
    %dot_general3A_36 = tpu.matmul %get3A_1, %get3A_34, %dot_general3A_35 {dimension_numbers = #tpu.dot_dimension_numbers<[1], [0], [0], [1], [0, 0, 1, 1], [], []>, precision = #tpu.contract_precision<fp32>, transpose_lhs_hint = false} : vector<1024x128xf32>, vector<128x32xf32>, vector<1024x32xf32> -> vector<1024x32xf32>
    %get3A_37 = arith.constant 0 : index
    %get3A_38 = arith.constant 0 : index
    %get3A_39 = vector.load %arg4[%get3A_37, %get3A_38] : memref<128x32xf32, #tpu.memory_space<vmem>>, vector<128x32xf32>
    %dot_general3A_40 = arith.constant dense<0.000000e+00> : vector<1024x32xf32>
    %dot_general3A_41 = tpu.matmul %get3A_1, %get3A_39, %dot_general3A_40 {dimension_numbers = #tpu.dot_dimension_numbers<[1], [0], [0], [1], [0, 0, 1, 1], [], []>, precision = #tpu.contract_precision<fp32>, transpose_lhs_hint = false} : vector<1024x128xf32>, vector<128x32xf32>, vector<1024x32xf32> -> vector<1024x32xf32>
    %slice3A_42 = vector.extract_strided_slice %dot_general3A_36 {offsets = [0, 0], sizes = [1024, 16], strides = [1, 1]} : vector<1024x32xf32> to vector<1024x16xf32>
    %swap3A_43 = arith.constant 0 : index
    %swap3A_44 = arith.constant 0 : index
    %swap3A_45 = arith.constant 0 : index
    %swap3A_46 = vector.load %arg6[%swap3A_43, %swap3A_44, %swap3A_45] : memref<2x1024x16xf32, #tpu.memory_space<vmem>>, vector<1x1024x16xf32>
    %swap3A_47 = vector.shape_cast %swap3A_46 : vector<1x1024x16xf32> to vector<1024x16xf32>
    %swap3A_48 = vector.shape_cast %slice3A_42 : vector<1024x16xf32> to vector<1x1024x16xf32>
    tpu.vector_store %arg6[%swap3A_43, %swap3A_44, %swap3A_45], %swap3A_48 {strides = array<i32>} : memref<2x1024x16xf32, #tpu.memory_space<vmem>>, vector<1x1024x16xf32>,
    %slice3A_49 = vector.extract_strided_slice %dot_general3A_36 {offsets = [0, 16], sizes = [1024, 16], strides = [1, 1]} : vector<1024x32xf32> to vector<1024x16xf32>
    %swap3A_50 = arith.constant 1 : index
    %swap3A_51 = arith.constant 0 : index
    %swap3A_52 = arith.constant 0 : index
    %swap3A_53 = vector.load %arg6[%swap3A_50, %swap3A_51, %swap3A_52] : memref<2x1024x16xf32, #tpu.memory_space<vmem>>, vector<1x1024x16xf32>
    %swap3A_54 = vector.shape_cast %swap3A_53 : vector<1x1024x16xf32> to vector<1024x16xf32>
    %swap3A_55 = vector.shape_cast %slice3A_49 : vector<1024x16xf32> to vector<1x1024x16xf32>
    tpu.vector_store %arg6[%swap3A_50, %swap3A_51, %swap3A_52], %swap3A_55 {strides = array<i32>} : memref<2x1024x16xf32, #tpu.memory_space<vmem>>, vector<1x1024x16xf32>,
    %slice3A_56 = vector.extract_strided_slice %dot_general3A_41 {offsets = [0, 0], sizes = [1024, 16], strides = [1, 1]} : vector<1024x32xf32> to vector<1024x16xf32>
    %swap3A_57 = arith.constant 0 : index
    %swap3A_58 = arith.constant 0 : index
    %swap3A_59 = arith.constant 0 : index
    %swap3A_60 = vector.load %arg7[%swap3A_57, %swap3A_58, %swap3A_59] : memref<2x1024x16xf32, #tpu.memory_space<vmem>>, vector<1x1024x16xf32>
    %swap3A_61 = vector.shape_cast %swap3A_60 : vector<1x1024x16xf32> to vector<1024x16xf32>
    %swap3A_62 = vector.shape_cast %slice3A_56 : vector<1024x16xf32> to vector<1x1024x16xf32>
    tpu.vector_store %arg7[%swap3A_57, %swap3A_58, %swap3A_59], %swap3A_62 {strides = array<i32>} : memref<2x1024x16xf32, #tpu.memory_space<vmem>>, vector<1x1024x16xf32>,
    %slice3A_63 = vector.extract_strided_slice %dot_general3A_41 {offsets = [0, 16], sizes = [1024, 16], strides = [1, 1]} : vector<1024x32xf32> to vector<1024x16xf32>
    %swap3A_64 = arith.constant 1 : index
    %swap3A_65 = arith.constant 0 : index
    %swap3A_66 = arith.constant 0 : index
    %swap3A_67 = vector.load %arg7[%swap3A_64, %swap3A_65, %swap3A_66] : memref<2x1024x16xf32, #tpu.memory_space<vmem>>, vector<1x1024x16xf32>
    %swap3A_68 = vector.shape_cast %swap3A_67 : vector<1x1024x16xf32> to vector<1024x16xf32>
    %swap3A_69 = vector.shape_cast %slice3A_63 : vector<1024x16xf32> to vector<1x1024x16xf32>
    tpu.vector_store %arg7[%swap3A_64, %swap3A_65, %swap3A_66], %swap3A_69 {strides = array<i32>} : memref<2x1024x16xf32, #tpu.memory_space<vmem>>, vector<1x1024x16xf32>,
    return
  }
  func.func @transform_0(%arg0: i32) -> (i32, i32) {
    %c0_i32 = arith.constant 0 : i32
    %c0_i32_0 = arith.constant 0 : i32
    return %arg0, %c0_i32 : i32, i32
  }
  func.func @transform_1(%arg0: i32) -> (i32, i32) {
    %c0_i32 = arith.constant 0 : i32
    %c0_i32_0 = arith.constant 0 : i32
    %c0_i32_1 = arith.constant 0 : i32
    return %c0_i32, %c0_i32_0 : i32, i32
  }
  func.func @transform_2(%arg0: i32) -> (i32, i32) {
    %c0_i32 = arith.constant 0 : i32
    %c0_i32_0 = arith.constant 0 : i32
    %c0_i32_1 = arith.constant 0 : i32
    return %c0_i32, %c0_i32_0 : i32, i32
  }
  func.func @transform_3(%arg0: i32) -> (i32, i32) {
    %c0_i32 = arith.constant 0 : i32
    %c0_i32_0 = arith.constant 0 : i32
    %c0_i32_1 = arith.constant 0 : i32
    return %c0_i32, %c0_i32_0 : i32, i32
  }
  func.func @transform_4(%arg0: i32) -> (i32, i32, i32) {
    %c0_i32 = arith.constant 0 : i32
    %c0_i32_0 = arith.constant 0 : i32
    %c0_i32_1 = arith.constant 0 : i32
    return %c0_i32, %arg0, %c0_i32_0 : i32, i32, i32
  }
  func.func @transform_5(%arg0: i32) -> (i32, i32, i32) {
    %c0_i32 = arith.constant 0 : i32
    %c0_i32_0 = arith.constant 0 : i32
    %c0_i32_1 = arith.constant 0 : i32
    return %c0_i32, %arg0, %c0_i32_0 : i32, i32, i32
  }
  func.func @transform_6(%arg0: i32) -> (i32, i32, i32) {
    %c0_i32 = arith.constant 0 : i32
    %c0_i32_0 = arith.constant 0 : i32
    %c0_i32_1 = arith.constant 0 : i32
    return %c0_i32, %arg0, %c0_i32_0 : i32, i32, i32
  }
}

module attributes {stable_mosaic.version = 14 : i64} {
  func.func @_tc2_body(%arg0: i32, %arg1: memref<4x1024x64xf32, #tpu.memory_space<vmem>>, %arg2: memref<2x1x128xf32, #tpu.memory_space<vmem>>, %arg3: memref<128x32xf32, #tpu.memory_space<vmem>>, %arg4: memref<128x32xf32, #tpu.memory_space<vmem>>, %arg5: memref<128x32xf32, #tpu.memory_space<vmem>>, %arg6: memref<128x32xf32, #tpu.memory_space<vmem>>, %arg7: memref<2x1024x16xf32, #tpu.memory_space<vmem>>, %arg8: memref<2x1024x16xf32, #tpu.memory_space<vmem>>, %arg9: memref<2x1024x16xf32, #tpu.memory_space<vmem>>) attributes {dimension_semantics = [#tpu.dimension_semantics<arbitrary>], iteration_bounds = array<i64: 10>, scalar_prefetch = 0 : i64, scratch_operands = 0 : i64, tpu.core_type = #tpu.core_type<tc>, window_params = [{transform_indices = @transform_0, window_bounds = array<i64: 4, 1024, 64>}, {pipeline_mode = #tpu.pipeline_mode<synchronous>, transform_indices = @transform_1, window_bounds = array<i64: 2, 1, 128>}, {pipeline_mode = #tpu.pipeline_mode<synchronous>, transform_indices = @transform_2, window_bounds = array<i64: 128, 32>}, {pipeline_mode = #tpu.pipeline_mode<synchronous>, transform_indices = @transform_3, window_bounds = array<i64: 128, 32>}, {pipeline_mode = #tpu.pipeline_mode<synchronous>, transform_indices = @transform_4, window_bounds = array<i64: 128, 32>}, {pipeline_mode = #tpu.pipeline_mode<synchronous>, transform_indices = @transform_5, window_bounds = array<i64: 128, 32>}, {transform_indices = @transform_6, window_bounds = array<i64: 2, 1024, 16>}, {transform_indices = @transform_7, window_bounds = array<i64: 2, 1024, 16>}, {transform_indices = @transform_8, window_bounds = array<i64: 2, 1024, 16>}]} {
    %get3A = arith.constant 0 : index
    %get3A_0 = arith.constant 0 : index
    %get3A_1 = arith.constant 0 : index
    %get3A_2 = vector.load %arg1[%get3A, %get3A_0, %get3A_1] : memref<4x1024x64xf32, #tpu.memory_space<vmem>>, vector<1x1024x64xf32>
    %get3A_3 = vector.shape_cast %get3A_2 : vector<1x1024x64xf32> to vector<1024x64xf32>
    %get3A_4 = arith.constant 1 : index
    %get3A_5 = arith.constant 0 : index
    %get3A_6 = arith.constant 0 : index
    %get3A_7 = vector.load %arg1[%get3A_4, %get3A_5, %get3A_6] : memref<4x1024x64xf32, #tpu.memory_space<vmem>>, vector<1x1024x64xf32>
    %get3A_8 = vector.shape_cast %get3A_7 : vector<1x1024x64xf32> to vector<1024x64xf32>
    %concatenate3A = tpu.concatenate %get3A_3, %get3A_8 in 1 : vector<1024x64xf32>, vector<1024x64xf32> -> vector<1024x128xf32>
    %get3A_9 = arith.constant 0 : index
    %get3A_10 = arith.constant 0 : index
    %get3A_11 = arith.constant 0 : index
    %get3A_12 = vector.load %arg2[%get3A_9, %get3A_10, %get3A_11] : memref<2x1x128xf32, #tpu.memory_space<vmem>>, vector<1x1x128xf32>
    %get3A_13 = vector.shape_cast %get3A_12 : vector<1x1x128xf32> to vector<1x128xf32>
    %add3A = vector.broadcast %get3A_13 : vector<1x128xf32> to vector<1024x128xf32>
    %add3A_14 = arith.addf %concatenate3A, %add3A : vector<1024x128xf32>
    %gt3A = arith.constant 0.000000e+00 : f32
    %gt3A_15 = vector.broadcast %gt3A : f32 to vector<1024x128xf32>
    %gt3A_16 = arith.cmpf ogt, %add3A_14, %gt3A_15 : vector<1024x128xf32>
    %exp3A = math.exp %add3A_14 : vector<1024x128xf32>
    %sub3A = arith.constant 1.000000e+00 : f32
    %sub3A_17 = vector.broadcast %sub3A : f32 to vector<1024x128xf32>
    %sub3A_18 = arith.subf %exp3A, %sub3A_17 : vector<1024x128xf32>
    %select_n3A = arith.select %gt3A_16, %add3A_14, %sub3A_18 : vector<1024x128xi1>, vector<1024x128xf32>
    %get3A_19 = arith.constant 2 : index
    %get3A_20 = arith.constant 0 : index
    %get3A_21 = arith.constant 0 : index
    %get3A_22 = vector.load %arg1[%get3A_19, %get3A_20, %get3A_21] : memref<4x1024x64xf32, #tpu.memory_space<vmem>>, vector<1x1024x64xf32>
    %get3A_23 = vector.shape_cast %get3A_22 : vector<1x1024x64xf32> to vector<1024x64xf32>
    %get3A_24 = arith.constant 3 : index
    %get3A_25 = arith.constant 0 : index
    %get3A_26 = arith.constant 0 : index
    %get3A_27 = vector.load %arg1[%get3A_24, %get3A_25, %get3A_26] : memref<4x1024x64xf32, #tpu.memory_space<vmem>>, vector<1x1024x64xf32>
    %get3A_28 = vector.shape_cast %get3A_27 : vector<1x1024x64xf32> to vector<1024x64xf32>
    %concatenate3A_29 = tpu.concatenate %get3A_23, %get3A_28 in 1 : vector<1024x64xf32>, vector<1024x64xf32> -> vector<1024x128xf32>
    %get3A_30 = arith.constant 1 : index
    %get3A_31 = arith.constant 0 : index
    %get3A_32 = arith.constant 0 : index
    %get3A_33 = vector.load %arg2[%get3A_30, %get3A_31, %get3A_32] : memref<2x1x128xf32, #tpu.memory_space<vmem>>, vector<1x1x128xf32>
    %get3A_34 = vector.shape_cast %get3A_33 : vector<1x1x128xf32> to vector<1x128xf32>
    %add3A_35 = vector.broadcast %get3A_34 : vector<1x128xf32> to vector<1024x128xf32>
    %add3A_36 = arith.addf %concatenate3A_29, %add3A_35 : vector<1024x128xf32>
    %gt3A_37 = arith.constant 0.000000e+00 : f32
    %gt3A_38 = vector.broadcast %gt3A_37 : f32 to vector<1024x128xf32>
    %gt3A_39 = arith.cmpf ogt, %add3A_36, %gt3A_38 : vector<1024x128xf32>
    %exp3A_40 = math.exp %add3A_36 : vector<1024x128xf32>
    %sub3A_41 = arith.constant 1.000000e+00 : f32
    %sub3A_42 = vector.broadcast %sub3A_41 : f32 to vector<1024x128xf32>
    %sub3A_43 = arith.subf %exp3A_40, %sub3A_42 : vector<1024x128xf32>
    %select_n3A_44 = arith.select %gt3A_39, %add3A_36, %sub3A_43 : vector<1024x128xi1>, vector<1024x128xf32>
    %get3A_45 = arith.constant 0 : index
    %get3A_46 = arith.constant 0 : index
    %get3A_47 = vector.load %arg3[%get3A_45, %get3A_46] : memref<128x32xf32, #tpu.memory_space<vmem>>, vector<128x32xf32>
    %dot_general3A = arith.constant dense<0.000000e+00> : vector<1024x32xf32>
    %dot_general3A_48 = tpu.matmul %select_n3A, %get3A_47, %dot_general3A {dimension_numbers = #tpu.dot_dimension_numbers<[1], [0], [0], [1], [0, 0, 1, 1], [], []>, precision = #tpu.contract_precision<fp32>, transpose_lhs_hint = false} : vector<1024x128xf32>, vector<128x32xf32>, vector<1024x32xf32> -> vector<1024x32xf32>
    %get3A_49 = arith.constant 0 : index
    %get3A_50 = arith.constant 0 : index
    %get3A_51 = vector.load %arg4[%get3A_49, %get3A_50] : memref<128x32xf32, #tpu.memory_space<vmem>>, vector<128x32xf32>
    %dot_general3A_52 = arith.constant dense<0.000000e+00> : vector<1024x32xf32>
    %dot_general3A_53 = tpu.matmul %select_n3A_44, %get3A_51, %dot_general3A_52 {dimension_numbers = #tpu.dot_dimension_numbers<[1], [0], [0], [1], [0, 0, 1, 1], [], []>, precision = #tpu.contract_precision<fp32>, transpose_lhs_hint = false} : vector<1024x128xf32>, vector<128x32xf32>, vector<1024x32xf32> -> vector<1024x32xf32>
    %add3A_54 = arith.addf %dot_general3A_48, %dot_general3A_53 : vector<1024x32xf32>
    %slice3A = vector.extract_strided_slice %add3A_54 {offsets = [0, 0], sizes = [1024, 16], strides = [1, 1]} : vector<1024x32xf32> to vector<1024x16xf32>
    %swap3A = arith.constant 0 : index
    %swap3A_55 = arith.constant 0 : index
    %swap3A_56 = arith.constant 0 : index
    %swap3A_57 = vector.load %arg7[%swap3A, %swap3A_55, %swap3A_56] : memref<2x1024x16xf32, #tpu.memory_space<vmem>>, vector<1x1024x16xf32>
    %swap3A_58 = vector.shape_cast %swap3A_57 : vector<1x1024x16xf32> to vector<1024x16xf32>
    %swap3A_59 = vector.shape_cast %slice3A : vector<1024x16xf32> to vector<1x1024x16xf32>
    tpu.vector_store %arg7[%swap3A, %swap3A_55, %swap3A_56], %swap3A_59 {strides = array<i32>} : memref<2x1024x16xf32, #tpu.memory_space<vmem>>, vector<1x1024x16xf32>,
    %slice3A_60 = vector.extract_strided_slice %add3A_54 {offsets = [0, 16], sizes = [1024, 16], strides = [1, 1]} : vector<1024x32xf32> to vector<1024x16xf32>
    %swap3A_61 = arith.constant 1 : index
    %swap3A_62 = arith.constant 0 : index
    %swap3A_63 = arith.constant 0 : index
    %swap3A_64 = vector.load %arg7[%swap3A_61, %swap3A_62, %swap3A_63] : memref<2x1024x16xf32, #tpu.memory_space<vmem>>, vector<1x1024x16xf32>
    %swap3A_65 = vector.shape_cast %swap3A_64 : vector<1x1024x16xf32> to vector<1024x16xf32>
    %swap3A_66 = vector.shape_cast %slice3A_60 : vector<1024x16xf32> to vector<1x1024x16xf32>
    tpu.vector_store %arg7[%swap3A_61, %swap3A_62, %swap3A_63], %swap3A_66 {strides = array<i32>} : memref<2x1024x16xf32, #tpu.memory_space<vmem>>, vector<1x1024x16xf32>,
    %get3A_67 = arith.constant 0 : index
    %get3A_68 = arith.constant 0 : index
    %get3A_69 = vector.load %arg5[%get3A_67, %get3A_68] : memref<128x32xf32, #tpu.memory_space<vmem>>, vector<128x32xf32>
    %dot_general3A_70 = arith.constant dense<0.000000e+00> : vector<1024x32xf32>
    %dot_general3A_71 = tpu.matmul %select_n3A, %get3A_69, %dot_general3A_70 {dimension_numbers = #tpu.dot_dimension_numbers<[1], [0], [0], [1], [0, 0, 1, 1], [], []>, precision = #tpu.contract_precision<fp32>, transpose_lhs_hint = false} : vector<1024x128xf32>, vector<128x32xf32>, vector<1024x32xf32> -> vector<1024x32xf32>
    %get3A_72 = arith.constant 0 : index
    %get3A_73 = arith.constant 0 : index
    %get3A_74 = vector.load %arg6[%get3A_72, %get3A_73] : memref<128x32xf32, #tpu.memory_space<vmem>>, vector<128x32xf32>
    %dot_general3A_75 = arith.constant dense<0.000000e+00> : vector<1024x32xf32>
    %dot_general3A_76 = tpu.matmul %select_n3A_44, %get3A_74, %dot_general3A_75 {dimension_numbers = #tpu.dot_dimension_numbers<[1], [0], [0], [1], [0, 0, 1, 1], [], []>, precision = #tpu.contract_precision<fp32>, transpose_lhs_hint = false} : vector<1024x128xf32>, vector<128x32xf32>, vector<1024x32xf32> -> vector<1024x32xf32>
    %add3A_77 = arith.addf %dot_general3A_71, %dot_general3A_76 : vector<1024x32xf32>
    %slice3A_78 = vector.extract_strided_slice %add3A_77 {offsets = [0, 0], sizes = [1024, 16], strides = [1, 1]} : vector<1024x32xf32> to vector<1024x16xf32>
    %swap3A_79 = arith.constant 0 : index
    %swap3A_80 = arith.constant 0 : index
    %swap3A_81 = arith.constant 0 : index
    %swap3A_82 = vector.load %arg8[%swap3A_79, %swap3A_80, %swap3A_81] : memref<2x1024x16xf32, #tpu.memory_space<vmem>>, vector<1x1024x16xf32>
    %swap3A_83 = vector.shape_cast %swap3A_82 : vector<1x1024x16xf32> to vector<1024x16xf32>
    %swap3A_84 = vector.shape_cast %slice3A_78 : vector<1024x16xf32> to vector<1x1024x16xf32>
    tpu.vector_store %arg8[%swap3A_79, %swap3A_80, %swap3A_81], %swap3A_84 {strides = array<i32>} : memref<2x1024x16xf32, #tpu.memory_space<vmem>>, vector<1x1024x16xf32>,
    %slice3A_85 = vector.extract_strided_slice %add3A_77 {offsets = [0, 0], sizes = [1024, 16], strides = [1, 1]} : vector<1024x32xf32> to vector<1024x16xf32>
    %swap3A_86 = arith.constant 1 : index
    %swap3A_87 = arith.constant 0 : index
    %swap3A_88 = arith.constant 0 : index
    %swap3A_89 = vector.load %arg8[%swap3A_86, %swap3A_87, %swap3A_88] : memref<2x1024x16xf32, #tpu.memory_space<vmem>>, vector<1x1024x16xf32>
    %swap3A_90 = vector.shape_cast %swap3A_89 : vector<1x1024x16xf32> to vector<1024x16xf32>
    %swap3A_91 = vector.shape_cast %slice3A_85 : vector<1024x16xf32> to vector<1x1024x16xf32>
    tpu.vector_store %arg8[%swap3A_86, %swap3A_87, %swap3A_88], %swap3A_91 {strides = array<i32>} : memref<2x1024x16xf32, #tpu.memory_space<vmem>>, vector<1x1024x16xf32>,
    %slice3A_92 = vector.extract_strided_slice %add3A_77 {offsets = [0, 16], sizes = [1024, 16], strides = [1, 1]} : vector<1024x32xf32> to vector<1024x16xf32>
    %swap3A_93 = arith.constant 0 : index
    %swap3A_94 = arith.constant 0 : index
    %swap3A_95 = arith.constant 0 : index
    %swap3A_96 = vector.load %arg9[%swap3A_93, %swap3A_94, %swap3A_95] : memref<2x1024x16xf32, #tpu.memory_space<vmem>>, vector<1x1024x16xf32>
    %swap3A_97 = vector.shape_cast %swap3A_96 : vector<1x1024x16xf32> to vector<1024x16xf32>
    %swap3A_98 = vector.shape_cast %slice3A_92 : vector<1024x16xf32> to vector<1x1024x16xf32>
    tpu.vector_store %arg9[%swap3A_93, %swap3A_94, %swap3A_95], %swap3A_98 {strides = array<i32>} : memref<2x1024x16xf32, #tpu.memory_space<vmem>>, vector<1x1024x16xf32>,
    %slice3A_99 = vector.extract_strided_slice %add3A_77 {offsets = [0, 16], sizes = [1024, 16], strides = [1, 1]} : vector<1024x32xf32> to vector<1024x16xf32>
    %swap3A_100 = arith.constant 1 : index
    %swap3A_101 = arith.constant 0 : index
    %swap3A_102 = arith.constant 0 : index
    %swap3A_103 = vector.load %arg9[%swap3A_100, %swap3A_101, %swap3A_102] : memref<2x1024x16xf32, #tpu.memory_space<vmem>>, vector<1x1024x16xf32>
    %swap3A_104 = vector.shape_cast %swap3A_103 : vector<1x1024x16xf32> to vector<1024x16xf32>
    %swap3A_105 = vector.shape_cast %slice3A_99 : vector<1024x16xf32> to vector<1x1024x16xf32>
    tpu.vector_store %arg9[%swap3A_100, %swap3A_101, %swap3A_102], %swap3A_105 {strides = array<i32>} : memref<2x1024x16xf32, #tpu.memory_space<vmem>>, vector<1x1024x16xf32>,
    return
  }
  func.func @transform_0(%arg0: i32) -> (i32, i32, i32) {
    %c0_i32 = arith.constant 0 : i32
    %c0_i32_0 = arith.constant 0 : i32
    %c0_i32_1 = arith.constant 0 : i32
    return %c0_i32, %arg0, %c0_i32_0 : i32, i32, i32
  }
  func.func @transform_1(%arg0: i32) -> (i32, i32, i32) {
    %c0_i32 = arith.constant 0 : i32
    %c0_i32_0 = arith.constant 0 : i32
    %c0_i32_1 = arith.constant 0 : i32
    %c0_i32_2 = arith.constant 0 : i32
    return %c0_i32, %c0_i32_0, %c0_i32_1 : i32, i32, i32
  }
  func.func @transform_2(%arg0: i32) -> (i32, i32) {
    %c0_i32 = arith.constant 0 : i32
    %c0_i32_0 = arith.constant 0 : i32
    %c0_i32_1 = arith.constant 0 : i32
    return %c0_i32, %c0_i32_0 : i32, i32
  }
  func.func @transform_3(%arg0: i32) -> (i32, i32) {
    %c0_i32 = arith.constant 0 : i32
    %c0_i32_0 = arith.constant 0 : i32
    %c0_i32_1 = arith.constant 0 : i32
    return %c0_i32, %c0_i32_0 : i32, i32
  }
  func.func @transform_4(%arg0: i32) -> (i32, i32) {
    %c0_i32 = arith.constant 0 : i32
    %c0_i32_0 = arith.constant 0 : i32
    %c0_i32_1 = arith.constant 0 : i32
    return %c0_i32, %c0_i32_0 : i32, i32
  }
  func.func @transform_5(%arg0: i32) -> (i32, i32) {
    %c0_i32 = arith.constant 0 : i32
    %c0_i32_0 = arith.constant 0 : i32
    %c0_i32_1 = arith.constant 0 : i32
    return %c0_i32, %c0_i32_0 : i32, i32
  }
  func.func @transform_6(%arg0: i32) -> (i32, i32, i32) {
    %c0_i32 = arith.constant 0 : i32
    %c0_i32_0 = arith.constant 0 : i32
    %c0_i32_1 = arith.constant 0 : i32
    return %c0_i32, %arg0, %c0_i32_0 : i32, i32, i32
  }
  func.func @transform_7(%arg0: i32) -> (i32, i32, i32) {
    %c0_i32 = arith.constant 0 : i32
    %c0_i32_0 = arith.constant 0 : i32
    %c0_i32_1 = arith.constant 0 : i32
    return %c0_i32, %arg0, %c0_i32_0 : i32, i32, i32
  }
  func.func @transform_8(%arg0: i32) -> (i32, i32, i32) {
    %c0_i32 = arith.constant 0 : i32
    %c0_i32_0 = arith.constant 0 : i32
    %c0_i32_1 = arith.constant 0 : i32
    return %c0_i32, %arg0, %c0_i32_0 : i32, i32, i32
  }
}

module attributes {stable_mosaic.version = 14 : i64} {
  func.func @_tc3_body(%arg0: memref<2x10240x16xf32, #tpu.memory_space<vmem>>, %arg1: memref<1x32xf32, #tpu.memory_space<vmem>>, %arg2: memref<1x1xf32, #tpu.memory_space<vmem>>, %arg3: memref<32x32xf32, #tpu.memory_space<vmem>>, %arg4: memref<1x32xf32, #tpu.memory_space<vmem>>, %arg5: memref<32x32xf32, #tpu.memory_space<vmem>>, %arg6: memref<1x32xf32, #tpu.memory_space<vmem>>, %arg7: memref<32x1xf32, #tpu.memory_space<vmem>>, %arg8: memref<1x1xf32, #tpu.memory_space<vmem>>, %arg9: memref<3333x1xf32, #tpu.memory_space<vmem>>, %arg10: memref<3333x1xf32, #tpu.memory_space<vmem>>) attributes {dimension_semantics = [], scalar_prefetch = 0 : i64, scratch_operands = 0 : i64, tpu.core_type = #tpu.core_type<tc>} {
    %get3A = arith.constant 0 : index
    %get3A_0 = arith.constant 0 : index
    %get3A_1 = arith.constant 0 : index
    %get3A_2 = vector.load %arg0[%get3A, %get3A_0, %get3A_1] : memref<2x10240x16xf32, #tpu.memory_space<vmem>>, vector<1x10240x16xf32>
    %get3A_3 = vector.shape_cast %get3A_2 : vector<1x10240x16xf32> to vector<10240x16xf32>
    %get3A_4 = arith.constant 1 : index
    %get3A_5 = arith.constant 0 : index
    %get3A_6 = arith.constant 0 : index
    %get3A_7 = vector.load %arg0[%get3A_4, %get3A_5, %get3A_6] : memref<2x10240x16xf32, #tpu.memory_space<vmem>>, vector<1x10240x16xf32>
    %get3A_8 = vector.shape_cast %get3A_7 : vector<1x10240x16xf32> to vector<10240x16xf32>
    %concatenate3A = tpu.concatenate %get3A_3, %get3A_8 in 1 : vector<10240x16xf32>, vector<10240x16xf32> -> vector<10240x32xf32>
    %get3A_9 = arith.constant 0 : index
    %get3A_10 = arith.constant 0 : index
    %get3A_11 = vector.load %arg1[%get3A_9, %get3A_10] : memref<1x32xf32, #tpu.memory_space<vmem>>, vector<1x32xf32>
    %add3A = vector.broadcast %get3A_11 : vector<1x32xf32> to vector<10240x32xf32>
    %add3A_12 = arith.addf %concatenate3A, %add3A : vector<10240x32xf32>
    %get3A_13 = arith.constant 0 : index
    %get3A_14 = arith.constant 0 : index
    %get3A_15 = vector.load %arg2[%get3A_13, %get3A_14] : memref<1x1xf32, #tpu.memory_space<vmem>>, vector<1x1xf32>
    %get3A_16 = vector.extract %get3A_15[0, 0] : f32 from vector<1x1xf32>
    %add3A_17 = vector.broadcast %get3A_16 : f32 to vector<10240x32xf32>
    %add3A_18 = arith.addf %add3A_12, %add3A_17 : vector<10240x32xf32>
    %slice3A = vector.extract_strided_slice %add3A_18 {offsets = [0, 0], sizes = [3333, 32], strides = [1, 1]} : vector<10240x32xf32> to vector<3333x32xf32>
    %slice3A_19 = vector.extract_strided_slice %add3A_18 {offsets = [3333, 0], sizes = [3333, 32], strides = [1, 1]} : vector<10240x32xf32> to vector<3333x32xf32>
    %mul3A = arith.mulf %slice3A, %slice3A_19 : vector<3333x32xf32>
    %get3A_20 = arith.constant 0 : index
    %get3A_21 = arith.constant 0 : index
    %get3A_22 = vector.load %arg3[%get3A_20, %get3A_21] : memref<32x32xf32, #tpu.memory_space<vmem>>, vector<32x32xf32>
    %dot_general3A = arith.constant dense<0.000000e+00> : vector<3333x32xf32>
    %dot_general3A_23 = tpu.matmul %mul3A, %get3A_22, %dot_general3A {dimension_numbers = #tpu.dot_dimension_numbers<[1], [0], [0], [1], [0, 0, 1, 1], [], []>, precision = #tpu.contract_precision<fp32>, transpose_lhs_hint = false} : vector<3333x32xf32>, vector<32x32xf32>, vector<3333x32xf32> -> vector<3333x32xf32>
    %get3A_24 = arith.constant 0 : index
    %get3A_25 = arith.constant 0 : index
    %get3A_26 = vector.load %arg4[%get3A_24, %get3A_25] : memref<1x32xf32, #tpu.memory_space<vmem>>, vector<1x32xf32>
    %add3A_27 = vector.broadcast %get3A_26 : vector<1x32xf32> to vector<3333x32xf32>
    %add3A_28 = arith.addf %dot_general3A_23, %add3A_27 : vector<3333x32xf32>
    %max3A = arith.constant 0.000000e+00 : f32
    %max3A_29 = vector.broadcast %max3A : f32 to vector<3333x32xf32>
    %max3A_30 = arith.maximumf %add3A_28, %max3A_29 : vector<3333x32xf32>
    %get3A_31 = arith.constant 0 : index
    %get3A_32 = arith.constant 0 : index
    %get3A_33 = vector.load %arg5[%get3A_31, %get3A_32] : memref<32x32xf32, #tpu.memory_space<vmem>>, vector<32x32xf32>
    %dot_general3A_34 = arith.constant dense<0.000000e+00> : vector<3333x32xf32>
    %dot_general3A_35 = tpu.matmul %max3A_30, %get3A_33, %dot_general3A_34 {dimension_numbers = #tpu.dot_dimension_numbers<[1], [0], [0], [1], [0, 0, 1, 1], [], []>, precision = #tpu.contract_precision<fp32>, transpose_lhs_hint = false} : vector<3333x32xf32>, vector<32x32xf32>, vector<3333x32xf32> -> vector<3333x32xf32>
    %get3A_36 = arith.constant 0 : index
    %get3A_37 = arith.constant 0 : index
    %get3A_38 = vector.load %arg6[%get3A_36, %get3A_37] : memref<1x32xf32, #tpu.memory_space<vmem>>, vector<1x32xf32>
    %add3A_39 = vector.broadcast %get3A_38 : vector<1x32xf32> to vector<3333x32xf32>
    %add3A_40 = arith.addf %dot_general3A_35, %add3A_39 : vector<3333x32xf32>
    %max3A_41 = arith.constant 0.000000e+00 : f32
    %max3A_42 = vector.broadcast %max3A_41 : f32 to vector<3333x32xf32>
    %max3A_43 = arith.maximumf %add3A_40, %max3A_42 : vector<3333x32xf32>
    %get3A_44 = arith.constant 0 : index
    %get3A_45 = arith.constant 0 : index
    %get3A_46 = vector.load %arg7[%get3A_44, %get3A_45] : memref<32x1xf32, #tpu.memory_space<vmem>>, vector<32x1xf32>
    %dot_general3A_47 = arith.constant dense<0.000000e+00> : vector<3333x1xf32>
    %dot_general3A_48 = tpu.matmul %max3A_43, %get3A_46, %dot_general3A_47 {dimension_numbers = #tpu.dot_dimension_numbers<[1], [0], [0], [1], [0, 0, 1, 1], [], []>, precision = #tpu.contract_precision<fp32>, transpose_lhs_hint = false} : vector<3333x32xf32>, vector<32x1xf32>, vector<3333x1xf32> -> vector<3333x1xf32>
    %get3A_49 = arith.constant 0 : index
    %get3A_50 = arith.constant 0 : index
    %get3A_51 = vector.load %arg8[%get3A_49, %get3A_50] : memref<1x1xf32, #tpu.memory_space<vmem>>, vector<1x1xf32>
    %add3A_52 = vector.broadcast %get3A_51 : vector<1x1xf32> to vector<3333x1xf32>
    %add3A_53 = arith.addf %dot_general3A_48, %add3A_52 : vector<3333x1xf32>
    %swap3A = arith.constant 0 : index
    %swap3A_54 = arith.constant 0 : index
    %swap3A_55 = vector.load %arg9[%swap3A, %swap3A_54] : memref<3333x1xf32, #tpu.memory_space<vmem>>, vector<3333x1xf32>
    tpu.vector_store %arg9[%swap3A, %swap3A_54], %add3A_53 {strides = array<i32>} : memref<3333x1xf32, #tpu.memory_space<vmem>>, vector<3333x1xf32>,
    %slice3A_56 = vector.extract_strided_slice %add3A_18 {offsets = [6666, 0], sizes = [3333, 32], strides = [1, 1]} : vector<10240x32xf32> to vector<3333x32xf32>
    %mul3A_57 = arith.mulf %slice3A, %slice3A_56 : vector<3333x32xf32>
    %get3A_58 = arith.constant 0 : index
    %get3A_59 = arith.constant 0 : index
    %get3A_60 = vector.load %arg3[%get3A_58, %get3A_59] : memref<32x32xf32, #tpu.memory_space<vmem>>, vector<32x32xf32>
    %dot_general3A_61 = arith.constant dense<0.000000e+00> : vector<3333x32xf32>
    %dot_general3A_62 = tpu.matmul %mul3A_57, %get3A_60, %dot_general3A_61 {dimension_numbers = #tpu.dot_dimension_numbers<[1], [0], [0], [1], [0, 0, 1, 1], [], []>, precision = #tpu.contract_precision<fp32>, transpose_lhs_hint = false} : vector<3333x32xf32>, vector<32x32xf32>, vector<3333x32xf32> -> vector<3333x32xf32>
    %get3A_63 = arith.constant 0 : index
    %get3A_64 = arith.constant 0 : index
    %get3A_65 = vector.load %arg4[%get3A_63, %get3A_64] : memref<1x32xf32, #tpu.memory_space<vmem>>, vector<1x32xf32>
    %add3A_66 = vector.broadcast %get3A_65 : vector<1x32xf32> to vector<3333x32xf32>
    %add3A_67 = arith.addf %dot_general3A_62, %add3A_66 : vector<3333x32xf32>
    %max3A_68 = arith.constant 0.000000e+00 : f32
    %max3A_69 = vector.broadcast %max3A_68 : f32 to vector<3333x32xf32>
    %max3A_70 = arith.maximumf %add3A_67, %max3A_69 : vector<3333x32xf32>
    %get3A_71 = arith.constant 0 : index
    %get3A_72 = arith.constant 0 : index
    %get3A_73 = vector.load %arg5[%get3A_71, %get3A_72] : memref<32x32xf32, #tpu.memory_space<vmem>>, vector<32x32xf32>
    %dot_general3A_74 = arith.constant dense<0.000000e+00> : vector<3333x32xf32>
    %dot_general3A_75 = tpu.matmul %max3A_70, %get3A_73, %dot_general3A_74 {dimension_numbers = #tpu.dot_dimension_numbers<[1], [0], [0], [1], [0, 0, 1, 1], [], []>, precision = #tpu.contract_precision<fp32>, transpose_lhs_hint = false} : vector<3333x32xf32>, vector<32x32xf32>, vector<3333x32xf32> -> vector<3333x32xf32>
    %get3A_76 = arith.constant 0 : index
    %get3A_77 = arith.constant 0 : index
    %get3A_78 = vector.load %arg6[%get3A_76, %get3A_77] : memref<1x32xf32, #tpu.memory_space<vmem>>, vector<1x32xf32>
    %add3A_79 = vector.broadcast %get3A_78 : vector<1x32xf32> to vector<3333x32xf32>
    %add3A_80 = arith.addf %dot_general3A_75, %add3A_79 : vector<3333x32xf32>
    %max3A_81 = arith.constant 0.000000e+00 : f32
    %max3A_82 = vector.broadcast %max3A_81 : f32 to vector<3333x32xf32>
    %max3A_83 = arith.maximumf %add3A_80, %max3A_82 : vector<3333x32xf32>
    %get3A_84 = arith.constant 0 : index
    %get3A_85 = arith.constant 0 : index
    %get3A_86 = vector.load %arg7[%get3A_84, %get3A_85] : memref<32x1xf32, #tpu.memory_space<vmem>>, vector<32x1xf32>
    %dot_general3A_87 = arith.constant dense<0.000000e+00> : vector<3333x1xf32>
    %dot_general3A_88 = tpu.matmul %max3A_83, %get3A_86, %dot_general3A_87 {dimension_numbers = #tpu.dot_dimension_numbers<[1], [0], [0], [1], [0, 0, 1, 1], [], []>, precision = #tpu.contract_precision<fp32>, transpose_lhs_hint = false} : vector<3333x32xf32>, vector<32x1xf32>, vector<3333x1xf32> -> vector<3333x1xf32>
    %get3A_89 = arith.constant 0 : index
    %get3A_90 = arith.constant 0 : index
    %get3A_91 = vector.load %arg8[%get3A_89, %get3A_90] : memref<1x1xf32, #tpu.memory_space<vmem>>, vector<1x1xf32>
    %add3A_92 = vector.broadcast %get3A_91 : vector<1x1xf32> to vector<3333x1xf32>
    %add3A_93 = arith.addf %dot_general3A_88, %add3A_92 : vector<3333x1xf32>
    %swap3A_94 = arith.constant 0 : index
    %swap3A_95 = arith.constant 0 : index
    %swap3A_96 = vector.load %arg10[%swap3A_94, %swap3A_95] : memref<3333x1xf32, #tpu.memory_space<vmem>>, vector<3333x1xf32>
    tpu.vector_store %arg10[%swap3A_94, %swap3A_95], %add3A_93 {strides = array<i32>} : memref<3333x1xf32, #tpu.memory_space<vmem>>, vector<3333x1xf32>,
    return
  }
}

</mosaic_0001>

<sc_bundles>
// kernel: kernel.10.cloned.1.call-start
scs
__scs_entry_jumppad:
0x0: {  	(pc) =	sbr.rel $0x88, $3  }
0x1: {  	(tag) =	ssettag $0x0;
	lr =	simm.s32 $0x1  }
0x2: {  	[smem:$0x3F90] =	sst lr;
	_ =	strace $0xD0000000  }
0x3: {  	_ = 	snop  }
0x4: {  	_ = 	snop  }
0x5: {  	_ = 	snop  }
0x6: {  	_ = 	snop  }
0x7: {  	_ = 	snop  }
__scs_overlays_trampoline_lowered:
0x8: {  	[smem:$0x3F9F] =	sst s0  }
0x9: {  	[smem:$0x3FA0] =	sst s1  }
0xa: {  	[smem:$0x3FA1] =	sst s2  }
0xb: {  	[smem:$0x3FA2] =	sst s3  }
0xc: {  	[smem:$0x3FA3] =	sst s4  }
0xd: {  	[smem:$0x3FA4] =	sst s5  }
0xe: {  	[smem:$0x3FA5] =	sst s6  }
0xf: {  	[smem:$0x3FA6] =	sst s7  }
0x10: {  	[smem:$0x3FA7] =	sst s8  }
0x11: {  	[smem:$0x3FA8] =	sst s9;
	s0 =	simm.s32 @!p0 $0x0  }
0x12: {  	s1 =	sld [smem:$0x3F8E];
	s0 =	simm.s32 @p0 $0x1  }
0x13: {  	[smem:$0x3FA9] =	sst s0;
	s0 =	simm.s32 @!p1 $0x0  }
0x14: {  	s2 =	sld [smem:$0x3F8D];
	s0 =	simm.s32 @p1 $0x1  }
0x15: {  	[smem:$0x3FAA] =	sst s0;
	s0 =	simm.s32 @!p2 $0x0  }
0x16: {  	s3 =	sld [smem:$0x3FDB];
	s0 =	simm.s32 @p2 $0x1  }
0x17: {  	s4 =	simm.s32 $0x1BF5;
	[smem:$0x3FAC] =	sst s0  }
0x18: {  	s0 =	sld [smem:$0x3F8F];
	_ =	swait.ge [sflag:s4], $0x0  }
0x19: {  	s7 =	sld [smem:$0x3F90]  }
0x1a: {  	s8 =	sadd.s32 $0xFFFFE003, lr  }
0x1b: {  	s9 =	sadd.s32 $0xFFFFFEF7, lr;
	s5 =	simm.s32 $0xFFFFFFFF;
	p2 =	slt.u32 s8, $0xFFFFF086  }
0x1c: {  	p1 =	slt.u32 s9, $0xF7A;
	s5 =	simm.s32 @!p2 $0x0  }
0x1d: {  	s5 =	simm.s32 @p1 $0x1;
	p0 =	seq.s32 s7, s2  }
0x1e: {  	s7 =	smul.u32 @!p0 $0xF7A, s2;
	p2 =	seq.s32 @!p0 s5, $0x0  }
0x1f: {  	s9 =	smul.u32 $0xF7A, s1;
	s8 =	simm.s32 @!p0 $0x1BF5;
	p2 =	por !p2, p0  }
0x20: {  	[sflag:s8] =	ssyncset.s32 @!p0 $0xFFFFF086;
	s6 =	sadd.s32 @!p0 s3, s7;
	s7 =	simm.s32 @!p0 $0x108  }
0x21: {  	s3 =	sadd.s32 s3, s9;
	s6 =	sadd.s32 @!p0 $0x88, s6;
	s7 =	simm.s32 @p2 $0x1082  }
0x22: {  	[simem:s7], [sflag:s8] =	dma.local @!p0 [hbm:s6], $0xF7A  }
0x23: {  	s9 =	sor.u32 $0xD0000000, s2;
	s6 =	simm.s32 $0x108;
	_ =	swait.ge @!p0 [sflag:s8], $0x0  }
0x24: {  	s3 =	sadd.s32 $0x88, s3;
	s6 =	simm.s32 @!p1 $0x1082;
	[sflag:s4] =	ssyncset.s32 $0xFFFFF086  }
0x25: {  	[simem:s6], [sflag:s4] =	dma.local [hbm:s3], $0xF7A  }
0x26: {  	[smem:$0x3F90] =	sst s1;
	(tag) =	ssettag s2;
	_ =	strace s9  }
0x27: {  	s1 =	sld [smem:$0x3FA0]  }
0x28: {  	s2 =	sld [smem:$0x3FA1]  }
0x29: {  	s4 =	sld [smem:$0x3FA3]  }
0x2a: {  	p0 =	seq.s32 s5, $0x0;
	s5 =	sld [smem:$0x3FA4]  }
0x2b: {  	s6 =	sld [smem:$0x3FA5]  }
0x2c: {  	s7 =	sld [smem:$0x3FA6]  }
0x2d: {  	s3 =	simm.s32 $0x108;
	s8 =	sld [smem:$0x3FA7]  }
0x2e: {  	s3 =	simm.s32 @!p0 $0x1082;
	s9 =	sld [smem:$0x3FA8]  }
0x2f: {  	lr =	sadd.s32 s0, s3;
	s0 =	sld [smem:$0x3F9F]  }
0x30: {  	s3 =	sld [smem:$0x3FA2]  }
0x31: {  	[smem:$0x3FAB] =	sst s10  }
0x32: {  	s10 =	sld [smem:$0x3FA9];
	_ =	sdelay $0x3  }
0x33: {  	p0 =	seq.s32 s10, $0x1;
	s10 =	sld [smem:$0x3FAB];
	_ =	sdelay $0x3  }
0x34: {  	[smem:$0x3FAB] =	sst s10  }
0x35: {  	s10 =	sld [smem:$0x3FAA];
	_ =	sdelay $0x3  }
0x36: {  	p1 =	seq.s32 s10, $0x1;
	s10 =	sld [smem:$0x3FAB];
	_ =	sdelay $0x3  }
0x37: {  	[smem:$0x3FAB] =	sst s10  }
0x38: {  	s10 =	sld [smem:$0x3FAC]  }
0x39: {  	_ = 	snop;
	(pc) =	sbr.ind lr, $3  }
0x3a: {  	_ = 	snop  }
0x3b: {  	_ = 	snop  }
0x3c: {  	p2 =	seq.s32 s10, $0x1;
	s10 =	sld [smem:$0x3FAB]  }
0x3d: {  	_ =	shalt  }
0x3e: {  	_ =	shalt  }
0x3f: {  	_ =	shalt  }
0x40: {  	_ =	shalt  }
0x41: {  	_ =	shalt  }
0x42: {  	_ =	shalt  }
0x43: {  	_ =	shalt  }
0x44: {  	_ =	shalt  }
0x45: {  	_ =	shalt  }
0x46: {  	_ =	shalt  }
0x47: {  	_ =	shalt  }
0x48: {  	_ =	shalt  }
0x49: {  	_ =	shalt  }
0x4a: {  	_ =	shalt  }
0x4b: {  	_ =	shalt  }
0x4c: {  	_ =	shalt  }
0x4d: {  	_ =	shalt  }
0x4e: {  	_ =	shalt  }
0x4f: {  	_ =	shalt  }
0x50: {  	_ =	shalt  }
0x51: {  	_ =	shalt  }
0x52: {  	_ =	shalt  }
0x53: {  	_ =	shalt  }
0x54: {  	_ =	shalt  }
0x55: {  	_ =	shalt  }
0x56: {  	_ =	shalt  }
0x57: {  	_ =	shalt  }
0x58: {  	_ =	shalt  }
0x59: {  	_ =	shalt  }
0x5a: {  	_ =	shalt  }
0x5b: {  	_ =	shalt  }
0x5c: {  	_ =	shalt  }
0x5d: {  	_ =	shalt  }
0x5e: {  	_ =	shalt  }
0x5f: {  	_ =	shalt  }
0x60: {  	_ =	shalt  }
0x61: {  	_ =	shalt  }
0x62: {  	_ =	shalt  }
0x63: {  	_ =	shalt  }
0x64: {  	_ =	shalt  }
0x65: {  	_ =	shalt  }
0x66: {  	_ =	shalt  }
0x67: {  	_ =	shalt  }
0x68: {  	_ =	shalt  }
0x69: {  	_ =	shalt  }
0x6a: {  	_ =	shalt  }
0x6b: {  	_ =	shalt  }
0x6c: {  	_ =	shalt  }
0x6d: {  	_ =	shalt  }
0x6e: {  	_ =	shalt  }
0x6f: {  	_ =	shalt  }
0x70: {  	_ =	shalt  }
0x71: {  	_ =	shalt  }
0x72: {  	_ =	shalt  }
0x73: {  	_ =	shalt  }
0x74: {  	_ =	shalt  }
0x75: {  	_ =	shalt  }
0x76: {  	_ =	shalt  }
0x77: {  	_ =	shalt  }
0x78: {  	_ =	shalt  }
0x79: {  	_ =	shalt  }
0x7a: {  	_ =	shalt  }
0x7b: {  	_ =	shalt  }
0x7c: {  	_ =	shalt  }
0x7d: {  	_ =	shalt  }
0x7e: {  	_ =	shalt  }
0x7f: {  	_ =	shalt  }
0x80: {  	_ =	shalt  }
0x81: {  	_ =	shalt  }
0x82: {  	_ =	shalt  }
0x83: {  	_ =	shalt  }
0x84: {  	_ =	shalt  }
0x85: {  	_ =	shalt  }
0x86: {  	_ =	shalt  }
0x87: {  	_ =	shalt  }
.Lfunc_end0:
.L_simem_size_0:
called_computation.1_lowered:
.L_overlay_start_0:
0x88: {  	s2 =	sld [smem:$0x3FD9]  }
0x89: {  	s3 =	sld [smem:$0x3FFE];
	_ =	sdelay $0x1  }
0x8a: {  	s1 =	srdreg.scid  }
0x8b: {  	s0 =	sand.u32 $0x1, s1  }
0x8c: {  	s16 =	sshll.u32 s0, $0xA;
	s2 =	sadd.s32 s3, s2  }
0x8d: {  	s2 =	sadd.s32 s2, s16  }
0x8e: {  	[smem:$0x3FB7] =	sst s2  }
0x8f: {  	_ = 	snop  }
0x90: {  	(tm) =	ssettm $0x1  }
0x91: {  	s17 =	sld [smem:$0x3FFB];
	_ =	sdelay $0x3  }
0x92: {  	_ =	strace s17  }
0x93: {  	s2 =	sld [smem:$0x3FFC];
	_ =	sdelay $0x3  }
0x94: {  	_ =	strace s2  }
0x95: {  	s2 =	sld [smem:$0x3FFD];
	_ =	sdelay $0x3  }
0x96: {  	_ =	strace s2  }
0x97: {  	_ =	strace $0x8FFFFFFF  }
0x98: {  	s18 =	sld [smem:$0x3FDB];
	_ =	sdelay $0x1  }
0x99: {  	s19 =	simm.s32 $_scs_section_size  }
0x9a: {  	s4 =	simm.s32 $_size__tile_overlayer_lowered;
	s5 =	simm.s32 $_tile_overlayer_lowered  }
0x9b: {  	s22 =	simm.s32 $0x1BFF;
	s21 =	sshll.u32 s5, $0x1;
	s2 =	sadd.s32 s19, s18  }
0x9c: {  	s6 =	simm.s32 $0x0;
	s20 =	sshll.u32 s4, $0x1;
	s4 =	sadd.s32 s21, s2  }
0x9d: {  	[timem:s6], [sflag:s22] =	dma.local [hbm:s4], s20  }
0x9e: {  	_ =	swait.ge [sflag:s22], s20  }
0x9f: {  	s3 =	ssub.s32 $0x0, s20;
	[sflag:s22] =	ssyncset.done $0x0  }
0xa0: {  	[sflag:s22] =	ssyncadd.s32 s3;
	_ =	sdelay $0x1  }
0xa1: {  	s23 =	simm.s32 $0x1B8B  }
0xa2: {  	_ =	swait.ge [sflag:s23], $0x1  }
0xa3: {  	[sflag:s23] =	ssyncset.done $0x0  }
0xa4: {  	s25 =	simm.s32 $0x1B8E;
	s24 =	sld [smem:$0x3FFE];
	[sflag:s23] =	ssyncadd.s32 $0xFFFFFFFF  }
0xa5: {  	s26 =	simm.s32 $execute0_lowered;
	[smem:$0x3FD2] =	sst s25  }
0xa6: {  	s4 =	sshll.u32 s26, $0x1;
	_ =	strace $0x80000049;
	[dreg:$0x1] =	wrdreg $0xFFFFFFFF  }
0xa7: {  	s28 =	simm.s32 $_size_execute0_lowered;
	s2 =	sadd.s32 s2, s4;
	[dreg:$0x0] =	wrdreg $0x0  }
0xa8: {  	s4 =	sshll.u32 s28, $0x1;
	[dreg:$0x2] =	wrdreg s2  }
0xa9: {  	[dreg:$0x3] =	wrdreg s4  }
0xaa: {  	[dreg:$0x4] =	wrdreg $0xC0  }
0xab: {  	_ =	task [dreg:s6], $0x5FFFF  }
0xac: {  	[dreg:$0x1] =	wrdreg $0xFFFFFFFF  }
0xad: {  	[dreg:$0x0] =	wrdreg $0x60  }
0xae: {  	[dreg:$0x2] =	wrdreg s24  }
0xaf: {  	[dreg:$0x3] =	wrdreg $0x80200  }
0xb0: {  	[dreg:$0x4] =	wrdreg $0xA8200  }
0xb1: {  	[dreg:$0x5] =	wrdreg $0x9  }
0xb2: {  	_ =	task.clear_ibuf [dreg:s6], $0x6FFFF;
	_ =	strace $0x90000049  }
0xb3: {  	s29 =	simm.s32 $0x9;
	_ =	strace $0x8000004B  }
0xb4: {  	_ =	swait.ge [sflag:s29], $0x1  }
0xb5: {  	[sflag:s29] =	ssyncadd.s32 $0xFFFFFFFF  }
0xb6: {  	_ =	strace $0x9000004B  }
0xb7: {  	_ =	sfence  }
0xb8: {  	s30 =	sld [smem:$0x0];
	_ =	sdelay $0x2  }
0xb9: {  	s31 =	sshll.u32 s1, $0xD;
	s1 =	sshrl.u32 s1, $0x2  }
0xba: {  	s3 =	sand.u32 $0x4000, s31;
	s1 =	sadd.s32 s1, s30  }
0xbb: {  	s0 =	sor.u32 s3, s0;
	s1 =	sshll.u32 s1, $0x11  }
0xbc: {  	s0 =	sor.u32 s1, s0  }
0xbd: {  	s0 =	sadd.s32 $0x8F2B, s0  }
0xbe: {  	[sflag:s0] =	ssyncadd.remote.s32 $0x1  }
0xbf: {  	_ =	sfence.sel $0xFFFF  }
0xc0: {  	[dreg:$0x0] =	wrdreg $0xFFFFFFFF;
	(pc) =	sbr.abs _section_cstart, $3  }
0xc1: {  	[dreg:$0x1] =	wrdreg $0xFFFFFFFF  }
0xc2: {  	_ =	task.clear_ibuf [dreg:s6], $0x2FFFF;
	_ =	strace $0x9FFFFFFF  }
0xc3: {  	(tm) =	ssettm $0x7FFFFFFF  }
tec
execute0_lowered:
.L_overlay_start_1:
0x0: {  	(tag) =	ssettag $0x1  }
0x1: {  	s0 =	rddreg [dreg:$0x0]  }
0x2: {  	s1 =	rddreg [dreg:$0x1]  }
0x3: {  	s2 =	srdreg.scid;
	s3 =	rddreg [dreg:$0x2]  }
0x4: {  	s28 =	stileid.u32;
	s4 =	simm.s32 $0x0;
	s17 =	simm.s32 $0x1  }
0x5: {  	s18 =	simm.s32 $0x190;
	s19 =	simm.s32 $0x320;
	s20 =	simm.s32 $0x1C20  }
0x6: {  	s21 =	simm.s32 $0x3520;
	s22 =	simm.s32 $0x4E20;
	s23 =	simm.s32 $0x6720  }
0x7: {  	s24 =	simm.s32 $0x0;
	s7 =	sand.u32 $0x1, s2;
	s12 =	smul.u32 $0x2800, s28  }
0x8: {  	[smem:$0x7FF] =	sst s4;
	s5 =	sadd.s32 $0x19800, s0;
	s8 =	smul.u32 $0x5000, s7  }
0x9: {  	s6 =	sadd.s32 $0x14800, s0;
	s10 =	sshll.u32 s28, $0x6;
	s9 =	smul.u32 $0x28000, s7  }
0xa: {  	_ =	strace $0x8000004A;
	s7 =	ssub.s32 $0x2, s7;
	s30 =	sshrl.u32 s12, $0x3  }
0xb: {  	s31 =	sshrl.u32 s7, $0x1;
	s16 =	sadd.s32 s12, s1;
	s13 =	sadd.s32 s8, s0  }
0xc: {  	s29 =	sadd.s32 s12, s9;
	s9 =	sadd.s32 s30, s0;
	s15 =	ssub.s32 s7, s31  }
0xd: {  	s7 =	smul.u32 $0x2710, s28;
	s12 =	sadd.s32 s12, s3;
	s16 =	sshrl.u32 s16, $0x3  }
0xe: {  	s8 =	sshrl.u32 s29, $0x3;
	s11 =	sadd.s32 $0xA800, s13;
	s15 =	smax.u32 s15, $0x1  }
0xf: {  	s0 =	sadd.s32 s8, s0;
	s8 =	sadd.s32 $0x1E800, s9;
	s9 =	sor.u32 $0x1C01, s10  }
0x10: {  	v0 =	vimm.s32 $0x0;
	s10 =	sadd.s32 $0x23800, s13;
	s13 =	sadd.s32 $0x800, s13;
	s14 =	sadd.s32 $0x2D800, s0  }
.LBB2_1:
0x11: {  	[spmem:s16], [sflag:s9] =	dma.local [hbm:s8], $0x500  }
0x12: {  	_ =	swait.ge [sflag:s17], $0x500  }
0x13: {  	[sflag:s17] =	ssyncset.done $0x0  }
0x14: {  	[sflag:s17] =	ssyncadd.s32 $0xFFFFFB00  }
0x15: {  	s25 =	simm.s32 $0x0;
	[bflag:$0x0] =	sbarrier.arrive $0xFFFF  }
.LBB2_2:
0x16: {  	s0 =	smul.u32 $0x190, s25;
	_ =	sdelay $0x1  }
0x17: {  	s0 =	sadd.s32 s7, s0  }
0x18: {  	s0 =	sshrl.u32 s0, $0x3  }
0x19: {  	s28 =	simm.s32 $0x0;
	s26 =	sadd.s32 s5, s0  }
0x1a: {  	[tilespmem:s28], [sflag:$0x1] =	stream.linear.gather [hbm4b:s26+s28], $0x190, $0x38;
	[tilespmem:$0xD020] =	vst v63  }
0x1b: {  	_ =	swait.ge [sflag:s17], $0x190  }
0x1c: {  	[sflag:s17] =	ssyncset.done $0x0  }
0x1d: {  	s0 =	sadd.s32 s6, s0;
	[sflag:s17] =	ssyncadd.s32 $0xFFFFFE70  }
0x1e: {  	[tilespmem:s18], [sflag:$0x1] =	stream.linear.gather [hbm4b:s0+s28], $0x190, $0x38;
	[tilespmem:$0xD020] =	vst v63  }
0x1f: {  	_ =	swait.ge [sflag:s17], $0x190  }
0x20: {  	[sflag:s17] =	ssyncset.done $0x0  }
0x21: {  	[sflag:s17] =	ssyncadd.s32 $0xFFFFFE70  }
0x22: {  	[tilespmem:s19], [sflag:$0x1] =	stream.indirect.gather [hbm4b:s10+s18], $0x10, s28, s18, $0xb8;
	[tilespmem:$0xD020] =	vst v63  }
0x23: {  	_ =	swait.ge [sflag:s17], $0x1900  }
0x24: {  	[sflag:s17] =	ssyncset.done $0x0  }
0x25: {  	[sflag:s17] =	ssyncadd.s32 $0xFFFFE700  }
0x26: {  	[tilespmem:s20], [sflag:$0x1] =	stream.indirect.gather [hbm4b:s11+s18], $0x10, s18, s18, $0xb8;
	[tilespmem:$0xD020] =	vst v63  }
0x27: {  	_ =	swait.ge [sflag:s17], $0x1900  }
0x28: {  	[sflag:s17] =	ssyncset.done $0x0  }
0x29: {  	s28 =	simm.s32 $0x0;
	[sflag:s17] =	ssyncadd.s32 $0xFFFFE700  }
0x2a: {  	v1 =	vld [tilespmem:s28+$0x1C50]  }
0x2b: {  	v2 =	vld [tilespmem:s28+$0x1C30]  }
0x2c: {  	v3 =	vld [tilespmem:s28+$0x1C40]  }
0x2d: {  	v4 =	vld [tilespmem:s28+$0x340]  }
0x2e: {  	v5 =	vld [tilespmem:s28+$0x350]  }
0x2f: {  	v6 =	vld [tilespmem:s28+$0x330]  }
0x30: {  	v7 =	vld [tilespmem:s28+$0x320]  }
0x31: {  	s26 =	simm.s32 $0x40;
	v8 =	vld [tilespmem:s28+$0x1C20]  }
0x32: {  	v9 =	vld [tilespmem:s26+$0x1C50]  }
0x33: {  	v10 =	vld [tilespmem:s26+$0x1C30]  }
0x34: {  	v12 =	vld [tilespmem:s26+$0x330]  }
0x35: {  	v11 =	vld [tilespmem:s26+$0x1C40]  }
0x36: {  	v14 =	vld [tilespmem:s26+$0x320];
	v3 =	vadd.f32 v3, v4  }
0x37: {  	v4 =	vld [tilespmem:s26+$0x340]  }
0x38: {  	s29 =	simm.s32 $0x80;
	v2 =	vadd.f32 v2, v6;
	v6 =	vld [tilespmem:s26+$0x350];
	v1 =	vadd.f32 v1, v5;
	v5 =	vmul.f32 $2.000000030e-01, v3  }
0x39: {  	v17 =	vld [tilespmem:s29+$0x350];
	v7 =	vadd.f32 v8, v7;
	v10 =	vadd.f32 v10, v12;
	vm0 =	vge.f32 v3, $0.0e+00  }
0x3a: {  	v19 =	vld [tilespmem:s29+$0x330];
	v13 =	vmul.f32 $2.000000030e-01, v2;
	v15 =	vmul.f32 $2.000000030e-01, v1;
	v3 =	vsel vm0, v3, v5  }
0x3b: {  	v8 =	vld [tilespmem:s29+$0x1C50];
	v18 =	vmul.f32 $2.000000030e-01, v10;
	vm0 =	vge.f32 v2, $0.0e+00;
	v3 =	vmul.f32 $1.442695020e+00, v3  }
0x3c: {  	v5 =	vld [tilespmem:s26+$0x1C20];
	v2 =	vsel vm0, v2, v13;
	vm0 =	vge.f32 v1, $0.0e+00;
	v4 =	vadd.f32 v11, v4  }
0x3d: {  	v13 =	vld [tilespmem:s29+$0x1C30];
	v6 =	vadd.f32 v9, v6;
	v11 =	vmul.f32 $1.442695020e+00, v2;
	v1 =	vsel vm0, v1, v15  }
0x3e: {  	v9 =	vld [tilespmem:s29+$0x1C40];
	vm0 =	vge.f32 v7, $0.0e+00;
	v2 =	vmul.f32 $2.000000030e-01, v7;
	v12 =	vmul.f32 $2.000000030e-01, v4  }
0x3f: {  	v15 =	vld [tilespmem:s29+$0x340];
	vm1 =	vge.f32 v4, $0.0e+00;
	v16 =	vmul.f32 $2.000000030e-01, v6;
	v1 =	vmul.f32 $1.442695020e+00, v1  }
0x40: {  	(erf) = vpow2.f32 v3;
	v4 =	vsel vm1, v4, v12;
	vm1 =	vge.f32 v10, $0.0e+00  }
0x41: {  	(erf) = vpow2.f32 v1;
	v1 =	vsel vm0, v7, v2;
	v14 =	vadd.f32 v5, v14  }
0x42: {  	v12 =	vld [tilespmem:s29+$0x320];
	v20 =	vmul.f32 $1.442695020e+00, v4;
	v3 =	vsel vm1, v10, v18;
	vm1 =	vge.f32 v6, $0.0e+00  }
0x43: {  	s30 =	simm.s32 $0xC0;
	v2 =	vld [tilespmem:s29+$0x1C20];
	v7 =	vmul.f32 $1.442695020e+00, v1;
	(erf) = vpow2.f32 v11;
	v4 =	vadd.f32 v8, v17  }
0x44: {  	v1 =	vld [tilespmem:s30+$0x1C50];
	v17 =	vadd.f32 v13, v19;
	v15 =	vadd.f32 v9, v15;
	v5 =	vmul.f32 $1.442695020e+00, v3  }
0x45: {  	v8 =	vld [tilespmem:s30+$0x1C40];
	v6 =	vsel vm1, v6, v16;
	v16 =	vmul.f32 $2.000000030e-01, v14;
	(erf) = vpow2.f32 v7  }
0x46: {  	v3 =	vld [tilespmem:s30+$0x1C30];
	v9 =	vmul.f32 $2.000000030e-01, v4;
	v7 =	vmul.f32 $1.442695020e+00, v6  }
0x47: {  	v11 =	vld [tilespmem:s30+$0x340];
	vm1 =	vge.f32 v14, $0.0e+00;
	v18 =	vmul.f32 $2.000000030e-01, v17;
	v13 =	vmul.f32 $2.000000030e-01, v15  }
0x48: {  	v10 =	vld [tilespmem:s30+$0x350];
	vm0 =	vge.f32 v15, $0.0e+00;
	(erf) = vpow2.f32 v20;
	v16 =	vsel vm1, v14, v16  }
0x49: {  	(erf) = vpow2.f32 v7;
	v6 =	vsel vm0, v15, v13;
	v13 =	vld [tilespmem:s30+$0x330];
	vm0 =	vge.f32 v17, $0.0e+00;
	v19 =	vpop (erf)  }
0x4a: {  	s31 =	simm.s32 $0x400;
	v7 =	vld [tilespmem:s30+$0x320];
	v6 =	vmul.f32 $1.442695020e+00, v6;
	v15 =	vsel vm0, v17, v18;
	vm0 =	vge.f32 v4, $0.0e+00;
	[tilespmem:s28+$0x3540] =	vst v19;
	v14 =	vpop (erf)  }
.LBB2_3:
0x4b: {  	s0 =	sshra.s32 s31, $0x2;
	p0 =	sne.s32 s31, $0x6300;
	s31 =	sadd.s32 $0x100, s31;
	v17 =	vadd.f32 v2, v12;
	v2 =	vld [tilespmem:s30+$0x1C20];
	v12 =	vmul.f32 $1.442695020e+00, v16;
	(erf) = vpow2.f32 v5;
	v16 =	vmovc v1;
	v18 =	vmovc v3  }
0x4c: {  	v5 =	vmul.f32 $1.442695020e+00, v15;
	v15 =	vsel vm0, v4, v9;
	v1 =	vld [tilespmem:s0+$0x1C50];
	v19 =	vadd.f32 v8, v11;
	[tilespmem:s28+$0x3550] =	vst v14;
	v8 =	vpop (erf)  }
0x4d: {  	v3 =	vld [tilespmem:s0+$0x1C30];
	v4 =	vadd.f32 v16, v10;
	vm1 =	vge.f32 v17, $0.0e+00;
	v14 =	vmul.f32 $2.000000030e-01, v17;
	[tilespmem:s28+$0x3530] =	vst v8  }
.Ltmp0:
0x4e: {  	v8 =	vld [tilespmem:s0+$0x1C40];
	v16 =	vadd.f32 v18, v13;
	v13 =	vmul.f32 $2.000000030e-01, v19;
	(erf) = vpow2.f32 v12;
	(pc) =	sbr.rel @p0 .LBB2_3-.Ltmp0, $4  }
0x4f: {  	v15 =	vmul.f32 $1.442695020e+00, v15;
	vm0 =	vge.f32 v19, $0.0e+00;
	v11 =	vld [tilespmem:s0+$0x340];
	v9 =	vmul.f32 $2.000000030e-01, v4;
	v12 =	vpop (erf)  }
0x50: {  	v10 =	vld [tilespmem:s0+$0x350];
	v18 =	vmul.f32 $2.000000030e-01, v16;
	v20 =	vsel vm0, v19, v13;
	(erf) = vpow2.f32 v6;
	[tilespmem:s28+$0x3520] =	vst v12;
	v12 =	vmovc v7;
	s28 =	smov.u32 s26;
	s26 =	smov.u32 s29;
	s29 =	smov.u32 s30  }
0x51: {  	vm0 =	vge.f32 v16, $0.0e+00;
	s30 =	smov.u32 s0;
	v13 =	vld [tilespmem:s0+$0x330];
	v6 =	vmul.f32 $1.442695020e+00, v20;
	(erf) = vpow2.f32 v15;
	v19 =	vpop (erf)  }
0x52: {  	v7 =	vld [tilespmem:s30+$0x320];
	v15 =	vsel vm0, v16, v18;
	vm0 =	vge.f32 v4, $0.0e+00;
	v16 =	vsel vm1, v17, v14;
	[tilespmem:s28+$0x3540] =	vst v19;
	v14 =	vpop (erf)  }
0x53: {  	v2 =	vadd.f32 v2, v12;
	v54 =	vmul.f32 $1.442695020e+00, v16  }
0x54: {  	(erf) = vpow2.f32 v5;
	v56 =	vmul.f32 $1.442695020e+00, v15;
	v4 =	vsel vm0, v4, v9  }
0x55: {  	v57 =	vld [tilespmem:s30+$0x1C20];
	v55 =	vadd.f32 v8, v11;
	v4 =	vmul.f32 $1.442695020e+00, v4;
	v1 =	vadd.f32 v1, v10  }
0x56: {  	vm12 =	vge.f32 v2, $0.0e+00;
	v58 =	vmul.f32 $2.000000030e-01, v2;
	(erf) = vpow2.f32 v54  }
0x57: {  	v3 =	vadd.f32 v3, v13;
	v59 =	vmul.f32 $2.000000030e-01, v55;
	(erf) = vpow2.f32 v6  }
0x58: {  	vm1 =	vge.f32 v55, $0.0e+00;
	v60 =	vmul.f32 $2.000000030e-01, v1;
	(erf) = vpow2.f32 v4  }
0x59: {  	v2 =	vsel vm12, v2, v58;
	vm14 =	vge.f32 v1, $0.0e+00;
	v13 =	vmul.f32 $2.000000030e-01, v3  }
0x5a: {  	v5 =	vsel vm1, v55, v59;
	v61 =	vadd.f32 v57, v7;
	v2 =	vmul.f32 $1.442695020e+00, v2  }
0x5b: {  	vm13 =	vge.f32 v3, $0.0e+00;
	(erf) = vpow2.f32 v56;
	v5 =	vmul.f32 $1.442695020e+00, v5  }
0x5c: {  	v1 =	vsel vm14, v1, v60;
	v3 =	vsel vm13, v3, v13;
	v62 =	vmul.f32 $2.000000030e-01, v61  }
0x5d: {  	v63 =	vpop (erf);
	vm15 =	vge.f32 v61, $0.0e+00;
	(erf) = vpow2.f32 v2;
	v1 =	vmul.f32 $1.442695020e+00, v1  }
0x5e: {  	[tilespmem:s28+$0x3550] =	vst v14;
	v3 =	vmul.f32 $1.442695020e+00, v3;
	v2 =	vpop (erf);
	(erf) = vpow2.f32 v5;
	v4 =	vsel vm15, v61, v62  }
0x5f: {  	[tilespmem:s28+$0x3520] =	vst v2;
	v2 =	vpop (erf);
	(erf) = vpow2.f32 v1;
	v1 =	vmul.f32 $1.442695020e+00, v4  }
0x60: {  	[tilespmem:s28+$0x3530] =	vst v63  }
0x61: {  	[tilespmem:s26+$0x3540] =	vst v2;
	v2 =	vpop (erf);
	(erf) = vpow2.f32 v3  }
0x62: {  	[tilespmem:s26+$0x3550] =	vst v2;
	v2 =	vpop (erf);
	(erf) = vpow2.f32 v1  }
0x63: {  	[tilespmem:s26+$0x3530] =	vst v2;
	v1 =	vpop (erf)  }
0x64: {  	v2 =	vpop (erf);
	[tilespmem:s26+$0x3520] =	vst v1  }
0x65: {  	v1 =	vpop (erf);
	[tilespmem:s29+$0x3540] =	vst v2  }
0x66: {  	[tilespmem:s29+$0x3550] =	vst v1;
	v1 =	vpop (erf)  }
0x67: {  	[tilespmem:s29+$0x3530] =	vst v1;
	v1 =	vpop (erf)  }
0x68: {  	[tilespmem:s29+$0x3520] =	vst v1;
	v1 =	vpop (erf)  }
0x69: {  	[tilespmem:s30+$0x3540] =	vst v1;
	v1 =	vpop (erf)  }
0x6a: {  	s25 =	sadd.s32 $0x1, s25;
	[tilespmem:s30+$0x3550] =	vst v1;
	v1 =	vpop (erf)  }
0x6b: {  	p0 =	sne.s32 s25, $0x19;
	[tilespmem:s30+$0x3530] =	vst v1;
	v1 =	vpop (erf)  }
.Ltmp1:
0x6c: {  	[tilespmem:s30+$0x3520] =	vst v1;
	(pc) =	sbr.rel @p0 .LBB2_2-.Ltmp1, $4  }
0x6d: {  	[spmem:s1] =	stream.indirect.scatter.add.f32 [tilespmem:s21], [sflag:$0x1], $0x10, s18, s18, $0xb8;
	[tilespmem:$0xD020] =	vst v63  }
0x6e: {  	_ =	swait.ge [sflag:s17], $0x1900  }
0x6f: {  	[sflag:s17] =	ssyncset.done $0x0  }
0x70: {  	[sflag:s17] =	ssyncadd.s32 $0xFFFFE700  }
0x71: {  	[bflag:$0x0] =	sbarrier.arrive $0xFFFF;
	s25 =	sshrl.u32 s12, $0x3  }
0x72: {  	[spmem:s25], [sflag:s9] =	dma.local [hbm:s8], $0x500  }
0x73: {  	_ =	swait.ge [sflag:s17], $0x500  }
0x74: {  	[sflag:s17] =	ssyncset.done $0x0  }
0x75: {  	[sflag:s17] =	ssyncadd.s32 $0xFFFFFB00  }
0x76: {  	s26 =	simm.s32 $0x0;
	[bflag:$0x0] =	sbarrier.arrive $0xFFFF  }
.LBB2_6:
0x77: {  	s0 =	smul.u32 $0x190, s26;
	_ =	sdelay $0x1  }
0x78: {  	s0 =	sadd.s32 s7, s0  }
0x79: {  	s0 =	sshrl.u32 s0, $0x3  }
0x7a: {  	s28 =	sadd.s32 s5, s0  }
0x7b: {  	[tilespmem:s4], [sflag:$0x1] =	stream.linear.gather [hbm4b:s28+s4], $0x190, $0x38;
	[tilespmem:$0xD020] =	vst v63  }
0x7c: {  	_ =	swait.ge [sflag:s17], $0x190  }
0x7d: {  	[sflag:s17] =	ssyncset.done $0x0  }
0x7e: {  	s0 =	sadd.s32 s6, s0;
	[sflag:s17] =	ssyncadd.s32 $0xFFFFFE70  }
0x7f: {  	[tilespmem:s18], [sflag:$0x1] =	stream.linear.gather [hbm4b:s0+s4], $0x190, $0x38;
	[tilespmem:$0xD020] =	vst v63  }
0x80: {  	_ =	swait.ge [sflag:s17], $0x190  }
0x81: {  	[sflag:s17] =	ssyncset.done $0x0  }
0x82: {  	[sflag:s17] =	ssyncadd.s32 $0xFFFFFE70  }
0x83: {  	[tilespmem:s19], [sflag:$0x1] =	stream.indirect.gather [hbm4b:s10+s18], $0x10, s4, s18, $0xb8;
	[tilespmem:$0xD020] =	vst v63  }
0x84: {  	_ =	swait.ge [sflag:s17], $0x1900  }
0x85: {  	[sflag:s17] =	ssyncset.done $0x0  }
0x86: {  	[sflag:s17] =	ssyncadd.s32 $0xFFFFE700  }
0x87: {  	[tilespmem:s20], [sflag:$0x1] =	stream.indirect.gather [hbm4b:s11+s18], $0x10, s18, s18, $0xb8;
	[tilespmem:$0xD020] =	vst v63  }
0x88: {  	_ =	swait.ge [sflag:s17], $0x1900  }
0x89: {  	[sflag:s17] =	ssyncset.done $0x0  }
0x8a: {  	[sflag:s17] =	ssyncadd.s32 $0xFFFFE700  }
0x8b: {  	[tilespmem:s22], [sflag:$0x1] =	stream.indirect.gather [spmem:s1], $0x10, s18, s18, $0xb8;
	[tilespmem:$0xD020] =	vst v63  }
0x8c: {  	_ =	swait.ge [sflag:s17], $0x1900  }
0x8d: {  	[sflag:s17] =	ssyncset.done $0x0  }
0x8e: {  	[sflag:s17] =	ssyncadd.s32 $0xFFFFE700  }
0x8f: {  	[tilespmem:s23], [sflag:$0x1] =	stream.indirect.gather [hbm4b:s13+s18], $0x10, s4, s18, $0xb8;
	[tilespmem:$0xD020] =	vst v63  }
0x90: {  	_ =	swait.ge [sflag:s17], $0x1900  }
0x91: {  	[sflag:s17] =	ssyncset.done $0x0  }
0x92: {  	s30 =	simm.s32 $0x10;
	[sflag:s17] =	ssyncadd.s32 $0xFFFFE700  }
0x93: {  	v1 =	vld [tilespmem:s30+$0x320]  }
0x94: {  	v2 =	vld [tilespmem:s30+$0x1C20];
	_ =	sdelay $0x1  }
0x95: {  	v3 =	vld [tilespmem:s30+$0x1C10]  }
0x96: {  	v4 =	vld [tilespmem:s30+$0x310]  }
0x97: {  	v5 =	vld [tilespmem:s30+$0x4E20]  }
0x98: {  	v1 =	vadd.f32 v2, v1;
	_ =	sdelay $0x1  }
0x99: {  	s28 =	simm.s32 $0x30;
	v2 =	vld [tilespmem:s30+$0x4E10];
	v6 =	vmul.f32 $2.000000030e-01, v1  }
0x9a: {  	v7 =	vld [tilespmem:s28+$0x320];
	v3 =	vadd.f32 v3, v4;
	vm0 =	vge.f32 v1, $0.0e+00  }
0x9b: {  	v5 =	vadd.f32 $9.999999710e-10, v5;
	v1 =	vsel vm0, v1, v6;
	v6 =	vld [tilespmem:s28+$0x1C20]  }
0x9c: {  	v9 =	vld [tilespmem:s28+$0x310];
	v8 =	vmul.f32 $2.000000030e-01, v3;
	v1 =	vmul.f32 $1.442695020e+00, v1  }
0x9d: {  	v4 =	vld [tilespmem:s28+$0x1C10];
	vm12 =	vge.f32 v3, $0.0e+00;
	(erf) = vrcp.f32 v5  }
0x9e: {  	s29 =	simm.s32 $0x50;
	v5 =	vld [tilespmem:s28+$0x4E20];
	v3 =	vsel vm12, v3, v8;
	v2 =	vadd.f32 $9.999999710e-10, v2;
	(erf) = vpow2.f32 v1  }
0x9f: {  	v10 =	vld [tilespmem:s29+$0x310];
	v1 =	vmul.f32 $1.442695020e+00, v3  }
0xa0: {  	v8 =	vld [tilespmem:s29+$0x320];
	(erf) = vrcp.f32 v2;
	v2 =	vadd.f32 v6, v7  }
0xa1: {  	v3 =	vld [tilespmem:s28+$0x4E10];
	(erf) = vpow2.f32 v1  }
0xa2: {  	v4 =	vadd.f32 v4, v9;
	v7 =	vld [tilespmem:s29+$0x1C20];
	v1 =	vmul.f32 $2.000000030e-01, v2  }
0xa3: {  	v9 =	vld [tilespmem:s29+$0x4E20];
	v5 =	vadd.f32 $9.999999710e-10, v5;
	vm13 =	vge.f32 v2, $0.0e+00  }
0xa4: {  	v11 =	vmul.f32 $2.000000030e-01, v4;
	v6 =	vld [tilespmem:s29+$0x1C10];
	v1 =	vsel vm13, v2, v1  }
0xa5: {  	vm14 =	vge.f32 v4, $0.0e+00;
	v12 =	vmul.f32 $1.442695020e+00, v1  }
0xa6: {  	v4 =	vsel vm14, v4, v11;
	v14 =	vpop (erf);
	(erf) = vrcp.f32 v5;
	v3 =	vadd.f32 $9.999999710e-10, v3  }
0xa7: {  	s31 =	simm.s32 $0x70;
	v13 =	vld [tilespmem:s29+$0x4E10];
	v7 =	vadd.f32 v7, v8;
	v8 =	vmul.f32 $1.442695020e+00, v4;
	v5 =	vpop (erf);
	(erf) = vpow2.f32 v12  }
0xa8: {  	v15 =	vadd.f32 $9.999999710e-10, v9;
	v2 =	vld [tilespmem:s31+$0x1C10];
	(erf) = vrcp.f32 v3  }
0xa9: {  	v1 =	vld [tilespmem:s31+$0x320];
	v10 =	vadd.f32 v6, v10;
	v9 =	vmul.f32 $2.000000030e-01, v7;
	[tilespmem:s30+$0x3520] =	vst v5;
	v11 =	vpop (erf);
	(erf) = vpow2.f32 v8  }
0xaa: {  	vm15 =	vge.f32 v7, $0.0e+00;
	v3 =	vmul.f32 v5, v14;
	v4 =	vld [tilespmem:s31+$0x1C20];
	v14 =	vpop (erf)  }
0xab: {  	v5 =	vld [tilespmem:s31+$0x310];
	v8 =	vmul.f32 $2.000000030e-01, v10;
	v7 =	vsel vm15, v7, v9;
	[tilespmem:s30+$0x3510] =	vst v14  }
0xac: {  	vm1 =	vge.f32 v10, $0.0e+00;
	v12 =	vmul.f32 $1.442695020e+00, v7;
	v6 =	vld [tilespmem:s31+$0x4E20]  }
0xad: {  	s0 =	simm.s32 $0x240;
	v11 =	vmul.f32 v14, v11;
	v7 =	vld [tilespmem:s30+$0x6710];
	(erf) = vrcp.f32 v15;
	v8 =	vsel vm1, v10, v8  }
0xae: {  	v9 =	vadd.f32 $9.999999710e-10, v13;
	v3 =	vperm.xlane v3, v0;
	v10 =	vmul.f32 $1.442695020e+00, v8;
	v8 =	vld [tilespmem:s30+$0x6720]  }
.LBB2_7:
0xaf: {  	s2 =	sshra.s32 s0, $0x2;
	p0 =	sne.s32 s0, $0x63C0;
	s0 =	sadd.s32 $0x80, s0;
	v13 =	vld [tilespmem:s31+$0x4E10];
	(erf) = vpow2.f32 v12;
	v12 =	vpop (erf);
	v11 =	vperm.xlane v11, v0  }
0xb0: {  	v15 =	vadd.f32 v4, v1;
	v14 =	vadd.f32 v2, v5;
	v1 =	vld [tilespmem:s2+$0x320];
	(erf) = vrcp.f32 v9;
	v4 =	vpop (erf)  }
0xb1: {  	v2 =	vld [tilespmem:s2+$0x1C10];
	v16 =	vadd.f32 $9.999999710e-10, v6;
	(erf) = vpow2.f32 v10;
	[tilespmem:s28+$0x3520] =	vst v4;
	v10 =	vmul.f32 v4, v12;
	v17 =	vpop (erf)  }
.Ltmp2:
0xb2: {  	vm0 =	vge.f32 v15, $0.0e+00;
	v12 =	vmul.f32 $2.000000030e-01, v15;
	v4 =	vld [tilespmem:s2+$0x1C20];
	v18 =	vpop (erf);
	v7 =	vmul.f32 v7, v11;
	(pc) =	sbr.rel @p0 .LBB2_7-.Ltmp2, $4  }
0xb3: {  	vm1 =	vge.f32 v14, $0.0e+00;
	v11 =	vmul.f32 $2.000000030e-01, v14;
	v5 =	vld [tilespmem:s2+$0x310];
	[tilespmem:s28+$0x3510] =	vst v18;
	v8 =	vmul.f32 v8, v3  }
0xb4: {  	v12 =	vsel vm0, v15, v12;
	v3 =	vperm.xlane v10, v0;
	v6 =	vld [tilespmem:s2+$0x4E20];
	v9 =	vadd.f32 $9.999999710e-10, v13;
	[tilespmem:s30+$0x6710] =	vst v7  }
0xb5: {  	v10 =	vsel vm1, v14, v11;
	v12 =	vmul.f32 $1.442695020e+00, v12;
	v11 =	vmul.f32 v18, v17;
	v7 =	vld [tilespmem:s28+$0x6710];
	[tilespmem:s30+$0x6720] =	vst v8;
	s30 =	smov.u32 s28;
	s28 =	smov.u32 s29;
	s29 =	smov.u32 s31  }
0xb6: {  	v10 =	vmul.f32 $1.442695020e+00, v10;
	s31 =	smov.u32 s2;
	(erf) = vrcp.f32 v16;
	v8 =	vld [tilespmem:s30+$0x6720]  }
0xb7: {  	v1 =	vadd.f32 v4, v1  }
0xb8: {  	(erf) = vpow2.f32 v12;
	v47 =	vpop (erf);
	v11 =	vperm.xlane v11, v0  }
0xb9: {  	(erf) = vrcp.f32 v9;
	v48 =	vpop (erf);
	v2 =	vadd.f32 v2, v5;
	v50 =	vmul.f32 $2.000000030e-01, v1  }
0xba: {  	v13 =	vld [tilespmem:s31+$0x4E10];
	(erf) = vpow2.f32 v10;
	v49 =	vpop (erf);
	vm0 =	vge.f32 v1, $0.0e+00  }
0xbb: {  	[tilespmem:s28+$0x3520] =	vst v48;
	v51 =	vpop (erf);
	v7 =	vmul.f32 v7, v11;
	v52 =	vmul.f32 $2.000000030e-01, v2;
	v1 =	vsel vm0, v1, v50  }
0xbc: {  	vm15 =	vge.f32 v2, $0.0e+00;
	[tilespmem:s28+$0x3510] =	vst v51;
	v3 =	vmul.f32 v8, v3;
	v1 =	vmul.f32 $1.442695020e+00, v1  }
0xbd: {  	v6 =	vadd.f32 $9.999999710e-10, v6;
	[tilespmem:s30+$0x6710] =	vst v7;
	v2 =	vsel vm15, v2, v52  }
0xbe: {  	v7 =	vld [tilespmem:s28+$0x6710];
	[tilespmem:s30+$0x6720] =	vst v3;
	v2 =	vmul.f32 $1.442695020e+00, v2  }
0xbf: {  	v54 =	vmul.f32 v51, v49;
	(erf) = vrcp.f32 v6;
	v53 =	vadd.f32 $9.999999710e-10, v13;
	v3 =	vld [tilespmem:s28+$0x6720]  }
0xc0: {  	v4 =	vmul.f32 v48, v47;
	(erf) = vpow2.f32 v1;
	v1 =	vpop (erf)  }
0xc1: {  	v55 =	vperm.xlane v54, v0;
	(erf) = vrcp.f32 v53;
	v56 =	vpop (erf)  }
0xc2: {  	v4 =	vperm.xlane v4, v0;
	(erf) = vpow2.f32 v2;
	v2 =	vpop (erf)  }
0xc3: {  	[tilespmem:s29+$0x3520] =	vst v56;
	v6 =	vmul.f32 v7, v55;
	v57 =	vpop (erf)  }
0xc4: {  	v3 =	vmul.f32 v3, v4;
	[tilespmem:s29+$0x3510] =	vst v57  }
0xc5: {  	[tilespmem:s28+$0x6710] =	vst v6  }
0xc6: {  	v58 =	vld [tilespmem:s29+$0x6710];
	[tilespmem:s28+$0x6720] =	vst v3  }
0xc7: {  	v2 =	vmul.f32 v57, v2;
	v3 =	vld [tilespmem:s29+$0x6720]  }
0xc8: {  	v1 =	vmul.f32 v56, v1;
	v59 =	vpop (erf)  }
0xc9: {  	v2 =	vperm.xlane v2, v0;
	v60 =	vpop (erf)  }
0xca: {  	v1 =	vperm.xlane v1, v0;
	v61 =	vpop (erf)  }
0xcb: {  	[tilespmem:s31+$0x3520] =	vst v60;
	v62 =	vpop (erf);
	v2 =	vmul.f32 v58, v2  }
0xcc: {  	[tilespmem:s31+$0x3510] =	vst v62;
	v1 =	vmul.f32 v3, v1  }
0xcd: {  	[tilespmem:s29+$0x6710] =	vst v2  }
0xce: {  	v2 =	vld [tilespmem:s31+$0x6710];
	[tilespmem:s29+$0x6720] =	vst v1  }
0xcf: {  	v1 =	vmul.f32 v62, v61;
	v3 =	vld [tilespmem:s31+$0x6720]  }
0xd0: {  	v63 =	vmul.f32 v60, v59  }
0xd1: {  	v1 =	vperm.xlane v1, v0  }
0xd2: {  	v4 =	vperm.xlane v63, v0  }
0xd3: {  	v1 =	vmul.f32 v2, v1  }
0xd4: {  	s26 =	sadd.s32 $0x1, s26;
	v2 =	vmul.f32 v3, v4  }
0xd5: {  	p0 =	sne.s32 s26, $0x19;
	[tilespmem:s31+$0x6710] =	vst v1  }
.Ltmp3:
0xd6: {  	[tilespmem:s31+$0x6720] =	vst v2;
	(pc) =	sbr.rel @p0 .LBB2_6-.Ltmp3, $4  }
0xd7: {  	[spmem:s3] =	stream.indirect.scatter.add.f32 [tilespmem:s23], [sflag:$0x1], $0x10, s18, s18, $0xb8;
	[tilespmem:$0xD020] =	vst v63  }
0xd8: {  	_ =	swait.ge [sflag:s17], $0x1900  }
0xd9: {  	[sflag:s17] =	ssyncset.done $0x0  }
0xda: {  	[sflag:s17] =	ssyncadd.s32 $0xFFFFE700  }
0xdb: {  	[bflag:$0x0] =	sbarrier.arrive $0xFFFF;
	s24 =	sadd.s32 $0x1, s24  }
0xdc: {  	[hbm:s14], [sflag:s9] =	dma.local [spmem:s25], $0x500  }
0xdd: {  	p0 =	sne.s32 s24, s15  }
.Ltmp4:
0xde: {  	_ =	swait.ge [sflag:s17], $0x500;
	(pc) =	sbr.rel @p0 .LBB2_1-.Ltmp4, $3  }
0xdf: {  	[sflag:s17] =	ssyncset.done $0x0  }
0xe0: {  	[sflag:s17] =	ssyncadd.s32 $0xFFFFFB00  }
0xe1: {  	[bflag:$0x0] =	sbarrier.arrive $0xFFFF;
	_ =	sdelay $0x1  }
0xe2: {  	_ =	sfence.sel $0x180000  }
0xe3: {  	[bflag:$0x0] =	sbarrier.arrive $0xFFFF  }
0xe4: {  	_ =	strace $0x9000004A  }
0xe5: {  	s0 =	stileid.u32;
	[bflag:$0x2] =	sbarrier.arrive $0xFFFF  }
0xe6: {  	p0 =	sne.s32 s0, $0x0;
	s0 =	rddreg [dreg:$0x3]  }
0xe7: {  	s0 =	sadd.s32 @!p0 $0x100000, s0  }
0xe8: {  	[sflag:s0] =	ssyncadd.tile.s32 @!p0 $0x1;
	_ =	shalt  }
.Lfunc_end2:
_tile_overlayer_lowered:
.L_overlay_start_2:
0xe9: {  	(tag) =	ssettag $0x2  }
0xea: {  	s0 =	rddreg [dreg:$0x0];
	s2 =	stileid.u32  }
0xeb: {  	s1 =	rddreg [dreg:$0x1];
	p0 =	sne.s32 s2, $0x0  }
0xec: {  	s3 =	rddreg [dreg:$0x2];
	[bflag:$0x3] =	sbarrier.arrive $0xFFFF;
	s2 =	simm.s32 @!p0 $0x1C01  }
0xed: {  	[timem:s3], [sflag:s2] =	dma.local @!p0 [hbm:s0], s1  }
0xee: {  	s0 =	simm.s32 @!p0 $0x1  }
0xef: {  	_ =	swait.ge @!p0 [sflag:s0], s1  }
0xf0: {  	s1 =	ssub.s32 @!p0 $0x0, s1;
	[sflag:s0] =	ssyncset.done @!p0 $0x0  }
0xf1: {  	[sflag:s0] =	ssyncadd.s32 @!p0 s1  }
0xf2: {  	[bflag:$0x3] =	sbarrier.arrive $0xFFFF  }
0xf3: {  	_ =	shalt  }

// kernel: kernel.7.cloned.1.call-start
scs
__scs_entry_jumppad:
0x0: {  	(pc) =	sbr.rel $0x88, $3  }
0x1: {  	(tag) =	ssettag $0x0;
	lr =	simm.s32 $0x1  }
0x2: {  	[smem:$0x3F90] =	sst lr;
	_ =	strace $0xD0000000  }
0x3: {  	_ = 	snop  }
0x4: {  	_ = 	snop  }
0x5: {  	_ = 	snop  }
0x6: {  	_ = 	snop  }
0x7: {  	_ = 	snop  }
__scs_overlays_trampoline_lowered:
0x8: {  	[smem:$0x3F9F] =	sst s0  }
0x9: {  	[smem:$0x3FA0] =	sst s1  }
0xa: {  	[smem:$0x3FA1] =	sst s2  }
0xb: {  	[smem:$0x3FA2] =	sst s3  }
0xc: {  	[smem:$0x3FA3] =	sst s4  }
0xd: {  	[smem:$0x3FA4] =	sst s5  }
0xe: {  	[smem:$0x3FA5] =	sst s6  }
0xf: {  	[smem:$0x3FA6] =	sst s7  }
0x10: {  	[smem:$0x3FA7] =	sst s8  }
0x11: {  	[smem:$0x3FA8] =	sst s9;
	s0 =	simm.s32 @!p0 $0x0  }
0x12: {  	s1 =	sld [smem:$0x3F8E];
	s0 =	simm.s32 @p0 $0x1  }
0x13: {  	[smem:$0x3FA9] =	sst s0;
	s0 =	simm.s32 @!p1 $0x0  }
0x14: {  	s2 =	sld [smem:$0x3F8D];
	s0 =	simm.s32 @p1 $0x1  }
0x15: {  	[smem:$0x3FAA] =	sst s0;
	s0 =	simm.s32 @!p2 $0x0  }
0x16: {  	s3 =	sld [smem:$0x3FDB];
	s0 =	simm.s32 @p2 $0x1  }
0x17: {  	s4 =	simm.s32 $0x1BF5;
	[smem:$0x3FAC] =	sst s0  }
0x18: {  	s0 =	sld [smem:$0x3F8F];
	_ =	swait.ge [sflag:s4], $0x0  }
0x19: {  	s7 =	sld [smem:$0x3F90]  }
0x1a: {  	s8 =	sadd.s32 $0xFFFFE003, lr  }
0x1b: {  	s9 =	sadd.s32 $0xFFFFFEF7, lr;
	s5 =	simm.s32 $0xFFFFFFFF;
	p2 =	slt.u32 s8, $0xFFFFF086  }
0x1c: {  	p1 =	slt.u32 s9, $0xF7A;
	s5 =	simm.s32 @!p2 $0x0  }
0x1d: {  	s5 =	simm.s32 @p1 $0x1;
	p0 =	seq.s32 s7, s2  }
0x1e: {  	s7 =	smul.u32 @!p0 $0xF7A, s2;
	p2 =	seq.s32 @!p0 s5, $0x0  }
0x1f: {  	s9 =	smul.u32 $0xF7A, s1;
	s8 =	simm.s32 @!p0 $0x1BF5;
	p2 =	por !p2, p0  }
0x20: {  	[sflag:s8] =	ssyncset.s32 @!p0 $0xFFFFF086;
	s6 =	sadd.s32 @!p0 s3, s7;
	s7 =	simm.s32 @!p0 $0x108  }
0x21: {  	s3 =	sadd.s32 s3, s9;
	s6 =	sadd.s32 @!p0 $0x88, s6;
	s7 =	simm.s32 @p2 $0x1082  }
0x22: {  	[simem:s7], [sflag:s8] =	dma.local @!p0 [hbm:s6], $0xF7A  }
0x23: {  	s9 =	sor.u32 $0xD0000000, s2;
	s6 =	simm.s32 $0x108;
	_ =	swait.ge @!p0 [sflag:s8], $0x0  }
0x24: {  	s3 =	sadd.s32 $0x88, s3;
	s6 =	simm.s32 @!p1 $0x1082;
	[sflag:s4] =	ssyncset.s32 $0xFFFFF086  }
0x25: {  	[simem:s6], [sflag:s4] =	dma.local [hbm:s3], $0xF7A  }
0x26: {  	[smem:$0x3F90] =	sst s1;
	(tag) =	ssettag s2;
	_ =	strace s9  }
0x27: {  	s1 =	sld [smem:$0x3FA0]  }
0x28: {  	s2 =	sld [smem:$0x3FA1]  }
0x29: {  	s4 =	sld [smem:$0x3FA3]  }
0x2a: {  	p0 =	seq.s32 s5, $0x0;
	s5 =	sld [smem:$0x3FA4]  }
0x2b: {  	s6 =	sld [smem:$0x3FA5]  }
0x2c: {  	s7 =	sld [smem:$0x3FA6]  }
0x2d: {  	s3 =	simm.s32 $0x108;
	s8 =	sld [smem:$0x3FA7]  }
0x2e: {  	s3 =	simm.s32 @!p0 $0x1082;
	s9 =	sld [smem:$0x3FA8]  }
0x2f: {  	lr =	sadd.s32 s0, s3;
	s0 =	sld [smem:$0x3F9F]  }
0x30: {  	s3 =	sld [smem:$0x3FA2]  }
0x31: {  	[smem:$0x3FAB] =	sst s10  }
0x32: {  	s10 =	sld [smem:$0x3FA9];
	_ =	sdelay $0x3  }
0x33: {  	p0 =	seq.s32 s10, $0x1;
	s10 =	sld [smem:$0x3FAB];
	_ =	sdelay $0x3  }
0x34: {  	[smem:$0x3FAB] =	sst s10  }
0x35: {  	s10 =	sld [smem:$0x3FAA];
	_ =	sdelay $0x3  }
0x36: {  	p1 =	seq.s32 s10, $0x1;
	s10 =	sld [smem:$0x3FAB];
	_ =	sdelay $0x3  }
0x37: {  	[smem:$0x3FAB] =	sst s10  }
0x38: {  	s10 =	sld [smem:$0x3FAC]  }
0x39: {  	_ = 	snop;
	(pc) =	sbr.ind lr, $3  }
0x3a: {  	_ = 	snop  }
0x3b: {  	_ = 	snop  }
0x3c: {  	p2 =	seq.s32 s10, $0x1;
	s10 =	sld [smem:$0x3FAB]  }
0x3d: {  	_ =	shalt  }
0x3e: {  	_ =	shalt  }
0x3f: {  	_ =	shalt  }
0x40: {  	_ =	shalt  }
0x41: {  	_ =	shalt  }
0x42: {  	_ =	shalt  }
0x43: {  	_ =	shalt  }
0x44: {  	_ =	shalt  }
0x45: {  	_ =	shalt  }
0x46: {  	_ =	shalt  }
0x47: {  	_ =	shalt  }
0x48: {  	_ =	shalt  }
0x49: {  	_ =	shalt  }
0x4a: {  	_ =	shalt  }
0x4b: {  	_ =	shalt  }
0x4c: {  	_ =	shalt  }
0x4d: {  	_ =	shalt  }
0x4e: {  	_ =	shalt  }
0x4f: {  	_ =	shalt  }
0x50: {  	_ =	shalt  }
0x51: {  	_ =	shalt  }
0x52: {  	_ =	shalt  }
0x53: {  	_ =	shalt  }
0x54: {  	_ =	shalt  }
0x55: {  	_ =	shalt  }
0x56: {  	_ =	shalt  }
0x57: {  	_ =	shalt  }
0x58: {  	_ =	shalt  }
0x59: {  	_ =	shalt  }
0x5a: {  	_ =	shalt  }
0x5b: {  	_ =	shalt  }
0x5c: {  	_ =	shalt  }
0x5d: {  	_ =	shalt  }
0x5e: {  	_ =	shalt  }
0x5f: {  	_ =	shalt  }
0x60: {  	_ =	shalt  }
0x61: {  	_ =	shalt  }
0x62: {  	_ =	shalt  }
0x63: {  	_ =	shalt  }
0x64: {  	_ =	shalt  }
0x65: {  	_ =	shalt  }
0x66: {  	_ =	shalt  }
0x67: {  	_ =	shalt  }
0x68: {  	_ =	shalt  }
0x69: {  	_ =	shalt  }
0x6a: {  	_ =	shalt  }
0x6b: {  	_ =	shalt  }
0x6c: {  	_ =	shalt  }
0x6d: {  	_ =	shalt  }
0x6e: {  	_ =	shalt  }
0x6f: {  	_ =	shalt  }
0x70: {  	_ =	shalt  }
0x71: {  	_ =	shalt  }
0x72: {  	_ =	shalt  }
0x73: {  	_ =	shalt  }
0x74: {  	_ =	shalt  }
0x75: {  	_ =	shalt  }
0x76: {  	_ =	shalt  }
0x77: {  	_ =	shalt  }
0x78: {  	_ =	shalt  }
0x79: {  	_ =	shalt  }
0x7a: {  	_ =	shalt  }
0x7b: {  	_ =	shalt  }
0x7c: {  	_ =	shalt  }
0x7d: {  	_ =	shalt  }
0x7e: {  	_ =	shalt  }
0x7f: {  	_ =	shalt  }
0x80: {  	_ =	shalt  }
0x81: {  	_ =	shalt  }
0x82: {  	_ =	shalt  }
0x83: {  	_ =	shalt  }
0x84: {  	_ =	shalt  }
0x85: {  	_ =	shalt  }
0x86: {  	_ =	shalt  }
0x87: {  	_ =	shalt  }
.Lfunc_end0:
.L_simem_size_0:
called_computation_lowered:
.L_overlay_start_0:
0x88: {  	s2 =	sld [smem:$0x3FD9]  }
0x89: {  	s3 =	sld [smem:$0x3FFE];
	_ =	sdelay $0x1  }
0x8a: {  	s1 =	srdreg.scid  }
0x8b: {  	s0 =	sand.u32 $0x1, s1  }
0x8c: {  	s16 =	sshll.u32 s0, $0xA;
	s2 =	sadd.s32 s3, s2  }
0x8d: {  	s2 =	sadd.s32 s2, s16  }
0x8e: {  	[smem:$0x3FB7] =	sst s2  }
0x8f: {  	_ = 	snop  }
0x90: {  	(tm) =	ssettm $0x1  }
0x91: {  	s17 =	sld [smem:$0x3FFB];
	_ =	sdelay $0x3  }
0x92: {  	_ =	strace s17  }
0x93: {  	s2 =	sld [smem:$0x3FFC];
	_ =	sdelay $0x3  }
0x94: {  	_ =	strace s2  }
0x95: {  	s2 =	sld [smem:$0x3FFD];
	_ =	sdelay $0x3  }
0x96: {  	_ =	strace s2  }
0x97: {  	_ =	strace $0x8FFFFFFF  }
0x98: {  	s18 =	sld [smem:$0x3FDB];
	_ =	sdelay $0x1  }
0x99: {  	s19 =	simm.s32 $_scs_section_size  }
0x9a: {  	s4 =	simm.s32 $_size__tile_overlayer_lowered;
	s5 =	simm.s32 $_tile_overlayer_lowered  }
0x9b: {  	s22 =	simm.s32 $0x1BFF;
	s21 =	sshll.u32 s5, $0x1;
	s2 =	sadd.s32 s19, s18  }
0x9c: {  	s6 =	simm.s32 $0x0;
	s20 =	sshll.u32 s4, $0x1;
	s4 =	sadd.s32 s21, s2  }
0x9d: {  	[timem:s6], [sflag:s22] =	dma.local [hbm:s4], s20  }
0x9e: {  	_ =	swait.ge [sflag:s22], s20  }
0x9f: {  	s3 =	ssub.s32 $0x0, s20;
	[sflag:s22] =	ssyncset.done $0x0  }
0xa0: {  	[sflag:s22] =	ssyncadd.s32 s3;
	_ =	sdelay $0x1  }
0xa1: {  	s23 =	simm.s32 $0x1B8B  }
0xa2: {  	_ =	swait.ge [sflag:s23], $0x1  }
0xa3: {  	[sflag:s23] =	ssyncset.done $0x0  }
0xa4: {  	s25 =	simm.s32 $0x1B8E;
	s24 =	sld [smem:$0x3FFE];
	[sflag:s23] =	ssyncadd.s32 $0xFFFFFFFF  }
0xa5: {  	s26 =	simm.s32 $execute0_lowered;
	[smem:$0x3FD2] =	sst s25  }
0xa6: {  	s4 =	sshll.u32 s26, $0x1;
	_ =	strace $0x80000046;
	[dreg:$0x1] =	wrdreg $0xFFFFFFFF  }
0xa7: {  	s28 =	simm.s32 $_size_execute0_lowered;
	s2 =	sadd.s32 s2, s4;
	[dreg:$0x0] =	wrdreg $0x0  }
0xa8: {  	s4 =	sshll.u32 s28, $0x1;
	[dreg:$0x2] =	wrdreg s2  }
0xa9: {  	[dreg:$0x3] =	wrdreg s4  }
0xaa: {  	[dreg:$0x4] =	wrdreg $0xC0  }
0xab: {  	_ =	task [dreg:s6], $0x5FFFF  }
0xac: {  	[dreg:$0x1] =	wrdreg $0xFFFFFFFF  }
0xad: {  	[dreg:$0x0] =	wrdreg $0x60  }
0xae: {  	[dreg:$0x2] =	wrdreg s24  }
0xaf: {  	[dreg:$0x3] =	wrdreg $0xCB200  }
0xb0: {  	[dreg:$0x4] =	wrdreg $0xF3200  }
0xb1: {  	[dreg:$0x5] =	wrdreg $0x9  }
0xb2: {  	_ =	task.clear_ibuf [dreg:s6], $0x6FFFF;
	_ =	strace $0x90000046  }
0xb3: {  	s29 =	simm.s32 $0x9;
	_ =	strace $0x80000048  }
0xb4: {  	_ =	swait.ge [sflag:s29], $0x1  }
0xb5: {  	[sflag:s29] =	ssyncadd.s32 $0xFFFFFFFF  }
0xb6: {  	_ =	strace $0x90000048  }
0xb7: {  	_ =	sfence  }
0xb8: {  	s30 =	sld [smem:$0x0];
	_ =	sdelay $0x2  }
0xb9: {  	s31 =	sshll.u32 s1, $0xD;
	s1 =	sshrl.u32 s1, $0x2  }
0xba: {  	s3 =	sand.u32 $0x4000, s31;
	s1 =	sadd.s32 s1, s30  }
0xbb: {  	s0 =	sor.u32 s3, s0;
	s1 =	sshll.u32 s1, $0x11  }
0xbc: {  	s0 =	sor.u32 s1, s0  }
0xbd: {  	s0 =	sadd.s32 $0x8F2B, s0  }
0xbe: {  	[sflag:s0] =	ssyncadd.remote.s32 $0x1  }
0xbf: {  	_ =	sfence.sel $0xFFFF  }
0xc0: {  	[dreg:$0x0] =	wrdreg $0xFFFFFFFF;
	(pc) =	sbr.abs _section_cstart, $3  }
0xc1: {  	[dreg:$0x1] =	wrdreg $0xFFFFFFFF  }
0xc2: {  	_ =	task.clear_ibuf [dreg:s6], $0x2FFFF;
	_ =	strace $0x9FFFFFFF  }
0xc3: {  	(tm) =	ssettm $0x7FFFFFFF  }
tec
execute0_lowered:
.L_overlay_start_1:
0x0: {  	(tag) =	ssettag $0x1  }
0x1: {  	s0 =	rddreg [dreg:$0x0]  }
0x2: {  	s1 =	rddreg [dreg:$0x1]  }
0x3: {  	s2 =	rddreg [dreg:$0x2];
	s3 =	srdreg.scid  }
0x4: {  	s4 =	simm.s32 $0x0;
	s16 =	stileid.u32;
	s20 =	simm.s32 $0x1  }
0x5: {  	s21 =	simm.s32 $0x190;
	s28 =	simm.s32 $0x0;
	s8 =	smul.u32 $0xA000, s16  }
0x6: {  	s3 =	sand.u32 $0x1, s3;
	[smem:$0x7FF] =	sst s4;
	s9 =	smul.u32 $0x2800, s16  }
0x7: {  	s5 =	sadd.s32 $0x19800, s0;
	s6 =	sadd.s32 $0x14800, s0;
	s7 =	smul.u32 $0x5000, s3  }
0x8: {  	s12 =	sadd.s32 $0xF0800, s0;
	s25 =	sshll.u32 s16, $0x6;
	s26 =	smul.u32 $0x140000, s3  }
0x9: {  	_ =	strace $0x80000047;
	s13 =	ssub.s32 $0x2, s3;
	s3 =	smul.u32 $0x28000, s3  }
0xa: {  	s22 =	sshrl.u32 s8, $0x3;
	s10 =	sshrl.u32 s9, $0x3;
	s23 =	sshrl.u32 s13, $0x1  }
0xb: {  	s19 =	sadd.s32 s9, s1;
	s9 =	sor.u32 $0x1C01, s25;
	s29 =	sadd.s32 s8, s2  }
0xc: {  	s25 =	simm.s32 $0x4E20;
	s11 =	sadd.s32 s7, s0;
	s14 =	sadd.s32 s22, s0  }
0xd: {  	s10 =	sadd.s32 s10, s0;
	s0 =	sadd.s32 $0x37800, s0;
	s15 =	ssub.s32 s13, s23  }
0xe: {  	s7 =	smul.u32 $0x2710, s16;
	[dreg:$0x5] =	wrdreg s29;
	s17 =	sadd.s32 s8, s26  }
0xf: {  	s16 =	sadd.s32 $0xA0000, s26;
	s19 =	sshrl.u32 s19, $0x3;
	s22 =	simm.s32 $0x320  }
0x10: {  	s23 =	simm.s32 $0x1C20;
	s26 =	simm.s32 $0x6720;
	s24 =	sadd.s32 $0x1E800, s10  }
0x11: {  	s10 =	sadd.s32 $0xA800, s11;
	s11 =	sadd.s32 $0x800, s11;
	s13 =	sadd.s32 $0x23800, s14  }
0x12: {  	s14 =	sadd.s32 s12, s3;
	s30 =	sshrl.u32 s17, $0x3;
	s8 =	sadd.s32 s8, s16  }
0x13: {  	s31 =	sshrl.u32 s16, $0x3;
	s18 =	smax.u32 s15, $0x1;
	[dreg:$0x4] =	wrdreg s24  }
0x14: {  	v0 =	vimm.s32 $0x0;
	s3 =	sadd.s32 s0, s30;
	s8 =	sshrl.u32 s8, $0x3;
	s16 =	sadd.s32 s12, s31  }
0x15: {  	v1 =	vimm.s32 $0x1;
	v2 =	vimm.s32 $0x2;
	v3 =	vimm.s32 $0x3;
	s24 =	simm.s32 $0x3520;
	[dreg:$0x6] =	wrdreg s3;
	s17 =	sadd.s32 s0, s8  }
.LBB2_1:
0x16: {  	s0 =	rddreg [dreg:$0x4]  }
0x17: {  	[spmem:s19], [sflag:s9] =	dma.local [hbm:s0], $0x500  }
0x18: {  	_ =	swait.ge [sflag:s20], $0x500  }
0x19: {  	[sflag:s20] =	ssyncset.done $0x0  }
0x1a: {  	[sflag:s20] =	ssyncadd.s32 $0xFFFFFB00  }
0x1b: {  	s29 =	simm.s32 $0x0;
	[bflag:$0x0] =	sbarrier.arrive $0xFFFF  }
.LBB2_2:
0x1c: {  	s0 =	smul.u32 $0x190, s29;
	_ =	sdelay $0x1  }
0x1d: {  	s0 =	sadd.s32 s7, s0  }
0x1e: {  	s0 =	sshrl.u32 s0, $0x3  }
0x1f: {  	s8 =	simm.s32 $0x0;
	s3 =	sadd.s32 s5, s0  }
0x20: {  	[tilespmem:s8], [sflag:$0x1] =	stream.linear.gather [hbm4b:s3+s8], $0x190, $0x38;
	[tilespmem:$0x19320] =	vst v63  }
0x21: {  	_ =	swait.ge [sflag:s20], $0x190  }
0x22: {  	[sflag:s20] =	ssyncset.done $0x0  }
0x23: {  	s0 =	sadd.s32 s6, s0;
	[sflag:s20] =	ssyncadd.s32 $0xFFFFFE70  }
0x24: {  	[tilespmem:s21], [sflag:$0x1] =	stream.linear.gather [hbm4b:s0+s8], $0x190, $0x38;
	[tilespmem:$0x19320] =	vst v63  }
0x25: {  	_ =	swait.ge [sflag:s20], $0x190  }
0x26: {  	[sflag:s20] =	ssyncset.done $0x0  }
0x27: {  	[sflag:s20] =	ssyncadd.s32 $0xFFFFFE70  }
0x28: {  	[tilespmem:s22], [sflag:$0x1] =	stream.indirect.gather [hbm4b:s10+s21], $0x10, s8, s21, $0xb8;
	[tilespmem:$0x19320] =	vst v63  }
0x29: {  	_ =	swait.ge [sflag:s20], $0x1900  }
0x2a: {  	[sflag:s20] =	ssyncset.done $0x0  }
0x2b: {  	[sflag:s20] =	ssyncadd.s32 $0xFFFFE700  }
0x2c: {  	[tilespmem:s23], [sflag:$0x1] =	stream.indirect.gather [hbm4b:s11+s21], $0x10, s21, s21, $0xb8;
	[tilespmem:$0x19320] =	vst v63  }
0x2d: {  	_ =	swait.ge [sflag:s20], $0x1900  }
0x2e: {  	[sflag:s20] =	ssyncset.done $0x0  }
0x2f: {  	s31 =	simm.s32 $0x0;
	[sflag:s20] =	ssyncadd.s32 $0xFFFFE700  }
0x30: {  	v4 =	vld [tilespmem:s31+$0x1C50]  }
0x31: {  	v5 =	vld [tilespmem:s31+$0x1C30]  }
0x32: {  	v6 =	vld [tilespmem:s31+$0x1C40]  }
0x33: {  	v7 =	vld [tilespmem:s31+$0x340]  }
0x34: {  	v8 =	vld [tilespmem:s31+$0x350]  }
0x35: {  	v9 =	vld [tilespmem:s31+$0x330]  }
0x36: {  	v10 =	vld [tilespmem:s31+$0x320]  }
0x37: {  	s30 =	simm.s32 $0x40;
	v11 =	vld [tilespmem:s31+$0x1C20]  }
0x38: {  	v12 =	vld [tilespmem:s30+$0x1C50]  }
0x39: {  	v13 =	vld [tilespmem:s30+$0x1C30]  }
0x3a: {  	v15 =	vld [tilespmem:s30+$0x330]  }
0x3b: {  	v14 =	vld [tilespmem:s30+$0x1C40]  }
0x3c: {  	v17 =	vld [tilespmem:s30+$0x320];
	v6 =	vadd.f32 v6, v7  }
0x3d: {  	v7 =	vld [tilespmem:s30+$0x340]  }
0x3e: {  	s0 =	simm.s32 $0x80;
	v5 =	vadd.f32 v5, v9;
	v9 =	vld [tilespmem:s30+$0x350];
	v4 =	vadd.f32 v4, v8;
	v8 =	vmul.f32 $2.000000030e-01, v6  }
0x3f: {  	v20 =	vld [tilespmem:s0+$0x350];
	v10 =	vadd.f32 v11, v10;
	v13 =	vadd.f32 v13, v15;
	vm0 =	vge.f32 v6, $0.0e+00  }
0x40: {  	v22 =	vld [tilespmem:s0+$0x330];
	v16 =	vmul.f32 $2.000000030e-01, v5;
	v18 =	vmul.f32 $2.000000030e-01, v4;
	v6 =	vsel vm0, v6, v8  }
0x41: {  	v11 =	vld [tilespmem:s0+$0x1C50];
	v21 =	vmul.f32 $2.000000030e-01, v13;
	vm0 =	vge.f32 v5, $0.0e+00;
	v6 =	vmul.f32 $1.442695020e+00, v6  }
0x42: {  	v8 =	vld [tilespmem:s30+$0x1C20];
	v5 =	vsel vm0, v5, v16;
	vm0 =	vge.f32 v4, $0.0e+00;
	v7 =	vadd.f32 v14, v7  }
0x43: {  	v16 =	vld [tilespmem:s0+$0x1C30];
	v9 =	vadd.f32 v12, v9;
	v14 =	vmul.f32 $1.442695020e+00, v5;
	v4 =	vsel vm0, v4, v18  }
0x44: {  	v12 =	vld [tilespmem:s0+$0x1C40];
	vm0 =	vge.f32 v10, $0.0e+00;
	v5 =	vmul.f32 $2.000000030e-01, v10;
	v15 =	vmul.f32 $2.000000030e-01, v7  }
0x45: {  	v18 =	vld [tilespmem:s0+$0x340];
	vm1 =	vge.f32 v7, $0.0e+00;
	v19 =	vmul.f32 $2.000000030e-01, v9;
	v4 =	vmul.f32 $1.442695020e+00, v4  }
0x46: {  	(erf) = vpow2.f32 v6;
	v7 =	vsel vm1, v7, v15;
	vm1 =	vge.f32 v13, $0.0e+00  }
0x47: {  	(erf) = vpow2.f32 v4;
	v4 =	vsel vm0, v10, v5;
	v17 =	vadd.f32 v8, v17  }
0x48: {  	v15 =	vld [tilespmem:s0+$0x320];
	v23 =	vmul.f32 $1.442695020e+00, v7;
	v6 =	vsel vm1, v13, v21;
	vm1 =	vge.f32 v9, $0.0e+00  }
0x49: {  	s3 =	simm.s32 $0xC0;
	v5 =	vld [tilespmem:s0+$0x1C20];
	v10 =	vmul.f32 $1.442695020e+00, v4;
	(erf) = vpow2.f32 v14;
	v7 =	vadd.f32 v11, v20  }
0x4a: {  	v4 =	vld [tilespmem:s3+$0x1C50];
	v20 =	vadd.f32 v16, v22;
	v18 =	vadd.f32 v12, v18;
	v8 =	vmul.f32 $1.442695020e+00, v6  }
0x4b: {  	v11 =	vld [tilespmem:s3+$0x1C40];
	v9 =	vsel vm1, v9, v19;
	v19 =	vmul.f32 $2.000000030e-01, v17;
	(erf) = vpow2.f32 v10  }
0x4c: {  	v6 =	vld [tilespmem:s3+$0x1C30];
	v12 =	vmul.f32 $2.000000030e-01, v7;
	v10 =	vmul.f32 $1.442695020e+00, v9  }
0x4d: {  	v14 =	vld [tilespmem:s3+$0x340];
	vm1 =	vge.f32 v17, $0.0e+00;
	v62 =	vmul.f32 $2.000000030e-01, v20;
	v16 =	vmul.f32 $2.000000030e-01, v18  }
0x4e: {  	v13 =	vld [tilespmem:s3+$0x350];
	vm0 =	vge.f32 v18, $0.0e+00;
	(erf) = vpow2.f32 v23;
	v19 =	vsel vm1, v17, v19  }
0x4f: {  	(erf) = vpow2.f32 v10;
	v9 =	vsel vm0, v18, v16;
	v16 =	vld [tilespmem:s3+$0x330];
	vm0 =	vge.f32 v20, $0.0e+00;
	v63 =	vpop (erf)  }
0x50: {  	s8 =	simm.s32 $0x400;
	v10 =	vld [tilespmem:s3+$0x320];
	v9 =	vmul.f32 $1.442695020e+00, v9;
	v18 =	vsel vm0, v20, v62;
	vm0 =	vge.f32 v7, $0.0e+00;
	[tilespmem:s31+$0x3540] =	vst v63;
	v17 =	vpop (erf)  }
.LBB2_3:
0x51: {  	s12 =	sshra.s32 s8, $0x2;
	p0 =	sne.s32 s8, $0x6300;
	s8 =	sadd.s32 $0x100, s8;
	v20 =	vadd.f32 v5, v15;
	v5 =	vld [tilespmem:s3+$0x1C20];
	v15 =	vmul.f32 $1.442695020e+00, v19;
	(erf) = vpow2.f32 v8;
	v19 =	vmovc v4;
	v21 =	vmovc v6  }
0x52: {  	v8 =	vmul.f32 $1.442695020e+00, v18;
	v18 =	vsel vm0, v7, v12;
	v4 =	vld [tilespmem:s12+$0x1C50];
	v22 =	vadd.f32 v11, v14;
	[tilespmem:s31+$0x3550] =	vst v17;
	v11 =	vpop (erf)  }
0x53: {  	v6 =	vld [tilespmem:s12+$0x1C30];
	v7 =	vadd.f32 v19, v13;
	vm1 =	vge.f32 v20, $0.0e+00;
	v17 =	vmul.f32 $2.000000030e-01, v20;
	[tilespmem:s31+$0x3530] =	vst v11  }
.Ltmp0:
0x54: {  	v11 =	vld [tilespmem:s12+$0x1C40];
	v19 =	vadd.f32 v21, v16;
	v16 =	vmul.f32 $2.000000030e-01, v22;
	(erf) = vpow2.f32 v15;
	(pc) =	sbr.rel @p0 .LBB2_3-.Ltmp0, $4  }
0x55: {  	v18 =	vmul.f32 $1.442695020e+00, v18;
	vm0 =	vge.f32 v22, $0.0e+00;
	v14 =	vld [tilespmem:s12+$0x340];
	v12 =	vmul.f32 $2.000000030e-01, v7;
	v15 =	vpop (erf)  }
0x56: {  	v13 =	vld [tilespmem:s12+$0x350];
	v21 =	vmul.f32 $2.000000030e-01, v19;
	v23 =	vsel vm0, v22, v16;
	(erf) = vpow2.f32 v9;
	[tilespmem:s31+$0x3520] =	vst v15;
	v15 =	vmovc v10;
	s31 =	smov.u32 s30;
	s30 =	smov.u32 s0;
	s0 =	smov.u32 s3  }
0x57: {  	vm0 =	vge.f32 v19, $0.0e+00;
	s3 =	smov.u32 s12;
	v16 =	vld [tilespmem:s12+$0x330];
	v9 =	vmul.f32 $1.442695020e+00, v23;
	(erf) = vpow2.f32 v18;
	v22 =	vpop (erf)  }
0x58: {  	v10 =	vld [tilespmem:s3+$0x320];
	v18 =	vsel vm0, v19, v21;
	vm0 =	vge.f32 v7, $0.0e+00;
	v19 =	vsel vm1, v20, v17;
	[tilespmem:s31+$0x3540] =	vst v22;
	v17 =	vpop (erf)  }
0x59: {  	v5 =	vadd.f32 v5, v15;
	v54 =	vmul.f32 $1.442695020e+00, v19  }
0x5a: {  	(erf) = vpow2.f32 v8;
	v56 =	vmul.f32 $1.442695020e+00, v18;
	v7 =	vsel vm0, v7, v12  }
0x5b: {  	v57 =	vld [tilespmem:s3+$0x1C20];
	v55 =	vadd.f32 v11, v14;
	v7 =	vmul.f32 $1.442695020e+00, v7;
	v4 =	vadd.f32 v4, v13  }
0x5c: {  	vm12 =	vge.f32 v5, $0.0e+00;
	v58 =	vmul.f32 $2.000000030e-01, v5;
	(erf) = vpow2.f32 v54  }
0x5d: {  	v6 =	vadd.f32 v6, v16;
	v59 =	vmul.f32 $2.000000030e-01, v55;
	(erf) = vpow2.f32 v9  }
0x5e: {  	vm1 =	vge.f32 v55, $0.0e+00;
	v60 =	vmul.f32 $2.000000030e-01, v4;
	(erf) = vpow2.f32 v7  }
0x5f: {  	v5 =	vsel vm12, v5, v58;
	vm14 =	vge.f32 v4, $0.0e+00;
	v16 =	vmul.f32 $2.000000030e-01, v6  }
0x60: {  	v8 =	vsel vm1, v55, v59;
	v61 =	vadd.f32 v57, v10;
	v5 =	vmul.f32 $1.442695020e+00, v5  }
0x61: {  	vm13 =	vge.f32 v6, $0.0e+00;
	(erf) = vpow2.f32 v56;
	v8 =	vmul.f32 $1.442695020e+00, v8  }
0x62: {  	v4 =	vsel vm14, v4, v60;
	v6 =	vsel vm13, v6, v16;
	v62 =	vmul.f32 $2.000000030e-01, v61  }
0x63: {  	v63 =	vpop (erf);
	vm15 =	vge.f32 v61, $0.0e+00;
	(erf) = vpow2.f32 v5;
	v4 =	vmul.f32 $1.442695020e+00, v4  }
0x64: {  	[tilespmem:s31+$0x3550] =	vst v17;
	v6 =	vmul.f32 $1.442695020e+00, v6;
	v5 =	vpop (erf);
	(erf) = vpow2.f32 v8;
	v7 =	vsel vm15, v61, v62  }
0x65: {  	[tilespmem:s31+$0x3520] =	vst v5;
	v5 =	vpop (erf);
	(erf) = vpow2.f32 v4;
	v4 =	vmul.f32 $1.442695020e+00, v7  }
0x66: {  	[tilespmem:s31+$0x3530] =	vst v63  }
0x67: {  	[tilespmem:s30+$0x3540] =	vst v5;
	v5 =	vpop (erf);
	(erf) = vpow2.f32 v6  }
0x68: {  	[tilespmem:s30+$0x3550] =	vst v5;
	v5 =	vpop (erf);
	(erf) = vpow2.f32 v4  }
0x69: {  	[tilespmem:s30+$0x3530] =	vst v5;
	v4 =	vpop (erf)  }
0x6a: {  	v5 =	vpop (erf);
	[tilespmem:s30+$0x3520] =	vst v4  }
0x6b: {  	v4 =	vpop (erf);
	[tilespmem:s0+$0x3540] =	vst v5  }
0x6c: {  	[tilespmem:s0+$0x3550] =	vst v4;
	v4 =	vpop (erf)  }
0x6d: {  	[tilespmem:s0+$0x3530] =	vst v4;
	v4 =	vpop (erf)  }
0x6e: {  	[tilespmem:s0+$0x3520] =	vst v4;
	v4 =	vpop (erf)  }
0x6f: {  	[tilespmem:s3+$0x3540] =	vst v4;
	v4 =	vpop (erf)  }
0x70: {  	s29 =	sadd.s32 $0x1, s29;
	[tilespmem:s3+$0x3550] =	vst v4;
	v4 =	vpop (erf)  }
0x71: {  	p0 =	sne.s32 s29, $0x19;
	[tilespmem:s3+$0x3530] =	vst v4;
	v4 =	vpop (erf)  }
.Ltmp1:
0x72: {  	[tilespmem:s3+$0x3520] =	vst v4;
	(pc) =	sbr.rel @p0 .LBB2_2-.Ltmp1, $4  }
0x73: {  	[spmem:s1] =	stream.indirect.scatter.add.f32 [tilespmem:s24], [sflag:$0x1], $0x10, s21, s21, $0xb8;
	[tilespmem:$0x19320] =	vst v63  }
0x74: {  	_ =	swait.ge [sflag:s20], $0x1900  }
0x75: {  	[sflag:s20] =	ssyncset.done $0x0  }
0x76: {  	[sflag:s20] =	ssyncadd.s32 $0xFFFFE700  }
0x77: {  	[bflag:$0x0] =	sbarrier.arrive $0xFFFF  }
0x78: {  	s0 =	rddreg [dreg:$0x5]  }
0x79: {  	s29 =	sshrl.u32 s0, $0x3  }
0x7a: {  	[spmem:s29], [sflag:s9] =	dma.local [hbm:s13], $0x1400  }
0x7b: {  	_ =	swait.ge [sflag:s20], $0x1400  }
0x7c: {  	[sflag:s20] =	ssyncset.done $0x0  }
0x7d: {  	[sflag:s20] =	ssyncadd.s32 $0xFFFFEC00  }
0x7e: {  	s30 =	simm.s32 $0x0;
	[bflag:$0x0] =	sbarrier.arrive $0xFFFF  }
.LBB2_6:
0x7f: {  	s0 =	smul.u32 $0x190, s30;
	_ =	sdelay $0x1  }
0x80: {  	s0 =	sadd.s32 s7, s0  }
0x81: {  	s0 =	sshrl.u32 s0, $0x3  }
0x82: {  	s3 =	sadd.s32 s5, s0  }
0x83: {  	[tilespmem:s4], [sflag:$0x1] =	stream.linear.gather [hbm4b:s3+s4], $0x190, $0x38;
	[tilespmem:$0x19320] =	vst v63  }
0x84: {  	_ =	swait.ge [sflag:s20], $0x190  }
0x85: {  	[sflag:s20] =	ssyncset.done $0x0  }
0x86: {  	s0 =	sadd.s32 s6, s0;
	[sflag:s20] =	ssyncadd.s32 $0xFFFFFE70  }
0x87: {  	[tilespmem:s21], [sflag:$0x1] =	stream.linear.gather [hbm4b:s0+s4], $0x190, $0x38;
	[tilespmem:$0x19320] =	vst v63  }
0x88: {  	_ =	swait.ge [sflag:s20], $0x190  }
0x89: {  	[sflag:s20] =	ssyncset.done $0x0  }
0x8a: {  	[sflag:s20] =	ssyncadd.s32 $0xFFFFFE70  }
0x8b: {  	[tilespmem:s22], [sflag:$0x1] =	stream.indirect.gather [hbm4b:s10+s21], $0x10, s4, s21, $0xb8;
	[tilespmem:$0x19320] =	vst v63  }
0x8c: {  	_ =	swait.ge [sflag:s20], $0x1900  }
0x8d: {  	[sflag:s20] =	ssyncset.done $0x0  }
0x8e: {  	[sflag:s20] =	ssyncadd.s32 $0xFFFFE700  }
0x8f: {  	[tilespmem:s23], [sflag:$0x1] =	stream.indirect.gather [hbm4b:s11+s21], $0x10, s21, s21, $0xb8;
	[tilespmem:$0x19320] =	vst v63  }
0x90: {  	_ =	swait.ge [sflag:s20], $0x1900  }
0x91: {  	[sflag:s20] =	ssyncset.done $0x0  }
0x92: {  	[sflag:s20] =	ssyncadd.s32 $0xFFFFE700  }
0x93: {  	[tilespmem:s25], [sflag:$0x1] =	stream.indirect.gather [spmem:s1], $0x10, s21, s21, $0xb8;
	[tilespmem:$0x19320] =	vst v63  }
0x94: {  	_ =	swait.ge [sflag:s20], $0x1900  }
0x95: {  	[sflag:s20] =	ssyncset.done $0x0  }
0x96: {  	[sflag:s20] =	ssyncadd.s32 $0xFFFFE700  }
0x97: {  	[tilespmem:s26], [sflag:$0x1] =	stream.indirect.gather [hbm4b:s14+s21], $0x40, s4, s21, $0xb8;
	[tilespmem:$0x19320] =	vst v63  }
0x98: {  	_ =	swait.ge [sflag:s20], $0x6400  }
0x99: {  	[sflag:s20] =	ssyncset.done $0x0  }
0x9a: {  	s15 =	simm.s32 $0x10;
	[sflag:s20] =	ssyncadd.s32 $0xFFFF9C00  }
0x9b: {  	v4 =	vld [tilespmem:s15+$0x310]  }
0x9c: {  	v5 =	vld [tilespmem:s15+$0x1C10];
	_ =	sdelay $0x3  }
0x9d: {  	v6 =	vld [tilespmem:s15+$0x4E10]  }
0x9e: {  	v4 =	vadd.f32 v5, v4;
	_ =	sdelay $0x1  }
0x9f: {  	v5 =	vmul.f32 $2.000000030e-01, v4  }
0xa0: {  	vm0 =	vge.f32 v4, $0.0e+00  }
0xa1: {  	v6 =	vadd.f32 $9.999999710e-10, v6;
	v4 =	vsel vm0, v4, v5  }
0xa2: {  	v4 =	vmul.f32 $1.442695020e+00, v4  }
0xa3: {  	(erf) = vrcp.f32 v6  }
0xa4: {  	(erf) = vpow2.f32 v4;
	_ =	sdelay $0x7  }
0xa5: {  	v4 =	vpop (erf)  }
0xa6: {  	v5 =	vpop (erf)  }
0xa7: {  	s3 =	simm.s32 $0x6760;
	[tilespmem:s15+$0x3510] =	vst v5  }
0xa8: {  	v6 =	vld [tilespmem:s3+$0xFFFFFFE0]  }
0xa9: {  	v4 =	vmul.f32 v5, v4;
	v5 =	vld [tilespmem:s3+$0xFFFFFFC0]  }
0xaa: {  	v8 =	vld [tilespmem:s3+$0xFFFFFFD0]  }
0xab: {  	v7 =	vld [tilespmem:s3+$0xFFFFFFF0];
	v9 =	vperm.xlane v4, v1  }
0xac: {  	v4 =	vperm.xlane v4, v0  }
0xad: {  	v6 =	vmul.f32 v6, v9  }
0xae: {  	v5 =	vmul.f32 v5, v4  }
0xaf: {  	v4 =	vmul.f32 v8, v4;
	[tilespmem:s3+$0xFFFFFFE0] =	vst v6  }
0xb0: {  	v6 =	vmul.f32 v7, v9;
	[tilespmem:s3+$0xFFFFFFC0] =	vst v5  }
0xb1: {  	[tilespmem:s3+$0xFFFFFFD0] =	vst v4  }
0xb2: {  	[tilespmem:s3+$0xFFFFFFF0] =	vst v6  }
0xb3: {  	v4 =	vld [tilespmem:s15+$0x320]  }
0xb4: {  	v5 =	vld [tilespmem:s15+$0x1C20];
	_ =	sdelay $0x3  }
0xb5: {  	v6 =	vld [tilespmem:s15+$0x4E20]  }
0xb6: {  	v4 =	vadd.f32 v5, v4;
	_ =	sdelay $0x1  }
0xb7: {  	v5 =	vmul.f32 $2.000000030e-01, v4  }
0xb8: {  	vm15 =	vge.f32 v4, $0.0e+00  }
0xb9: {  	v6 =	vadd.f32 $9.999999710e-10, v6;
	v4 =	vsel vm15, v4, v5  }
0xba: {  	v4 =	vmul.f32 $1.442695020e+00, v4  }
0xbb: {  	(erf) = vrcp.f32 v6  }
0xbc: {  	(erf) = vpow2.f32 v4;
	_ =	sdelay $0x7  }
0xbd: {  	v4 =	vpop (erf)  }
0xbe: {  	v6 =	vpop (erf)  }
0xbf: {  	[tilespmem:s15+$0x3520] =	vst v6  }
0xc0: {  	s8 =	simm.s32 $0x140;
	v5 =	vld [tilespmem:s3+$0x0]  }
0xc1: {  	s12 =	simm.s32 $0x67E0;
	s31 =	simm.s32 $0x67E0;
	s0 =	simm.s32 $0x30;
	v4 =	vmul.f32 v6, v4;
	v6 =	vld [tilespmem:s3+$0x10]  }
.LBB2_7:
0xc2: {  	p0 =	sne.s32 s8, $0x63C0  }
0xc3: {  	s12 =	sadd.s32 $0x80, s12;
	v7 =	vld [tilespmem:s3+$0x20];
	s15 =	smov.u32 s8;
	s8 =	sadd.s32 $0x80, s8  }
0xc4: {  	v8 =	vperm.xlane v4, v0;
	v9 =	vld [tilespmem:s3+$0x30];
	_ =	sdelay $0x1  }
0xc5: {  	v4 =	vperm.xlane v4, v1;
	v5 =	vmul.f32 v5, v8  }
0xc6: {  	v6 =	vmul.f32 v6, v8  }
0xc7: {  	[tilespmem:s3+$0x0] =	vst v5;
	v5 =	vmul.f32 v7, v4  }
0xc8: {  	[tilespmem:s3+$0x10] =	vst v6;
	v4 =	vmul.f32 v9, v4  }
0xc9: {  	[tilespmem:s3+$0x20] =	vst v5  }
0xca: {  	s15 =	sshra.s32 s15, $0x2;
	[tilespmem:s3+$0x30] =	vst v4;
	s3 =	smov.u32 s31;
	s31 =	smov.u32 s12  }
0xcb: {  	v4 =	vld [tilespmem:s0+$0x310]  }
0xcc: {  	v5 =	vld [tilespmem:s0+$0x1C10];
	_ =	sdelay $0x2  }
0xcd: {  	v6 =	vld [tilespmem:s0+$0x4E10];
	_ =	sdelay $0x1  }
0xce: {  	v4 =	vadd.f32 v5, v4;
	_ =	sdelay $0x1  }
0xcf: {  	v5 =	vmul.f32 $2.000000030e-01, v4  }
0xd0: {  	vm0 =	vge.f32 v4, $0.0e+00;
	v6 =	vadd.f32 $9.999999710e-10, v6  }
0xd1: {  	v4 =	vsel vm0, v4, v5  }
0xd2: {  	v4 =	vmul.f32 $1.442695020e+00, v4;
	(erf) = vrcp.f32 v6;
	_ =	sdelay $0x1  }
0xd3: {  	(erf) = vpow2.f32 v4;
	_ =	sdelay $0x6  }
0xd4: {  	v4 =	vpop (erf);
	_ =	sdelay $0x1  }
0xd5: {  	v5 =	vpop (erf)  }
0xd6: {  	[tilespmem:s0+$0x3510] =	vst v5;
	v4 =	vmul.f32 v5, v4  }
0xd7: {  	v5 =	vld [tilespmem:s3+$0xFFFFFFE0]  }
0xd8: {  	v6 =	vld [tilespmem:s3+$0xFFFFFFC0]  }
0xd9: {  	v7 =	vld [tilespmem:s3+$0xFFFFFFF0]  }
0xda: {  	v9 =	vperm.xlane v4, v1;
	v8 =	vld [tilespmem:s3+$0xFFFFFFD0]  }
0xdb: {  	v4 =	vperm.xlane v4, v0  }
0xdc: {  	v5 =	vmul.f32 v5, v9  }
0xdd: {  	v6 =	vmul.f32 v6, v4  }
0xde: {  	[tilespmem:s3+$0xFFFFFFE0] =	vst v5;
	v5 =	vmul.f32 v7, v9  }
0xdf: {  	[tilespmem:s3+$0xFFFFFFC0] =	vst v6;
	v4 =	vmul.f32 v8, v4  }
0xe0: {  	[tilespmem:s3+$0xFFFFFFF0] =	vst v5  }
0xe1: {  	[tilespmem:s3+$0xFFFFFFD0] =	vst v4  }
0xe2: {  	v4 =	vld [tilespmem:s0+$0x320]  }
0xe3: {  	v5 =	vld [tilespmem:s0+$0x1C20]  }
0xe4: {  	v6 =	vld [tilespmem:s0+$0x4E20];
	_ =	sdelay $0x3  }
0xe5: {  	v4 =	vadd.f32 v5, v4  }
0xe6: {  	v5 =	vadd.f32 $9.999999710e-10, v6  }
0xe7: {  	v6 =	vmul.f32 $2.000000030e-01, v4  }
0xe8: {  	vm0 =	vge.f32 v4, $0.0e+00  }
0xe9: {  	v4 =	vsel vm0, v4, v6  }
0xea: {  	v4 =	vmul.f32 $1.442695020e+00, v4  }
0xeb: {  	(erf) = vrcp.f32 v5  }
0xec: {  	(erf) = vpow2.f32 v4;
	_ =	sdelay $0x7  }
.Ltmp2:
0xed: {  	v4 =	vpop (erf);
	(pc) =	sbr.rel @p0 .LBB2_7-.Ltmp2, $4  }
0xee: {  	v5 =	vpop (erf)  }
0xef: {  	[tilespmem:s0+$0x3520] =	vst v5;
	v4 =	vmul.f32 v5, v4;
	s0 =	smov.u32 s15  }
0xf0: {  	v5 =	vld [tilespmem:s3+$0x0]  }
0xf1: {  	v6 =	vld [tilespmem:s3+$0x10]  }
0xf2: {  	v7 =	vld [tilespmem:s3+$0x20]  }
0xf3: {  	v8 =	vperm.xlane v4, v0;
	v9 =	vld [tilespmem:s3+$0x30];
	_ =	sdelay $0x1  }
0xf4: {  	v4 =	vperm.xlane v4, v1;
	v5 =	vmul.f32 v5, v8  }
0xf5: {  	v6 =	vmul.f32 v6, v8  }
0xf6: {  	[tilespmem:s3+$0x0] =	vst v5;
	v5 =	vmul.f32 v7, v4  }
0xf7: {  	v4 =	vmul.f32 v9, v4;
	[tilespmem:s3+$0x10] =	vst v6  }
0xf8: {  	[tilespmem:s3+$0x20] =	vst v5  }
0xf9: {  	[tilespmem:s3+$0x30] =	vst v4  }
0xfa: {  	v4 =	vld [tilespmem:s0+$0x310]  }
0xfb: {  	v5 =	vld [tilespmem:s0+$0x1C10];
	_ =	sdelay $0x3  }
0xfc: {  	v6 =	vld [tilespmem:s0+$0x4E10]  }
0xfd: {  	v4 =	vadd.f32 v5, v4;
	_ =	sdelay $0x1  }
0xfe: {  	v5 =	vmul.f32 $2.000000030e-01, v4  }
0xff: {  	vm0 =	vge.f32 v4, $0.0e+00  }
0x100: {  	v6 =	vadd.f32 $9.999999710e-10, v6;
	v4 =	vsel vm0, v4, v5  }
0x101: {  	v4 =	vmul.f32 $1.442695020e+00, v4  }
0x102: {  	(erf) = vrcp.f32 v6  }
0x103: {  	(erf) = vpow2.f32 v4;
	_ =	sdelay $0x7  }
0x104: {  	v4 =	vpop (erf)  }
0x105: {  	v5 =	vpop (erf)  }
0x106: {  	[tilespmem:s0+$0x3510] =	vst v5  }
0x107: {  	v54 =	vld [tilespmem:s31+$0xFFFFFFE0]  }
0x108: {  	v4 =	vmul.f32 v5, v4;
	v5 =	vld [tilespmem:s31+$0xFFFFFFC0]  }
0x109: {  	v55 =	vld [tilespmem:s31+$0xFFFFFFF0]  }
0x10a: {  	v56 =	vld [tilespmem:s31+$0xFFFFFFD0];
	v57 =	vperm.xlane v4, v1  }
0x10b: {  	v4 =	vperm.xlane v4, v0  }
0x10c: {  	v6 =	vmul.f32 v54, v57  }
0x10d: {  	v5 =	vmul.f32 v5, v4  }
0x10e: {  	v58 =	vmul.f32 v55, v57;
	[tilespmem:s31+$0xFFFFFFE0] =	vst v6  }
0x10f: {  	v4 =	vmul.f32 v56, v4;
	[tilespmem:s31+$0xFFFFFFC0] =	vst v5  }
0x110: {  	[tilespmem:s31+$0xFFFFFFF0] =	vst v58  }
0x111: {  	[tilespmem:s31+$0xFFFFFFD0] =	vst v4  }
0x112: {  	v4 =	vld [tilespmem:s0+$0x320]  }
0x113: {  	v5 =	vld [tilespmem:s0+$0x1C20];
	_ =	sdelay $0x3  }
0x114: {  	v6 =	vld [tilespmem:s0+$0x4E20]  }
0x115: {  	v4 =	vadd.f32 v5, v4;
	_ =	sdelay $0x1  }
0x116: {  	v5 =	vmul.f32 $2.000000030e-01, v4  }
0x117: {  	vm15 =	vge.f32 v4, $0.0e+00  }
0x118: {  	v6 =	vadd.f32 $9.999999710e-10, v6;
	v4 =	vsel vm15, v4, v5  }
0x119: {  	v4 =	vmul.f32 $1.442695020e+00, v4  }
0x11a: {  	(erf) = vrcp.f32 v6  }
0x11b: {  	(erf) = vpow2.f32 v4;
	_ =	sdelay $0x7  }
0x11c: {  	v4 =	vpop (erf)  }
0x11d: {  	v5 =	vpop (erf)  }
0x11e: {  	[tilespmem:s0+$0x3520] =	vst v5  }
0x11f: {  	v59 =	vld [tilespmem:s31+$0x0]  }
0x120: {  	v4 =	vmul.f32 v5, v4;
	v5 =	vld [tilespmem:s31+$0x10]  }
0x121: {  	v60 =	vld [tilespmem:s31+$0x20]  }
0x122: {  	v62 =	vld [tilespmem:s31+$0x30];
	v61 =	vperm.xlane v4, v0;
	_ =	sdelay $0x1  }
0x123: {  	v4 =	vperm.xlane v4, v1;
	v6 =	vmul.f32 v59, v61  }
0x124: {  	v5 =	vmul.f32 v5, v61  }
0x125: {  	v63 =	vmul.f32 v60, v4;
	[tilespmem:s31+$0x0] =	vst v6  }
0x126: {  	s30 =	sadd.s32 $0x1, s30;
	v4 =	vmul.f32 v62, v4;
	[tilespmem:s31+$0x10] =	vst v5  }
0x127: {  	p0 =	sne.s32 s30, $0x19;
	[tilespmem:s31+$0x20] =	vst v63  }
.Ltmp3:
0x128: {  	[tilespmem:s31+$0x30] =	vst v4;
	(pc) =	sbr.rel @p0 .LBB2_6-.Ltmp3, $4  }
0x129: {  	[spmem:s2] =	stream.indirect.scatter.add.f32 [tilespmem:s26], [sflag:$0x1], $0x40, s21, s21, $0xb8;
	[tilespmem:$0x19320] =	vst v63  }
0x12a: {  	_ =	swait.ge [sflag:s20], $0x6400  }
0x12b: {  	[sflag:s20] =	ssyncset.done $0x0  }
0x12c: {  	[sflag:s20] =	ssyncadd.s32 $0xFFFF9C00  }
0x12d: {  	[bflag:$0x0] =	sbarrier.arrive $0xFFFF  }
0x12e: {  	s0 =	rddreg [dreg:$0x6]  }
0x12f: {  	[hbm:s0], [sflag:s9] =	dma.local [spmem:s29], $0x1400  }
0x130: {  	_ =	swait.ge [sflag:s20], $0x1400  }
0x131: {  	[sflag:s20] =	ssyncset.done $0x0  }
0x132: {  	[sflag:s20] =	ssyncadd.s32 $0xFFFFEC00  }
0x133: {  	[bflag:$0x0] =	sbarrier.arrive $0xFFFF  }
0x134: {  	[spmem:s29], [sflag:s9] =	dma.local [hbm:s13], $0x1400  }
0x135: {  	_ =	swait.ge [sflag:s20], $0x1400  }
0x136: {  	[sflag:s20] =	ssyncset.done $0x0  }
0x137: {  	[sflag:s20] =	ssyncadd.s32 $0xFFFFEC00  }
0x138: {  	s30 =	simm.s32 $0x0;
	[bflag:$0x0] =	sbarrier.arrive $0xFFFF  }
.LBB2_10:
0x139: {  	s0 =	smul.u32 $0x190, s30;
	_ =	sdelay $0x1  }
0x13a: {  	s0 =	sadd.s32 s7, s0  }
0x13b: {  	s0 =	sshrl.u32 s0, $0x3  }
0x13c: {  	s3 =	sadd.s32 s5, s0  }
0x13d: {  	[tilespmem:s4], [sflag:$0x1] =	stream.linear.gather [hbm4b:s3+s4], $0x190, $0x38;
	[tilespmem:$0x19320] =	vst v63  }
0x13e: {  	_ =	swait.ge [sflag:s20], $0x190  }
0x13f: {  	[sflag:s20] =	ssyncset.done $0x0  }
0x140: {  	s0 =	sadd.s32 s6, s0;
	[sflag:s20] =	ssyncadd.s32 $0xFFFFFE70  }
0x141: {  	[tilespmem:s21], [sflag:$0x1] =	stream.linear.gather [hbm4b:s0+s4], $0x190, $0x38;
	[tilespmem:$0x19320] =	vst v63  }
0x142: {  	_ =	swait.ge [sflag:s20], $0x190  }
0x143: {  	[sflag:s20] =	ssyncset.done $0x0  }
0x144: {  	[sflag:s20] =	ssyncadd.s32 $0xFFFFFE70  }
0x145: {  	[tilespmem:s22], [sflag:$0x1] =	stream.indirect.gather [hbm4b:s10+s21], $0x10, s4, s21, $0xb8;
	[tilespmem:$0x19320] =	vst v63  }
0x146: {  	_ =	swait.ge [sflag:s20], $0x1900  }
0x147: {  	[sflag:s20] =	ssyncset.done $0x0  }
0x148: {  	[sflag:s20] =	ssyncadd.s32 $0xFFFFE700  }
0x149: {  	[tilespmem:s23], [sflag:$0x1] =	stream.indirect.gather [hbm4b:s11+s21], $0x10, s21, s21, $0xb8;
	[tilespmem:$0x19320] =	vst v63  }
0x14a: {  	_ =	swait.ge [sflag:s20], $0x1900  }
0x14b: {  	[sflag:s20] =	ssyncset.done $0x0  }
0x14c: {  	[sflag:s20] =	ssyncadd.s32 $0xFFFFE700  }
0x14d: {  	[tilespmem:s25], [sflag:$0x1] =	stream.indirect.gather [spmem:s1], $0x10, s21, s21, $0xb8;
	[tilespmem:$0x19320] =	vst v63  }
0x14e: {  	_ =	swait.ge [sflag:s20], $0x1900  }
0x14f: {  	[sflag:s20] =	ssyncset.done $0x0  }
0x150: {  	[sflag:s20] =	ssyncadd.s32 $0xFFFFE700  }
0x151: {  	[tilespmem:s26], [sflag:$0x1] =	stream.indirect.gather [hbm4b:s16+s21], $0x40, s4, s21, $0xb8;
	[tilespmem:$0x19320] =	vst v63  }
0x152: {  	_ =	swait.ge [sflag:s20], $0x6400  }
0x153: {  	[sflag:s20] =	ssyncset.done $0x0  }
0x154: {  	s15 =	simm.s32 $0x10;
	[sflag:s20] =	ssyncadd.s32 $0xFFFF9C00  }
0x155: {  	v4 =	vld [tilespmem:s15+$0x310]  }
0x156: {  	v5 =	vld [tilespmem:s15+$0x1C10];
	_ =	sdelay $0x3  }
0x157: {  	v6 =	vld [tilespmem:s15+$0x4E10]  }
0x158: {  	v4 =	vadd.f32 v5, v4;
	_ =	sdelay $0x1  }
0x159: {  	v5 =	vmul.f32 $2.000000030e-01, v4  }
0x15a: {  	vm0 =	vge.f32 v4, $0.0e+00  }
0x15b: {  	v6 =	vadd.f32 $9.999999710e-10, v6;
	v4 =	vsel vm0, v4, v5  }
0x15c: {  	v4 =	vmul.f32 $1.442695020e+00, v4  }
0x15d: {  	(erf) = vrcp.f32 v6  }
0x15e: {  	(erf) = vpow2.f32 v4;
	_ =	sdelay $0x7  }
0x15f: {  	v4 =	vpop (erf)  }
0x160: {  	v5 =	vpop (erf)  }
0x161: {  	s3 =	simm.s32 $0x6760;
	[tilespmem:s15+$0x3510] =	vst v5  }
0x162: {  	v6 =	vld [tilespmem:s3+$0xFFFFFFE0]  }
0x163: {  	v4 =	vmul.f32 v5, v4;
	v5 =	vld [tilespmem:s3+$0xFFFFFFC0]  }
0x164: {  	v8 =	vld [tilespmem:s3+$0xFFFFFFD0]  }
0x165: {  	v7 =	vld [tilespmem:s3+$0xFFFFFFF0];
	v9 =	vperm.xlane v4, v3  }
0x166: {  	v4 =	vperm.xlane v4, v2  }
0x167: {  	v6 =	vmul.f32 v6, v9  }
0x168: {  	v5 =	vmul.f32 v5, v4  }
0x169: {  	v4 =	vmul.f32 v8, v4;
	[tilespmem:s3+$0xFFFFFFE0] =	vst v6  }
0x16a: {  	v6 =	vmul.f32 v7, v9;
	[tilespmem:s3+$0xFFFFFFC0] =	vst v5  }
0x16b: {  	[tilespmem:s3+$0xFFFFFFD0] =	vst v4  }
0x16c: {  	[tilespmem:s3+$0xFFFFFFF0] =	vst v6  }
0x16d: {  	v4 =	vld [tilespmem:s15+$0x320]  }
0x16e: {  	v5 =	vld [tilespmem:s15+$0x1C20];
	_ =	sdelay $0x3  }
0x16f: {  	v6 =	vld [tilespmem:s15+$0x4E20]  }
0x170: {  	v4 =	vadd.f32 v5, v4;
	_ =	sdelay $0x1  }
0x171: {  	v5 =	vmul.f32 $2.000000030e-01, v4  }
0x172: {  	vm15 =	vge.f32 v4, $0.0e+00  }
0x173: {  	v6 =	vadd.f32 $9.999999710e-10, v6;
	v4 =	vsel vm15, v4, v5  }
0x174: {  	v4 =	vmul.f32 $1.442695020e+00, v4  }
0x175: {  	(erf) = vrcp.f32 v6  }
0x176: {  	(erf) = vpow2.f32 v4;
	_ =	sdelay $0x7  }
0x177: {  	v4 =	vpop (erf)  }
0x178: {  	v6 =	vpop (erf)  }
0x179: {  	[tilespmem:s15+$0x3520] =	vst v6  }
0x17a: {  	s8 =	simm.s32 $0x140;
	v5 =	vld [tilespmem:s3+$0x0]  }
0x17b: {  	s12 =	simm.s32 $0x67E0;
	s31 =	simm.s32 $0x67E0;
	s0 =	simm.s32 $0x30;
	v4 =	vmul.f32 v6, v4;
	v6 =	vld [tilespmem:s3+$0x10]  }
.LBB2_11:
0x17c: {  	p0 =	sne.s32 s8, $0x63C0  }
0x17d: {  	s12 =	sadd.s32 $0x80, s12;
	v7 =	vld [tilespmem:s3+$0x20];
	s15 =	smov.u32 s8;
	s8 =	sadd.s32 $0x80, s8  }
0x17e: {  	v8 =	vperm.xlane v4, v2;
	v9 =	vld [tilespmem:s3+$0x30];
	_ =	sdelay $0x1  }
0x17f: {  	v4 =	vperm.xlane v4, v3;
	v5 =	vmul.f32 v5, v8  }
0x180: {  	v6 =	vmul.f32 v6, v8  }
0x181: {  	[tilespmem:s3+$0x0] =	vst v5;
	v5 =	vmul.f32 v7, v4  }
0x182: {  	[tilespmem:s3+$0x10] =	vst v6;
	v4 =	vmul.f32 v9, v4  }
0x183: {  	[tilespmem:s3+$0x20] =	vst v5  }
0x184: {  	s15 =	sshra.s32 s15, $0x2;
	[tilespmem:s3+$0x30] =	vst v4;
	s3 =	smov.u32 s31;
	s31 =	smov.u32 s12  }
0x185: {  	v4 =	vld [tilespmem:s0+$0x310]  }
0x186: {  	v5 =	vld [tilespmem:s0+$0x1C10];
	_ =	sdelay $0x2  }
0x187: {  	v6 =	vld [tilespmem:s0+$0x4E10];
	_ =	sdelay $0x1  }
0x188: {  	v4 =	vadd.f32 v5, v4;
	_ =	sdelay $0x1  }
0x189: {  	v5 =	vmul.f32 $2.000000030e-01, v4  }
0x18a: {  	vm0 =	vge.f32 v4, $0.0e+00;
	v6 =	vadd.f32 $9.999999710e-10, v6  }
0x18b: {  	v4 =	vsel vm0, v4, v5  }
0x18c: {  	v4 =	vmul.f32 $1.442695020e+00, v4;
	(erf) = vrcp.f32 v6;
	_ =	sdelay $0x1  }
0x18d: {  	(erf) = vpow2.f32 v4;
	_ =	sdelay $0x6  }
0x18e: {  	v4 =	vpop (erf);
	_ =	sdelay $0x1  }
0x18f: {  	v5 =	vpop (erf)  }
0x190: {  	[tilespmem:s0+$0x3510] =	vst v5;
	v4 =	vmul.f32 v5, v4  }
0x191: {  	v5 =	vld [tilespmem:s3+$0xFFFFFFE0]  }
0x192: {  	v6 =	vld [tilespmem:s3+$0xFFFFFFC0]  }
0x193: {  	v7 =	vld [tilespmem:s3+$0xFFFFFFF0]  }
0x194: {  	v9 =	vperm.xlane v4, v3;
	v8 =	vld [tilespmem:s3+$0xFFFFFFD0]  }
0x195: {  	v4 =	vperm.xlane v4, v2  }
0x196: {  	v5 =	vmul.f32 v5, v9  }
0x197: {  	v6 =	vmul.f32 v6, v4  }
0x198: {  	[tilespmem:s3+$0xFFFFFFE0] =	vst v5;
	v5 =	vmul.f32 v7, v9  }
0x199: {  	[tilespmem:s3+$0xFFFFFFC0] =	vst v6;
	v4 =	vmul.f32 v8, v4  }
0x19a: {  	[tilespmem:s3+$0xFFFFFFF0] =	vst v5  }
0x19b: {  	[tilespmem:s3+$0xFFFFFFD0] =	vst v4  }
0x19c: {  	v4 =	vld [tilespmem:s0+$0x320]  }
0x19d: {  	v5 =	vld [tilespmem:s0+$0x1C20]  }
0x19e: {  	v6 =	vld [tilespmem:s0+$0x4E20];
	_ =	sdelay $0x3  }
0x19f: {  	v4 =	vadd.f32 v5, v4  }
0x1a0: {  	v5 =	vadd.f32 $9.999999710e-10, v6  }
0x1a1: {  	v6 =	vmul.f32 $2.000000030e-01, v4  }
0x1a2: {  	vm0 =	vge.f32 v4, $0.0e+00  }
0x1a3: {  	v4 =	vsel vm0, v4, v6  }
0x1a4: {  	v4 =	vmul.f32 $1.442695020e+00, v4  }
0x1a5: {  	(erf) = vrcp.f32 v5  }
0x1a6: {  	(erf) = vpow2.f32 v4;
	_ =	sdelay $0x7  }
.Ltmp4:
0x1a7: {  	v4 =	vpop (erf);
	(pc) =	sbr.rel @p0 .LBB2_11-.Ltmp4, $4  }
0x1a8: {  	v5 =	vpop (erf)  }
0x1a9: {  	[tilespmem:s0+$0x3520] =	vst v5;
	v4 =	vmul.f32 v5, v4;
	s0 =	smov.u32 s15  }
0x1aa: {  	v5 =	vld [tilespmem:s3+$0x0]  }
0x1ab: {  	v6 =	vld [tilespmem:s3+$0x10]  }
0x1ac: {  	v7 =	vld [tilespmem:s3+$0x20]  }
0x1ad: {  	v8 =	vperm.xlane v4, v2;
	v9 =	vld [tilespmem:s3+$0x30];
	_ =	sdelay $0x1  }
0x1ae: {  	v4 =	vperm.xlane v4, v3;
	v5 =	vmul.f32 v5, v8  }
0x1af: {  	v6 =	vmul.f32 v6, v8  }
0x1b0: {  	[tilespmem:s3+$0x0] =	vst v5;
	v5 =	vmul.f32 v7, v4  }
0x1b1: {  	v4 =	vmul.f32 v9, v4;
	[tilespmem:s3+$0x10] =	vst v6  }
0x1b2: {  	[tilespmem:s3+$0x20] =	vst v5  }
0x1b3: {  	[tilespmem:s3+$0x30] =	vst v4  }
0x1b4: {  	v4 =	vld [tilespmem:s0+$0x310]  }
0x1b5: {  	v5 =	vld [tilespmem:s0+$0x1C10];
	_ =	sdelay $0x3  }
0x1b6: {  	v6 =	vld [tilespmem:s0+$0x4E10]  }
0x1b7: {  	v4 =	vadd.f32 v5, v4;
	_ =	sdelay $0x1  }
0x1b8: {  	v5 =	vmul.f32 $2.000000030e-01, v4  }
0x1b9: {  	vm0 =	vge.f32 v4, $0.0e+00  }
0x1ba: {  	v6 =	vadd.f32 $9.999999710e-10, v6;
	v4 =	vsel vm0, v4, v5  }
0x1bb: {  	v4 =	vmul.f32 $1.442695020e+00, v4  }
0x1bc: {  	(erf) = vrcp.f32 v6  }
0x1bd: {  	(erf) = vpow2.f32 v4;
	_ =	sdelay $0x7  }
0x1be: {  	v4 =	vpop (erf)  }
0x1bf: {  	v5 =	vpop (erf)  }
0x1c0: {  	[tilespmem:s0+$0x3510] =	vst v5  }
0x1c1: {  	v54 =	vld [tilespmem:s31+$0xFFFFFFE0]  }
0x1c2: {  	v4 =	vmul.f32 v5, v4;
	v5 =	vld [tilespmem:s31+$0xFFFFFFC0]  }
0x1c3: {  	v55 =	vld [tilespmem:s31+$0xFFFFFFF0]  }
0x1c4: {  	v56 =	vld [tilespmem:s31+$0xFFFFFFD0];
	v57 =	vperm.xlane v4, v3  }
0x1c5: {  	v4 =	vperm.xlane v4, v2  }
0x1c6: {  	v6 =	vmul.f32 v54, v57  }
0x1c7: {  	v5 =	vmul.f32 v5, v4  }
0x1c8: {  	v58 =	vmul.f32 v55, v57;
	[tilespmem:s31+$0xFFFFFFE0] =	vst v6  }
0x1c9: {  	v4 =	vmul.f32 v56, v4;
	[tilespmem:s31+$0xFFFFFFC0] =	vst v5  }
0x1ca: {  	[tilespmem:s31+$0xFFFFFFF0] =	vst v58  }
0x1cb: {  	[tilespmem:s31+$0xFFFFFFD0] =	vst v4  }
0x1cc: {  	v4 =	vld [tilespmem:s0+$0x320]  }
0x1cd: {  	v5 =	vld [tilespmem:s0+$0x1C20];
	_ =	sdelay $0x3  }
0x1ce: {  	v6 =	vld [tilespmem:s0+$0x4E20]  }
0x1cf: {  	v4 =	vadd.f32 v5, v4;
	_ =	sdelay $0x1  }
0x1d0: {  	v5 =	vmul.f32 $2.000000030e-01, v4  }
0x1d1: {  	vm15 =	vge.f32 v4, $0.0e+00  }
0x1d2: {  	v6 =	vadd.f32 $9.999999710e-10, v6;
	v4 =	vsel vm15, v4, v5  }
0x1d3: {  	v4 =	vmul.f32 $1.442695020e+00, v4  }
0x1d4: {  	(erf) = vrcp.f32 v6  }
0x1d5: {  	(erf) = vpow2.f32 v4;
	_ =	sdelay $0x7  }
0x1d6: {  	v4 =	vpop (erf)  }
0x1d7: {  	v5 =	vpop (erf)  }
0x1d8: {  	[tilespmem:s0+$0x3520] =	vst v5  }
0x1d9: {  	v59 =	vld [tilespmem:s31+$0x0]  }
0x1da: {  	v4 =	vmul.f32 v5, v4;
	v5 =	vld [tilespmem:s31+$0x10]  }
0x1db: {  	v60 =	vld [tilespmem:s31+$0x20]  }
0x1dc: {  	v62 =	vld [tilespmem:s31+$0x30];
	v61 =	vperm.xlane v4, v2;
	_ =	sdelay $0x1  }
0x1dd: {  	v4 =	vperm.xlane v4, v3;
	v6 =	vmul.f32 v59, v61  }
0x1de: {  	v5 =	vmul.f32 v5, v61  }
0x1df: {  	v63 =	vmul.f32 v60, v4;
	[tilespmem:s31+$0x0] =	vst v6  }
0x1e0: {  	s30 =	sadd.s32 $0x1, s30;
	v4 =	vmul.f32 v62, v4;
	[tilespmem:s31+$0x10] =	vst v5  }
0x1e1: {  	p0 =	sne.s32 s30, $0x19;
	[tilespmem:s31+$0x20] =	vst v63  }
.Ltmp5:
0x1e2: {  	[tilespmem:s31+$0x30] =	vst v4;
	(pc) =	sbr.rel @p0 .LBB2_10-.Ltmp5, $4  }
0x1e3: {  	[spmem:s2] =	stream.indirect.scatter.add.f32 [tilespmem:s26], [sflag:$0x1], $0x40, s21, s21, $0xb8;
	[tilespmem:$0x19320] =	vst v63  }
0x1e4: {  	_ =	swait.ge [sflag:s20], $0x6400  }
0x1e5: {  	[sflag:s20] =	ssyncset.done $0x0  }
0x1e6: {  	[sflag:s20] =	ssyncadd.s32 $0xFFFF9C00  }
0x1e7: {  	[bflag:$0x0] =	sbarrier.arrive $0xFFFF;
	s28 =	sadd.s32 $0x1, s28  }
0x1e8: {  	[hbm:s17], [sflag:s9] =	dma.local [spmem:s29], $0x1400  }
0x1e9: {  	p0 =	sne.s32 s28, s18  }
.Ltmp6:
0x1ea: {  	_ =	swait.ge [sflag:s20], $0x1400;
	(pc) =	sbr.rel @p0 .LBB2_1-.Ltmp6, $3  }
0x1eb: {  	[sflag:s20] =	ssyncset.done $0x0  }
0x1ec: {  	[sflag:s20] =	ssyncadd.s32 $0xFFFFEC00  }
0x1ed: {  	[bflag:$0x0] =	sbarrier.arrive $0xFFFF;
	_ =	sdelay $0x1  }
0x1ee: {  	_ =	sfence.sel $0x180000  }
0x1ef: {  	[bflag:$0x0] =	sbarrier.arrive $0xFFFF  }
0x1f0: {  	_ =	strace $0x90000047  }
0x1f1: {  	s0 =	stileid.u32;
	[bflag:$0x2] =	sbarrier.arrive $0xFFFF  }
0x1f2: {  	p0 =	sne.s32 s0, $0x0;
	s0 =	rddreg [dreg:$0x3]  }
0x1f3: {  	s0 =	sadd.s32 @!p0 $0x100000, s0  }
0x1f4: {  	[sflag:s0] =	ssyncadd.tile.s32 @!p0 $0x1;
	_ =	shalt  }
.Lfunc_end2:
_tile_overlayer_lowered:
.L_overlay_start_2:
0x1f5: {  	(tag) =	ssettag $0x2  }
0x1f6: {  	s0 =	rddreg [dreg:$0x0];
	s2 =	stileid.u32  }
0x1f7: {  	s1 =	rddreg [dreg:$0x1];
	p0 =	sne.s32 s2, $0x0  }
0x1f8: {  	s3 =	rddreg [dreg:$0x2];
	[bflag:$0x3] =	sbarrier.arrive $0xFFFF;
	s2 =	simm.s32 @!p0 $0x1C01  }
0x1f9: {  	[timem:s3], [sflag:s2] =	dma.local @!p0 [hbm:s0], s1  }
0x1fa: {  	s0 =	simm.s32 @!p0 $0x1  }
0x1fb: {  	_ =	swait.ge @!p0 [sflag:s0], s1  }
0x1fc: {  	s1 =	ssub.s32 @!p0 $0x0, s1;
	[sflag:s0] =	ssyncset.done @!p0 $0x0  }
0x1fd: {  	[sflag:s0] =	ssyncadd.s32 @!p0 s1  }
0x1fe: {  	[bflag:$0x3] =	sbarrier.arrive $0xFFFF  }
0x1ff: {  	_ =	shalt  }

</sc_bundles>
